<compile_context>
chip_gen: v7x
topology: tpu7x:2x2x1
jax: 0.10.2.dev20260603
libtpu: 0.0.44.dev20260713+nightly
codegen_flags: <defaults>
</compile_context>

<pallas_src>
import jax
import jax.numpy as jnp
from jax import lax
from jax.experimental import pallas as pl
from jax.experimental.pallas import tpu as pltpu
from jax.experimental.pallas import tpu_sc as plsc

_NCORES = 2
_NSUB = 16
_NWORKERS = _NCORES * _NSUB
_NSLOTS = 10
_LOOKAHEAD = 8


def kernel(indices, table):
    batch, seq = indices.shape
    num_rows, dim = table.shape
    per_worker = batch // _NWORKERS
    idx32 = indices.astype(jnp.int32)

    mesh = plsc.VectorSubcoreMesh(core_axis_name="c", subcore_axis_name="s")

    sem_types = [pltpu.SemaphoreType.DMA] * (2 * _NSLOTS)

    @pl.kernel(
        out_type=jax.ShapeDtypeStruct((batch, seq, dim), table.dtype),
        mesh=mesh,
        scratch_types=[
            pltpu.VMEM((per_worker, seq), jnp.int32),
            pltpu.VMEM((_NSLOTS, seq, dim), table.dtype),
        ] + sem_types,
    )
    def gather_kernel(table_hbm, idx_hbm, out_hbm, idx_v, rows_v, *sems):
        g_sems = sems[:_NSLOTS]
        s_sems = sems[_NSLOTS:]
        wid = lax.axis_index("s") * _NCORES + lax.axis_index("c")
        base = wid * per_worker

        pltpu.sync_copy(idx_hbm.at[pl.ds(base, per_worker)], idx_v)

        def fire(c, slot):
            pltpu.async_copy(
                table_hbm.at[idx_v.at[c]], rows_v.at[slot], g_sems[slot])

        def wait_gather(slot):
            pltpu.make_async_copy(
                table_hbm.at[idx_v.at[0]],
                rows_v.at[slot], g_sems[slot]).wait()

        def store(c, slot):
            pltpu.async_copy(
                rows_v.at[slot], out_hbm.at[base + c], s_sems[slot])

        def wait_store(slot):
            pltpu.make_async_copy(
                rows_v.at[slot], out_hbm.at[base], s_sems[slot]).wait()

        for c in range(_LOOKAHEAD):
            fire(c, c % _NSLOTS)

        def chunk_body(c, slot, fire_next, wait_prev_store):
            wait_gather(slot)
            store(c, slot)
            if fire_next:
                nxt_slot = (slot + _LOOKAHEAD) % _NSLOTS
                if wait_prev_store:
                    wait_store(nxt_slot)
                fire(c + _LOOKAHEAD, nxt_slot)

        chunk_body(0, 0, True, False)
        chunk_body(1, 1, True, False)

        steady = ((per_worker - _LOOKAHEAD - 2) // _NSLOTS) * _NSLOTS

        @pl.loop(2, 2 + steady, step=_NSLOTS)
        def _(c0):
            for j in range(_NSLOTS):
                chunk_body(c0 + j, (2 + j) % _NSLOTS, True, True)

        c = 2 + steady
        while c + _LOOKAHEAD < per_worker:
            chunk_body(c, c % _NSLOTS, True, True)
            c += 1
        while c < per_worker:
            chunk_body(c, c % _NSLOTS, False, False)
            c += 1

        for s in range(_NSLOTS):
            wait_store(s)

    return gather_kernel(table, idx32)

# --- scband reference (transcript-rebuilt; emitter-appended) ---
"""Pipeline reference for scband-embeddings-25933012533628 (READ-ONLY COPY).

The authoritative reference and input builder live on the scoring server;
editing this copy changes nothing except your own understanding.
"""

import jax, jax.numpy as jnp
import numpy as np

NUM_EMBEDDINGS = 100000
EMBEDDING_DIM = 128


def setup_inputs(seed: int = 0) -> dict:
    key = jax.random.key(seed)
    k_idx, k_tab = jax.random.split(key)
    indices = jax.random.randint(k_idx, (4096, 50), 0, NUM_EMBEDDINGS, dtype=jnp.int64 if jax.config.jax_enable_x64 else jnp.int32)
    table = jax.random.normal(k_tab, (NUM_EMBEDDINGS, EMBEDDING_DIM), dtype=jnp.float32)
    return {"indices": indices, "table": table}


def reference(indices, table):
    # nn.Embedding forward: gather rows of the weight table by index.
    return jnp.take(table, indices, axis=0)

if __name__ == "__main__":
    import jax
    _d = setup_inputs()
    print(jax.jit(kernel)(*tuple(_d.values())))

</pallas_src>

<mosaic_0001>
#map = affine_map<(d0, d1) -> (0, 0)>
#map1 = affine_map<(d0, d1) -> (0, 0, 0)>
module attributes {stable_mosaic.version = 14 : i64} {
  func.func @gather_kernel(%arg0: i32, %arg1: i32, %arg2: memref<100000x128xf32, #tpu.memory_space<hbm>>, %arg3: memref<4096x50xi32, #tpu.memory_space<hbm>>, %arg4: memref<4096x50x128xf32, #tpu.memory_space<hbm>>, %arg5: memref<128x50xi32, #tpu.memory_space<vmem>>, %arg6: memref<10x50x128xf32, #tpu.memory_space<vmem>>, %arg7: memref<!tpu.dma_semaphore, #tpu.memory_space<semaphore_mem>>, %arg8: memref<!tpu.dma_semaphore, #tpu.memory_space<semaphore_mem>>, %arg9: memref<!tpu.dma_semaphore, #tpu.memory_space<semaphore_mem>>, %arg10: memref<!tpu.dma_semaphore, #tpu.memory_space<semaphore_mem>>, %arg11: memref<!tpu.dma_semaphore, #tpu.memory_space<semaphore_mem>>, %arg12: memref<!tpu.dma_semaphore, #tpu.memory_space<semaphore_mem>>, %arg13: memref<!tpu.dma_semaphore, #tpu.memory_space<semaphore_mem>>, %arg14: memref<!tpu.dma_semaphore, #tpu.memory_space<semaphore_mem>>, %arg15: memref<!tpu.dma_semaphore, #tpu.memory_space<semaphore_mem>>, %arg16: memref<!tpu.dma_semaphore, #tpu.memory_space<semaphore_mem>>, %arg17: memref<!tpu.dma_semaphore, #tpu.memory_space<semaphore_mem>>, %arg18: memref<!tpu.dma_semaphore, #tpu.memory_space<semaphore_mem>>, %arg19: memref<!tpu.dma_semaphore, #tpu.memory_space<semaphore_mem>>, %arg20: memref<!tpu.dma_semaphore, #tpu.memory_space<semaphore_mem>>, %arg21: memref<!tpu.dma_semaphore, #tpu.memory_space<semaphore_mem>>, %arg22: memref<!tpu.dma_semaphore, #tpu.memory_space<semaphore_mem>>, %arg23: memref<!tpu.dma_semaphore, #tpu.memory_space<semaphore_mem>>, %arg24: memref<!tpu.dma_semaphore, #tpu.memory_space<semaphore_mem>>, %arg25: memref<!tpu.dma_semaphore, #tpu.memory_space<semaphore_mem>>, %arg26: memref<!tpu.dma_semaphore, #tpu.memory_space<semaphore_mem>>) attributes {dimension_semantics = [#tpu.dimension_semantics<core_parallel>, #tpu.dimension_semantics<subcore_parallel>], iteration_bounds = array<i64: 2, 16>, scalar_prefetch = 0 : i64, scratch_operands = 22 : i64, tpu.core_type = #tpu.core_type<sc_vector_subcore>, window_params = [{transform_indices = #map}, {transform_indices = #map}, {transform_indices = #map1}]} {
    %mul3A = arith.constant 2 : i32
    %mul3A_0 = arith.muli %arg1, %mul3A : i32
    %add3A = arith.addi %mul3A_0, %arg0 : i32
    %mul3A_1 = arith.constant 128 : i32
    %mul3A_2 = arith.muli %add3A, %mul3A_1 : i32
    "tpu.region"() ({
      %run_scoped3A = tpu.sem_alloc : memref<!tpu.dma_semaphore, #tpu.memory_space<semaphore_mem>>
      %dma_start3A_1085 = arith.constant 0 : i32
      %dma_start3A_1086 = tpu.memref_slice %arg3[%mul3A_2, %dma_start3A_1085] : memref<4096x50xi32, #tpu.memory_space<hbm>> -> memref<128x50xi32, #tpu.memory_space<hbm>>
      %dma_start3A_1087 = arith.constant 0 : i32
      %dma_start3A_1088 = tpu.memref_slice %arg3[%mul3A_2, %dma_start3A_1087] : memref<4096x50xi32, #tpu.memory_space<hbm>> -> memref<128x50xi32, #tpu.memory_space<hbm>>
      tpu.enqueue_dma source(%dma_start3A_1088 : memref<128x50xi32, #tpu.memory_space<hbm>>) target(%arg5 : memref<128x50xi32, #tpu.memory_space<vmem>>) target_semaphore(%run_scoped3A : memref<!tpu.dma_semaphore, #tpu.memory_space<semaphore_mem>>)
      %dma_wait3A_1089 = arith.constant 0 : i32
      %dma_wait3A_1090 = tpu.memref_slice %arg3[%mul3A_2, %dma_wait3A_1089] : memref<4096x50xi32, #tpu.memory_space<hbm>> -> memref<128x50xi32, #tpu.memory_space<hbm>>
      %dma_wait3A_1091 = arith.constant 0 : i32
      %dma_wait3A_1092 = tpu.memref_slice %arg3[%mul3A_2, %dma_wait3A_1091] : memref<4096x50xi32, #tpu.memory_space<hbm>> -> memref<128x50xi32, #tpu.memory_space<hbm>>
      tpu.wait_dma2 semaphore(%run_scoped3A : memref<!tpu.dma_semaphore, #tpu.memory_space<semaphore_mem>>) src(%dma_wait3A_1092 : memref<128x50xi32, #tpu.memory_space<hbm>>) dst(%arg5 : memref<128x50xi32, #tpu.memory_space<vmem>>)
      tpu.yield
    }) : () -> ()
    %dma_start3A = arith.constant 0 : i32
    %dma_start3A_3 = arith.constant 0 : i32
    %dma_start3A_4 = arith.constant 0 : i32
    %dma_start3A_5 = arith.constant 0 : i32
    %dma_start3A_6 = tpu.memref_slice %arg6[%dma_start3A_3, %dma_start3A_4, %dma_start3A_5] : memref<10x50x128xf32, #tpu.memory_space<vmem>> -> memref<1x50x128xf32, #tpu.memory_space<vmem>>
    %dma_start3A_7 = tpu.memref_squeeze %dma_start3A_6 : memref<1x50x128xf32, #tpu.memory_space<vmem>> -> memref<50x128xf32, #tpu.memory_space<vmem>>
    %dma_start3A_8 = arith.constant 0 : i32
    %dma_start3A_9 = tpu.memref_slice %arg5[%dma_start3A, %dma_start3A_8] : memref<128x50xi32, #tpu.memory_space<vmem>> -> memref<1x50xi32, #tpu.memory_space<vmem>>
    %dma_start3A_10 = tpu.memref_squeeze %dma_start3A_9 : memref<1x50xi32, #tpu.memory_space<vmem>> -> memref<50xi32, #tpu.memory_space<vmem>>
    %dma_start3A_11 = arith.constant 0 : i32
    %dma_start3A_12 = arith.constant 0 : i32
    %dma_start3A_13 = tpu.memref_slice %arg2[%dma_start3A_11, %dma_start3A_12] : memref<100000x128xf32, #tpu.memory_space<hbm>> -> memref<100000x128xf32, #tpu.memory_space<hbm>>
    tpu.enqueue_indirect_dma source(%dma_start3A_13 : memref<100000x128xf32, #tpu.memory_space<hbm>>) target(%dma_start3A_7 : memref<50x128xf32, #tpu.memory_space<vmem>>) offsets(%dma_start3A_10 : memref<50xi32, #tpu.memory_space<vmem>>) semaphore(%arg7 : memref<!tpu.dma_semaphore, #tpu.memory_space<semaphore_mem>>)
    %dma_start3A_14 = arith.constant 1 : i32
    %dma_start3A_15 = arith.constant 1 : i32
    %dma_start3A_16 = arith.constant 0 : i32
    %dma_start3A_17 = arith.constant 0 : i32
    %dma_start3A_18 = tpu.memref_slice %arg6[%dma_start3A_15, %dma_start3A_16, %dma_start3A_17] : memref<10x50x128xf32, #tpu.memory_space<vmem>> -> memref<1x50x128xf32, #tpu.memory_space<vmem>>
    %dma_start3A_19 = tpu.memref_squeeze %dma_start3A_18 : memref<1x50x128xf32, #tpu.memory_space<vmem>> -> memref<50x128xf32, #tpu.memory_space<vmem>>
    %dma_start3A_20 = arith.constant 0 : i32
    %dma_start3A_21 = tpu.memref_slice %arg5[%dma_start3A_14, %dma_start3A_20] : memref<128x50xi32, #tpu.memory_space<vmem>> -> memref<1x50xi32, #tpu.memory_space<vmem>>
    %dma_start3A_22 = tpu.memref_squeeze %dma_start3A_21 : memref<1x50xi32, #tpu.memory_space<vmem>> -> memref<50xi32, #tpu.memory_space<vmem>>
    %dma_start3A_23 = arith.constant 0 : i32
    %dma_start3A_24 = arith.constant 0 : i32
    %dma_start3A_25 = tpu.memref_slice %arg2[%dma_start3A_23, %dma_start3A_24] : memref<100000x128xf32, #tpu.memory_space<hbm>> -> memref<100000x128xf32, #tpu.memory_space<hbm>>
    tpu.enqueue_indirect_dma source(%dma_start3A_25 : memref<100000x128xf32, #tpu.memory_space<hbm>>) target(%dma_start3A_19 : memref<50x128xf32, #tpu.memory_space<vmem>>) offsets(%dma_start3A_22 : memref<50xi32, #tpu.memory_space<vmem>>) semaphore(%arg8 : memref<!tpu.dma_semaphore, #tpu.memory_space<semaphore_mem>>)
    %dma_start3A_26 = arith.constant 2 : i32
    %dma_start3A_27 = arith.constant 2 : i32
    %dma_start3A_28 = arith.constant 0 : i32
    %dma_start3A_29 = arith.constant 0 : i32
    %dma_start3A_30 = tpu.memref_slice %arg6[%dma_start3A_27, %dma_start3A_28, %dma_start3A_29] : memref<10x50x128xf32, #tpu.memory_space<vmem>> -> memref<1x50x128xf32, #tpu.memory_space<vmem>>
    %dma_start3A_31 = tpu.memref_squeeze %dma_start3A_30 : memref<1x50x128xf32, #tpu.memory_space<vmem>> -> memref<50x128xf32, #tpu.memory_space<vmem>>
    %dma_start3A_32 = arith.constant 0 : i32
    %dma_start3A_33 = tpu.memref_slice %arg5[%dma_start3A_26, %dma_start3A_32] : memref<128x50xi32, #tpu.memory_space<vmem>> -> memref<1x50xi32, #tpu.memory_space<vmem>>
    %dma_start3A_34 = tpu.memref_squeeze %dma_start3A_33 : memref<1x50xi32, #tpu.memory_space<vmem>> -> memref<50xi32, #tpu.memory_space<vmem>>
    %dma_start3A_35 = arith.constant 0 : i32
    %dma_start3A_36 = arith.constant 0 : i32
    %dma_start3A_37 = tpu.memref_slice %arg2[%dma_start3A_35, %dma_start3A_36] : memref<100000x128xf32, #tpu.memory_space<hbm>> -> memref<100000x128xf32, #tpu.memory_space<hbm>>
    tpu.enqueue_indirect_dma source(%dma_start3A_37 : memref<100000x128xf32, #tpu.memory_space<hbm>>) target(%dma_start3A_31 : memref<50x128xf32, #tpu.memory_space<vmem>>) offsets(%dma_start3A_34 : memref<50xi32, #tpu.memory_space<vmem>>) semaphore(%arg9 : memref<!tpu.dma_semaphore, #tpu.memory_space<semaphore_mem>>)
    %dma_start3A_38 = arith.constant 3 : i32
    %dma_start3A_39 = arith.constant 3 : i32
    %dma_start3A_40 = arith.constant 0 : i32
    %dma_start3A_41 = arith.constant 0 : i32
    %dma_start3A_42 = tpu.memref_slice %arg6[%dma_start3A_39, %dma_start3A_40, %dma_start3A_41] : memref<10x50x128xf32, #tpu.memory_space<vmem>> -> memref<1x50x128xf32, #tpu.memory_space<vmem>>
    %dma_start3A_43 = tpu.memref_squeeze %dma_start3A_42 : memref<1x50x128xf32, #tpu.memory_space<vmem>> -> memref<50x128xf32, #tpu.memory_space<vmem>>
    %dma_start3A_44 = arith.constant 0 : i32
    %dma_start3A_45 = tpu.memref_slice %arg5[%dma_start3A_38, %dma_start3A_44] : memref<128x50xi32, #tpu.memory_space<vmem>> -> memref<1x50xi32, #tpu.memory_space<vmem>>
    %dma_start3A_46 = tpu.memref_squeeze %dma_start3A_45 : memref<1x50xi32, #tpu.memory_space<vmem>> -> memref<50xi32, #tpu.memory_space<vmem>>
    %dma_start3A_47 = arith.constant 0 : i32
    %dma_start3A_48 = arith.constant 0 : i32
    %dma_start3A_49 = tpu.memref_slice %arg2[%dma_start3A_47, %dma_start3A_48] : memref<100000x128xf32, #tpu.memory_space<hbm>> -> memref<100000x128xf32, #tpu.memory_space<hbm>>
    tpu.enqueue_indirect_dma source(%dma_start3A_49 : memref<100000x128xf32, #tpu.memory_space<hbm>>) target(%dma_start3A_43 : memref<50x128xf32, #tpu.memory_space<vmem>>) offsets(%dma_start3A_46 : memref<50xi32, #tpu.memory_space<vmem>>) semaphore(%arg10 : memref<!tpu.dma_semaphore, #tpu.memory_space<semaphore_mem>>)
    %dma_start3A_50 = arith.constant 4 : i32
    %dma_start3A_51 = arith.constant 4 : i32
    %dma_start3A_52 = arith.constant 0 : i32
    %dma_start3A_53 = arith.constant 0 : i32
    %dma_start3A_54 = tpu.memref_slice %arg6[%dma_start3A_51, %dma_start3A_52, %dma_start3A_53] : memref<10x50x128xf32, #tpu.memory_space<vmem>> -> memref<1x50x128xf32, #tpu.memory_space<vmem>>
    %dma_start3A_55 = tpu.memref_squeeze %dma_start3A_54 : memref<1x50x128xf32, #tpu.memory_space<vmem>> -> memref<50x128xf32, #tpu.memory_space<vmem>>
    %dma_start3A_56 = arith.constant 0 : i32
    %dma_start3A_57 = tpu.memref_slice %arg5[%dma_start3A_50, %dma_start3A_56] : memref<128x50xi32, #tpu.memory_space<vmem>> -> memref<1x50xi32, #tpu.memory_space<vmem>>
    %dma_start3A_58 = tpu.memref_squeeze %dma_start3A_57 : memref<1x50xi32, #tpu.memory_space<vmem>> -> memref<50xi32, #tpu.memory_space<vmem>>
    %dma_start3A_59 = arith.constant 0 : i32
    %dma_start3A_60 = arith.constant 0 : i32
    %dma_start3A_61 = tpu.memref_slice %arg2[%dma_start3A_59, %dma_start3A_60] : memref<100000x128xf32, #tpu.memory_space<hbm>> -> memref<100000x128xf32, #tpu.memory_space<hbm>>
    tpu.enqueue_indirect_dma source(%dma_start3A_61 : memref<100000x128xf32, #tpu.memory_space<hbm>>) target(%dma_start3A_55 : memref<50x128xf32, #tpu.memory_space<vmem>>) offsets(%dma_start3A_58 : memref<50xi32, #tpu.memory_space<vmem>>) semaphore(%arg11 : memref<!tpu.dma_semaphore, #tpu.memory_space<semaphore_mem>>)
    %dma_start3A_62 = arith.constant 5 : i32
    %dma_start3A_63 = arith.constant 5 : i32
    %dma_start3A_64 = arith.constant 0 : i32
    %dma_start3A_65 = arith.constant 0 : i32
    %dma_start3A_66 = tpu.memref_slice %arg6[%dma_start3A_63, %dma_start3A_64, %dma_start3A_65] : memref<10x50x128xf32, #tpu.memory_space<vmem>> -> memref<1x50x128xf32, #tpu.memory_space<vmem>>
    %dma_start3A_67 = tpu.memref_squeeze %dma_start3A_66 : memref<1x50x128xf32, #tpu.memory_space<vmem>> -> memref<50x128xf32, #tpu.memory_space<vmem>>
    %dma_start3A_68 = arith.constant 0 : i32
    %dma_start3A_69 = tpu.memref_slice %arg5[%dma_start3A_62, %dma_start3A_68] : memref<128x50xi32, #tpu.memory_space<vmem>> -> memref<1x50xi32, #tpu.memory_space<vmem>>
    %dma_start3A_70 = tpu.memref_squeeze %dma_start3A_69 : memref<1x50xi32, #tpu.memory_space<vmem>> -> memref<50xi32, #tpu.memory_space<vmem>>
    %dma_start3A_71 = arith.constant 0 : i32
    %dma_start3A_72 = arith.constant 0 : i32
    %dma_start3A_73 = tpu.memref_slice %arg2[%dma_start3A_71, %dma_start3A_72] : memref<100000x128xf32, #tpu.memory_space<hbm>> -> memref<100000x128xf32, #tpu.memory_space<hbm>>
    tpu.enqueue_indirect_dma source(%dma_start3A_73 : memref<100000x128xf32, #tpu.memory_space<hbm>>) target(%dma_start3A_67 : memref<50x128xf32, #tpu.memory_space<vmem>>) offsets(%dma_start3A_70 : memref<50xi32, #tpu.memory_space<vmem>>) semaphore(%arg12 : memref<!tpu.dma_semaphore, #tpu.memory_space<semaphore_mem>>)
    %dma_start3A_74 = arith.constant 6 : i32
    %dma_start3A_75 = arith.constant 6 : i32
    %dma_start3A_76 = arith.constant 0 : i32
    %dma_start3A_77 = arith.constant 0 : i32
    %dma_start3A_78 = tpu.memref_slice %arg6[%dma_start3A_75, %dma_start3A_76, %dma_start3A_77] : memref<10x50x128xf32, #tpu.memory_space<vmem>> -> memref<1x50x128xf32, #tpu.memory_space<vmem>>
    %dma_start3A_79 = tpu.memref_squeeze %dma_start3A_78 : memref<1x50x128xf32, #tpu.memory_space<vmem>> -> memref<50x128xf32, #tpu.memory_space<vmem>>
    %dma_start3A_80 = arith.constant 0 : i32
    %dma_start3A_81 = tpu.memref_slice %arg5[%dma_start3A_74, %dma_start3A_80] : memref<128x50xi32, #tpu.memory_space<vmem>> -> memref<1x50xi32, #tpu.memory_space<vmem>>
    %dma_start3A_82 = tpu.memref_squeeze %dma_start3A_81 : memref<1x50xi32, #tpu.memory_space<vmem>> -> memref<50xi32, #tpu.memory_space<vmem>>
    %dma_start3A_83 = arith.constant 0 : i32
    %dma_start3A_84 = arith.constant 0 : i32
    %dma_start3A_85 = tpu.memref_slice %arg2[%dma_start3A_83, %dma_start3A_84] : memref<100000x128xf32, #tpu.memory_space<hbm>> -> memref<100000x128xf32, #tpu.memory_space<hbm>>
    tpu.enqueue_indirect_dma source(%dma_start3A_85 : memref<100000x128xf32, #tpu.memory_space<hbm>>) target(%dma_start3A_79 : memref<50x128xf32, #tpu.memory_space<vmem>>) offsets(%dma_start3A_82 : memref<50xi32, #tpu.memory_space<vmem>>) semaphore(%arg13 : memref<!tpu.dma_semaphore, #tpu.memory_space<semaphore_mem>>)
    %dma_start3A_86 = arith.constant 7 : i32
    %dma_start3A_87 = arith.constant 7 : i32
    %dma_start3A_88 = arith.constant 0 : i32
    %dma_start3A_89 = arith.constant 0 : i32
    %dma_start3A_90 = tpu.memref_slice %arg6[%dma_start3A_87, %dma_start3A_88, %dma_start3A_89] : memref<10x50x128xf32, #tpu.memory_space<vmem>> -> memref<1x50x128xf32, #tpu.memory_space<vmem>>
    %dma_start3A_91 = tpu.memref_squeeze %dma_start3A_90 : memref<1x50x128xf32, #tpu.memory_space<vmem>> -> memref<50x128xf32, #tpu.memory_space<vmem>>
    %dma_start3A_92 = arith.constant 0 : i32
    %dma_start3A_93 = tpu.memref_slice %arg5[%dma_start3A_86, %dma_start3A_92] : memref<128x50xi32, #tpu.memory_space<vmem>> -> memref<1x50xi32, #tpu.memory_space<vmem>>
    %dma_start3A_94 = tpu.memref_squeeze %dma_start3A_93 : memref<1x50xi32, #tpu.memory_space<vmem>> -> memref<50xi32, #tpu.memory_space<vmem>>
    %dma_start3A_95 = arith.constant 0 : i32
    %dma_start3A_96 = arith.constant 0 : i32
    %dma_start3A_97 = tpu.memref_slice %arg2[%dma_start3A_95, %dma_start3A_96] : memref<100000x128xf32, #tpu.memory_space<hbm>> -> memref<100000x128xf32, #tpu.memory_space<hbm>>
    tpu.enqueue_indirect_dma source(%dma_start3A_97 : memref<100000x128xf32, #tpu.memory_space<hbm>>) target(%dma_start3A_91 : memref<50x128xf32, #tpu.memory_space<vmem>>) offsets(%dma_start3A_94 : memref<50xi32, #tpu.memory_space<vmem>>) semaphore(%arg14 : memref<!tpu.dma_semaphore, #tpu.memory_space<semaphore_mem>>)
    %dma_wait3A = arith.constant 0 : i32
    %dma_wait3A_98 = arith.constant 0 : i32
    %dma_wait3A_99 = arith.constant 0 : i32
    %dma_wait3A_100 = arith.constant 0 : i32
    %dma_wait3A_101 = tpu.memref_slice %arg6[%dma_wait3A_98, %dma_wait3A_99, %dma_wait3A_100] : memref<10x50x128xf32, #tpu.memory_space<vmem>> -> memref<1x50x128xf32, #tpu.memory_space<vmem>>
    %dma_wait3A_102 = tpu.memref_squeeze %dma_wait3A_101 : memref<1x50x128xf32, #tpu.memory_space<vmem>> -> memref<50x128xf32, #tpu.memory_space<vmem>>
    %dma_wait3A_103 = arith.constant 0 : i32
    %dma_wait3A_104 = tpu.memref_slice %arg5[%dma_wait3A, %dma_wait3A_103] : memref<128x50xi32, #tpu.memory_space<vmem>> -> memref<1x50xi32, #tpu.memory_space<vmem>>
    %dma_wait3A_105 = tpu.memref_squeeze %dma_wait3A_104 : memref<1x50xi32, #tpu.memory_space<vmem>> -> memref<50xi32, #tpu.memory_space<vmem>>
    %dma_wait3A_106 = arith.constant 0 : i32
    %dma_wait3A_107 = arith.constant 0 : i32
    %dma_wait3A_108 = tpu.memref_slice %arg2[%dma_wait3A_106, %dma_wait3A_107] : memref<100000x128xf32, #tpu.memory_space<hbm>> -> memref<100000x128xf32, #tpu.memory_space<hbm>>
    tpu.wait_indirect_dma semaphore(%arg7 : memref<!tpu.dma_semaphore, #tpu.memory_space<semaphore_mem>>) src(%dma_wait3A_108 : memref<100000x128xf32, #tpu.memory_space<hbm>>) dst(%dma_wait3A_102 : memref<50x128xf32, #tpu.memory_space<vmem>>)
    %add3A_109 = arith.constant 0 : i32
    %add3A_110 = arith.addi %mul3A_2, %add3A_109 : i32
    %dma_start3A_111 = arith.constant 0 : i32
    %dma_start3A_112 = arith.constant 0 : i32
    %dma_start3A_113 = arith.constant 0 : i32
    %dma_start3A_114 = tpu.memref_slice %arg6[%dma_start3A_111, %dma_start3A_112, %dma_start3A_113] : memref<10x50x128xf32, #tpu.memory_space<vmem>> -> memref<1x50x128xf32, #tpu.memory_space<vmem>>
    %dma_start3A_115 = tpu.memref_squeeze %dma_start3A_114 : memref<1x50x128xf32, #tpu.memory_space<vmem>> -> memref<50x128xf32, #tpu.memory_space<vmem>>
    %dma_start3A_116 = arith.constant 0 : i32
    %dma_start3A_117 = arith.constant 0 : i32
    %dma_start3A_118 = tpu.memref_slice %arg4[%add3A_110, %dma_start3A_116, %dma_start3A_117] : memref<4096x50x128xf32, #tpu.memory_space<hbm>> -> memref<1x50x128xf32, #tpu.memory_space<hbm>>
    %dma_start3A_119 = tpu.memref_squeeze %dma_start3A_118 : memref<1x50x128xf32, #tpu.memory_space<hbm>> -> memref<50x128xf32, #tpu.memory_space<hbm>>
    %dma_start3A_120 = arith.constant 0 : i32
    %dma_start3A_121 = arith.constant 0 : i32
    %dma_start3A_122 = tpu.memref_slice %arg4[%add3A_110, %dma_start3A_120, %dma_start3A_121] : memref<4096x50x128xf32, #tpu.memory_space<hbm>> -> memref<1x50x128xf32, #tpu.memory_space<hbm>>
    %dma_start3A_123 = tpu.memref_squeeze %dma_start3A_122 : memref<1x50x128xf32, #tpu.memory_space<hbm>> -> memref<50x128xf32, #tpu.memory_space<hbm>>
    %dma_start3A_124 = arith.constant 0 : i32
    %dma_start3A_125 = arith.constant 0 : i32
    %dma_start3A_126 = tpu.memref_slice %arg6[%dma_start3A_111, %dma_start3A_124, %dma_start3A_125] : memref<10x50x128xf32, #tpu.memory_space<vmem>> -> memref<1x50x128xf32, #tpu.memory_space<vmem>>
    %dma_start3A_127 = tpu.memref_squeeze %dma_start3A_126 : memref<1x50x128xf32, #tpu.memory_space<vmem>> -> memref<50x128xf32, #tpu.memory_space<vmem>>
    tpu.enqueue_dma source(%dma_start3A_127 : memref<50x128xf32, #tpu.memory_space<vmem>>) target(%dma_start3A_123 : memref<50x128xf32, #tpu.memory_space<hbm>>) target_semaphore(%arg17 : memref<!tpu.dma_semaphore, #tpu.memory_space<semaphore_mem>>)
    %dma_start3A_128 = arith.constant 8 : i32
    %dma_start3A_129 = arith.constant 8 : i32
    %dma_start3A_130 = arith.constant 0 : i32
    %dma_start3A_131 = arith.constant 0 : i32
    %dma_start3A_132 = tpu.memref_slice %arg6[%dma_start3A_129, %dma_start3A_130, %dma_start3A_131] : memref<10x50x128xf32, #tpu.memory_space<vmem>> -> memref<1x50x128xf32, #tpu.memory_space<vmem>>
    %dma_start3A_133 = tpu.memref_squeeze %dma_start3A_132 : memref<1x50x128xf32, #tpu.memory_space<vmem>> -> memref<50x128xf32, #tpu.memory_space<vmem>>
    %dma_start3A_134 = arith.constant 0 : i32
    %dma_start3A_135 = tpu.memref_slice %arg5[%dma_start3A_128, %dma_start3A_134] : memref<128x50xi32, #tpu.memory_space<vmem>> -> memref<1x50xi32, #tpu.memory_space<vmem>>
    %dma_start3A_136 = tpu.memref_squeeze %dma_start3A_135 : memref<1x50xi32, #tpu.memory_space<vmem>> -> memref<50xi32, #tpu.memory_space<vmem>>
    %dma_start3A_137 = arith.constant 0 : i32
    %dma_start3A_138 = arith.constant 0 : i32
    %dma_start3A_139 = tpu.memref_slice %arg2[%dma_start3A_137, %dma_start3A_138] : memref<100000x128xf32, #tpu.memory_space<hbm>> -> memref<100000x128xf32, #tpu.memory_space<hbm>>
    tpu.enqueue_indirect_dma source(%dma_start3A_139 : memref<100000x128xf32, #tpu.memory_space<hbm>>) target(%dma_start3A_133 : memref<50x128xf32, #tpu.memory_space<vmem>>) offsets(%dma_start3A_136 : memref<50xi32, #tpu.memory_space<vmem>>) semaphore(%arg15 : memref<!tpu.dma_semaphore, #tpu.memory_space<semaphore_mem>>)
    %dma_wait3A_140 = arith.constant 0 : i32
    %dma_wait3A_141 = arith.constant 1 : i32
    %dma_wait3A_142 = arith.constant 0 : i32
    %dma_wait3A_143 = arith.constant 0 : i32
    %dma_wait3A_144 = tpu.memref_slice %arg6[%dma_wait3A_141, %dma_wait3A_142, %dma_wait3A_143] : memref<10x50x128xf32, #tpu.memory_space<vmem>> -> memref<1x50x128xf32, #tpu.memory_space<vmem>>
    %dma_wait3A_145 = tpu.memref_squeeze %dma_wait3A_144 : memref<1x50x128xf32, #tpu.memory_space<vmem>> -> memref<50x128xf32, #tpu.memory_space<vmem>>
    %dma_wait3A_146 = arith.constant 0 : i32
    %dma_wait3A_147 = tpu.memref_slice %arg5[%dma_wait3A_140, %dma_wait3A_146] : memref<128x50xi32, #tpu.memory_space<vmem>> -> memref<1x50xi32, #tpu.memory_space<vmem>>
    %dma_wait3A_148 = tpu.memref_squeeze %dma_wait3A_147 : memref<1x50xi32, #tpu.memory_space<vmem>> -> memref<50xi32, #tpu.memory_space<vmem>>
    %dma_wait3A_149 = arith.constant 0 : i32
    %dma_wait3A_150 = arith.constant 0 : i32
    %dma_wait3A_151 = tpu.memref_slice %arg2[%dma_wait3A_149, %dma_wait3A_150] : memref<100000x128xf32, #tpu.memory_space<hbm>> -> memref<100000x128xf32, #tpu.memory_space<hbm>>
    tpu.wait_indirect_dma semaphore(%arg8 : memref<!tpu.dma_semaphore, #tpu.memory_space<semaphore_mem>>) src(%dma_wait3A_151 : memref<100000x128xf32, #tpu.memory_space<hbm>>) dst(%dma_wait3A_145 : memref<50x128xf32, #tpu.memory_space<vmem>>)
    %add3A_152 = arith.constant 1 : i32
    %add3A_153 = arith.addi %mul3A_2, %add3A_152 : i32
    %dma_start3A_154 = arith.constant 1 : i32
    %dma_start3A_155 = arith.constant 0 : i32
    %dma_start3A_156 = arith.constant 0 : i32
    %dma_start3A_157 = tpu.memref_slice %arg6[%dma_start3A_154, %dma_start3A_155, %dma_start3A_156] : memref<10x50x128xf32, #tpu.memory_space<vmem>> -> memref<1x50x128xf32, #tpu.memory_space<vmem>>
    %dma_start3A_158 = tpu.memref_squeeze %dma_start3A_157 : memref<1x50x128xf32, #tpu.memory_space<vmem>> -> memref<50x128xf32, #tpu.memory_space<vmem>>
    %dma_start3A_159 = arith.constant 0 : i32
    %dma_start3A_160 = arith.constant 0 : i32
    %dma_start3A_161 = tpu.memref_slice %arg4[%add3A_153, %dma_start3A_159, %dma_start3A_160] : memref<4096x50x128xf32, #tpu.memory_space<hbm>> -> memref<1x50x128xf32, #tpu.memory_space<hbm>>
    %dma_start3A_162 = tpu.memref_squeeze %dma_start3A_161 : memref<1x50x128xf32, #tpu.memory_space<hbm>> -> memref<50x128xf32, #tpu.memory_space<hbm>>
    %dma_start3A_163 = arith.constant 0 : i32
    %dma_start3A_164 = arith.constant 0 : i32
    %dma_start3A_165 = tpu.memref_slice %arg4[%add3A_153, %dma_start3A_163, %dma_start3A_164] : memref<4096x50x128xf32, #tpu.memory_space<hbm>> -> memref<1x50x128xf32, #tpu.memory_space<hbm>>
    %dma_start3A_166 = tpu.memref_squeeze %dma_start3A_165 : memref<1x50x128xf32, #tpu.memory_space<hbm>> -> memref<50x128xf32, #tpu.memory_space<hbm>>
    %dma_start3A_167 = arith.constant 0 : i32
    %dma_start3A_168 = arith.constant 0 : i32
    %dma_start3A_169 = tpu.memref_slice %arg6[%dma_start3A_154, %dma_start3A_167, %dma_start3A_168] : memref<10x50x128xf32, #tpu.memory_space<vmem>> -> memref<1x50x128xf32, #tpu.memory_space<vmem>>
    %dma_start3A_170 = tpu.memref_squeeze %dma_start3A_169 : memref<1x50x128xf32, #tpu.memory_space<vmem>> -> memref<50x128xf32, #tpu.memory_space<vmem>>
    tpu.enqueue_dma source(%dma_start3A_170 : memref<50x128xf32, #tpu.memory_space<vmem>>) target(%dma_start3A_166 : memref<50x128xf32, #tpu.memory_space<hbm>>) target_semaphore(%arg18 : memref<!tpu.dma_semaphore, #tpu.memory_space<semaphore_mem>>)
    %dma_start3A_171 = arith.constant 9 : i32
    %dma_start3A_172 = arith.constant 9 : i32
    %dma_start3A_173 = arith.constant 0 : i32
    %dma_start3A_174 = arith.constant 0 : i32
    %dma_start3A_175 = tpu.memref_slice %arg6[%dma_start3A_172, %dma_start3A_173, %dma_start3A_174] : memref<10x50x128xf32, #tpu.memory_space<vmem>> -> memref<1x50x128xf32, #tpu.memory_space<vmem>>
    %dma_start3A_176 = tpu.memref_squeeze %dma_start3A_175 : memref<1x50x128xf32, #tpu.memory_space<vmem>> -> memref<50x128xf32, #tpu.memory_space<vmem>>
    %dma_start3A_177 = arith.constant 0 : i32
    %dma_start3A_178 = tpu.memref_slice %arg5[%dma_start3A_171, %dma_start3A_177] : memref<128x50xi32, #tpu.memory_space<vmem>> -> memref<1x50xi32, #tpu.memory_space<vmem>>
    %dma_start3A_179 = tpu.memref_squeeze %dma_start3A_178 : memref<1x50xi32, #tpu.memory_space<vmem>> -> memref<50xi32, #tpu.memory_space<vmem>>
    %dma_start3A_180 = arith.constant 0 : i32
    %dma_start3A_181 = arith.constant 0 : i32
    %dma_start3A_182 = tpu.memref_slice %arg2[%dma_start3A_180, %dma_start3A_181] : memref<100000x128xf32, #tpu.memory_space<hbm>> -> memref<100000x128xf32, #tpu.memory_space<hbm>>
    tpu.enqueue_indirect_dma source(%dma_start3A_182 : memref<100000x128xf32, #tpu.memory_space<hbm>>) target(%dma_start3A_176 : memref<50x128xf32, #tpu.memory_space<vmem>>) offsets(%dma_start3A_179 : memref<50xi32, #tpu.memory_space<vmem>>) semaphore(%arg16 : memref<!tpu.dma_semaphore, #tpu.memory_space<semaphore_mem>>)
    %scan3A = arith.constant 0 : i32
    %scan3A_183 = arith.constant 11 : i32
    %scan3A_184 = arith.addi %scan3A, %scan3A_183 : i32
    %scan3A_185 = arith.constant 1 : i32
    scf.for %scan3A_1085 = %scan3A to %scan3A_184 step %scan3A_185  : i32 {
      %mul3A_1086 = arith.constant 10 : i32
      %mul3A_1087 = arith.muli %scan3A_1085, %mul3A_1086 : i32
      %add3A_1088 = arith.constant 2 : i32
      %add3A_1089 = arith.addi %add3A_1088, %mul3A_1087 : i32
      %add3A_1090 = arith.constant 0 : i32
      %add3A_1091 = arith.addi %add3A_1089, %add3A_1090 : i32
      %dma_wait3A_1092 = arith.constant 0 : i32
      %dma_wait3A_1093 = arith.constant 2 : i32
      %dma_wait3A_1094 = arith.constant 0 : i32
      %dma_wait3A_1095 = arith.constant 0 : i32
      %dma_wait3A_1096 = tpu.memref_slice %arg6[%dma_wait3A_1093, %dma_wait3A_1094, %dma_wait3A_1095] : memref<10x50x128xf32, #tpu.memory_space<vmem>> -> memref<1x50x128xf32, #tpu.memory_space<vmem>>
      %dma_wait3A_1097 = tpu.memref_squeeze %dma_wait3A_1096 : memref<1x50x128xf32, #tpu.memory_space<vmem>> -> memref<50x128xf32, #tpu.memory_space<vmem>>
      %dma_wait3A_1098 = arith.constant 0 : i32
      %dma_wait3A_1099 = tpu.memref_slice %arg5[%dma_wait3A_1092, %dma_wait3A_1098] : memref<128x50xi32, #tpu.memory_space<vmem>> -> memref<1x50xi32, #tpu.memory_space<vmem>>
      %dma_wait3A_1100 = tpu.memref_squeeze %dma_wait3A_1099 : memref<1x50xi32, #tpu.memory_space<vmem>> -> memref<50xi32, #tpu.memory_space<vmem>>
      %dma_wait3A_1101 = arith.constant 0 : i32
      %dma_wait3A_1102 = arith.constant 0 : i32
      %dma_wait3A_1103 = tpu.memref_slice %arg2[%dma_wait3A_1101, %dma_wait3A_1102] : memref<100000x128xf32, #tpu.memory_space<hbm>> -> memref<100000x128xf32, #tpu.memory_space<hbm>>
      tpu.wait_indirect_dma semaphore(%arg9 : memref<!tpu.dma_semaphore, #tpu.memory_space<semaphore_mem>>) src(%dma_wait3A_1103 : memref<100000x128xf32, #tpu.memory_space<hbm>>) dst(%dma_wait3A_1097 : memref<50x128xf32, #tpu.memory_space<vmem>>)
      %add3A_1104 = arith.addi %mul3A_2, %add3A_1091 : i32
      %dma_start3A_1105 = arith.constant 2 : i32
      %dma_start3A_1106 = arith.constant 0 : i32
      %dma_start3A_1107 = arith.constant 0 : i32
      %dma_start3A_1108 = tpu.memref_slice %arg6[%dma_start3A_1105, %dma_start3A_1106, %dma_start3A_1107] : memref<10x50x128xf32, #tpu.memory_space<vmem>> -> memref<1x50x128xf32, #tpu.memory_space<vmem>>
      %dma_start3A_1109 = tpu.memref_squeeze %dma_start3A_1108 : memref<1x50x128xf32, #tpu.memory_space<vmem>> -> memref<50x128xf32, #tpu.memory_space<vmem>>
      %dma_start3A_1110 = arith.constant 0 : i32
      %dma_start3A_1111 = arith.constant 0 : i32
      %dma_start3A_1112 = tpu.memref_slice %arg4[%add3A_1104, %dma_start3A_1110, %dma_start3A_1111] : memref<4096x50x128xf32, #tpu.memory_space<hbm>> -> memref<1x50x128xf32, #tpu.memory_space<hbm>>
      %dma_start3A_1113 = tpu.memref_squeeze %dma_start3A_1112 : memref<1x50x128xf32, #tpu.memory_space<hbm>> -> memref<50x128xf32, #tpu.memory_space<hbm>>
      %dma_start3A_1114 = arith.constant 0 : i32
      %dma_start3A_1115 = arith.constant 0 : i32
      %dma_start3A_1116 = tpu.memref_slice %arg4[%add3A_1104, %dma_start3A_1114, %dma_start3A_1115] : memref<4096x50x128xf32, #tpu.memory_space<hbm>> -> memref<1x50x128xf32, #tpu.memory_space<hbm>>
      %dma_start3A_1117 = tpu.memref_squeeze %dma_start3A_1116 : memref<1x50x128xf32, #tpu.memory_space<hbm>> -> memref<50x128xf32, #tpu.memory_space<hbm>>
      %dma_start3A_1118 = arith.constant 0 : i32
      %dma_start3A_1119 = arith.constant 0 : i32
      %dma_start3A_1120 = tpu.memref_slice %arg6[%dma_start3A_1105, %dma_start3A_1118, %dma_start3A_1119] : memref<10x50x128xf32, #tpu.memory_space<vmem>> -> memref<1x50x128xf32, #tpu.memory_space<vmem>>
      %dma_start3A_1121 = tpu.memref_squeeze %dma_start3A_1120 : memref<1x50x128xf32, #tpu.memory_space<vmem>> -> memref<50x128xf32, #tpu.memory_space<vmem>>
      tpu.enqueue_dma source(%dma_start3A_1121 : memref<50x128xf32, #tpu.memory_space<vmem>>) target(%dma_start3A_1117 : memref<50x128xf32, #tpu.memory_space<hbm>>) target_semaphore(%arg19 : memref<!tpu.dma_semaphore, #tpu.memory_space<semaphore_mem>>)
      %dma_wait3A_1122 = arith.constant 0 : i32
      %dma_wait3A_1123 = arith.constant 0 : i32
      %dma_wait3A_1124 = arith.constant 0 : i32
      %dma_wait3A_1125 = tpu.memref_slice %arg6[%dma_wait3A_1122, %dma_wait3A_1123, %dma_wait3A_1124] : memref<10x50x128xf32, #tpu.memory_space<vmem>> -> memref<1x50x128xf32, #tpu.memory_space<vmem>>
      %dma_wait3A_1126 = tpu.memref_squeeze %dma_wait3A_1125 : memref<1x50x128xf32, #tpu.memory_space<vmem>> -> memref<50x128xf32, #tpu.memory_space<vmem>>
      %dma_wait3A_1127 = arith.constant 0 : i32
      %dma_wait3A_1128 = arith.constant 0 : i32
      %dma_wait3A_1129 = tpu.memref_slice %arg4[%mul3A_2, %dma_wait3A_1127, %dma_wait3A_1128] : memref<4096x50x128xf32, #tpu.memory_space<hbm>> -> memref<1x50x128xf32, #tpu.memory_space<hbm>>
      %dma_wait3A_1130 = tpu.memref_squeeze %dma_wait3A_1129 : memref<1x50x128xf32, #tpu.memory_space<hbm>> -> memref<50x128xf32, #tpu.memory_space<hbm>>
      %dma_wait3A_1131 = arith.constant 0 : i32
      %dma_wait3A_1132 = arith.constant 0 : i32
      %dma_wait3A_1133 = tpu.memref_slice %arg4[%mul3A_2, %dma_wait3A_1131, %dma_wait3A_1132] : memref<4096x50x128xf32, #tpu.memory_space<hbm>> -> memref<1x50x128xf32, #tpu.memory_space<hbm>>
      %dma_wait3A_1134 = tpu.memref_squeeze %dma_wait3A_1133 : memref<1x50x128xf32, #tpu.memory_space<hbm>> -> memref<50x128xf32, #tpu.memory_space<hbm>>
      %dma_wait3A_1135 = arith.constant 0 : i32
      %dma_wait3A_1136 = arith.constant 0 : i32
      %dma_wait3A_1137 = tpu.memref_slice %arg6[%dma_wait3A_1122, %dma_wait3A_1135, %dma_wait3A_1136] : memref<10x50x128xf32, #tpu.memory_space<vmem>> -> memref<1x50x128xf32, #tpu.memory_space<vmem>>
      %dma_wait3A_1138 = tpu.memref_squeeze %dma_wait3A_1137 : memref<1x50x128xf32, #tpu.memory_space<vmem>> -> memref<50x128xf32, #tpu.memory_space<vmem>>
      tpu.wait_dma2 semaphore(%arg17 : memref<!tpu.dma_semaphore, #tpu.memory_space<semaphore_mem>>) src(%dma_wait3A_1138 : memref<50x128xf32, #tpu.memory_space<vmem>>) dst(%dma_wait3A_1134 : memref<50x128xf32, #tpu.memory_space<hbm>>)
      %add3A_1139 = arith.constant 8 : i32
      %add3A_1140 = arith.addi %add3A_1091, %add3A_1139 : i32
      %dma_start3A_1141 = arith.constant 0 : i32
      %dma_start3A_1142 = arith.constant 0 : i32
      %dma_start3A_1143 = arith.constant 0 : i32
      %dma_start3A_1144 = tpu.memref_slice %arg6[%dma_start3A_1141, %dma_start3A_1142, %dma_start3A_1143] : memref<10x50x128xf32, #tpu.memory_space<vmem>> -> memref<1x50x128xf32, #tpu.memory_space<vmem>>
      %dma_start3A_1145 = tpu.memref_squeeze %dma_start3A_1144 : memref<1x50x128xf32, #tpu.memory_space<vmem>> -> memref<50x128xf32, #tpu.memory_space<vmem>>
      %dma_start3A_1146 = arith.constant 0 : i32
      %dma_start3A_1147 = tpu.memref_slice %arg5[%add3A_1140, %dma_start3A_1146] : memref<128x50xi32, #tpu.memory_space<vmem>> -> memref<1x50xi32, #tpu.memory_space<vmem>>
      %dma_start3A_1148 = tpu.memref_squeeze %dma_start3A_1147 : memref<1x50xi32, #tpu.memory_space<vmem>> -> memref<50xi32, #tpu.memory_space<vmem>>
      %dma_start3A_1149 = arith.constant 0 : i32
      %dma_start3A_1150 = arith.constant 0 : i32
      %dma_start3A_1151 = tpu.memref_slice %arg2[%dma_start3A_1149, %dma_start3A_1150] : memref<100000x128xf32, #tpu.memory_space<hbm>> -> memref<100000x128xf32, #tpu.memory_space<hbm>>
      tpu.enqueue_indirect_dma source(%dma_start3A_1151 : memref<100000x128xf32, #tpu.memory_space<hbm>>) target(%dma_start3A_1145 : memref<50x128xf32, #tpu.memory_space<vmem>>) offsets(%dma_start3A_1148 : memref<50xi32, #tpu.memory_space<vmem>>) semaphore(%arg7 : memref<!tpu.dma_semaphore, #tpu.memory_space<semaphore_mem>>)
      %add3A_1152 = arith.constant 1 : i32
      %add3A_1153 = arith.addi %add3A_1089, %add3A_1152 : i32
      %dma_wait3A_1154 = arith.constant 0 : i32
      %dma_wait3A_1155 = arith.constant 3 : i32
      %dma_wait3A_1156 = arith.constant 0 : i32
      %dma_wait3A_1157 = arith.constant 0 : i32
      %dma_wait3A_1158 = tpu.memref_slice %arg6[%dma_wait3A_1155, %dma_wait3A_1156, %dma_wait3A_1157] : memref<10x50x128xf32, #tpu.memory_space<vmem>> -> memref<1x50x128xf32, #tpu.memory_space<vmem>>
      %dma_wait3A_1159 = tpu.memref_squeeze %dma_wait3A_1158 : memref<1x50x128xf32, #tpu.memory_space<vmem>> -> memref<50x128xf32, #tpu.memory_space<vmem>>
      %dma_wait3A_1160 = arith.constant 0 : i32
      %dma_wait3A_1161 = tpu.memref_slice %arg5[%dma_wait3A_1154, %dma_wait3A_1160] : memref<128x50xi32, #tpu.memory_space<vmem>> -> memref<1x50xi32, #tpu.memory_space<vmem>>
      %dma_wait3A_1162 = tpu.memref_squeeze %dma_wait3A_1161 : memref<1x50xi32, #tpu.memory_space<vmem>> -> memref<50xi32, #tpu.memory_space<vmem>>
      %dma_wait3A_1163 = arith.constant 0 : i32
      %dma_wait3A_1164 = arith.constant 0 : i32
      %dma_wait3A_1165 = tpu.memref_slice %arg2[%dma_wait3A_1163, %dma_wait3A_1164] : memref<100000x128xf32, #tpu.memory_space<hbm>> -> memref<100000x128xf32, #tpu.memory_space<hbm>>
      tpu.wait_indirect_dma semaphore(%arg10 : memref<!tpu.dma_semaphore, #tpu.memory_space<semaphore_mem>>) src(%dma_wait3A_1165 : memref<100000x128xf32, #tpu.memory_space<hbm>>) dst(%dma_wait3A_1159 : memref<50x128xf32, #tpu.memory_space<vmem>>)
      %add3A_1166 = arith.addi %mul3A_2, %add3A_1153 : i32
      %dma_start3A_1167 = arith.constant 3 : i32
      %dma_start3A_1168 = arith.constant 0 : i32
      %dma_start3A_1169 = arith.constant 0 : i32
      %dma_start3A_1170 = tpu.memref_slice %arg6[%dma_start3A_1167, %dma_start3A_1168, %dma_start3A_1169] : memref<10x50x128xf32, #tpu.memory_space<vmem>> -> memref<1x50x128xf32, #tpu.memory_space<vmem>>
      %dma_start3A_1171 = tpu.memref_squeeze %dma_start3A_1170 : memref<1x50x128xf32, #tpu.memory_space<vmem>> -> memref<50x128xf32, #tpu.memory_space<vmem>>
      %dma_start3A_1172 = arith.constant 0 : i32
      %dma_start3A_1173 = arith.constant 0 : i32
      %dma_start3A_1174 = tpu.memref_slice %arg4[%add3A_1166, %dma_start3A_1172, %dma_start3A_1173] : memref<4096x50x128xf32, #tpu.memory_space<hbm>> -> memref<1x50x128xf32, #tpu.memory_space<hbm>>
      %dma_start3A_1175 = tpu.memref_squeeze %dma_start3A_1174 : memref<1x50x128xf32, #tpu.memory_space<hbm>> -> memref<50x128xf32, #tpu.memory_space<hbm>>
      %dma_start3A_1176 = arith.constant 0 : i32
      %dma_start3A_1177 = arith.constant 0 : i32
      %dma_start3A_1178 = tpu.memref_slice %arg4[%add3A_1166, %dma_start3A_1176, %dma_start3A_1177] : memref<4096x50x128xf32, #tpu.memory_space<hbm>> -> memref<1x50x128xf32, #tpu.memory_space<hbm>>
      %dma_start3A_1179 = tpu.memref_squeeze %dma_start3A_1178 : memref<1x50x128xf32, #tpu.memory_space<hbm>> -> memref<50x128xf32, #tpu.memory_space<hbm>>
      %dma_start3A_1180 = arith.constant 0 : i32
      %dma_start3A_1181 = arith.constant 0 : i32
      %dma_start3A_1182 = tpu.memref_slice %arg6[%dma_start3A_1167, %dma_start3A_1180, %dma_start3A_1181] : memref<10x50x128xf32, #tpu.memory_space<vmem>> -> memref<1x50x128xf32, #tpu.memory_space<vmem>>
      %dma_start3A_1183 = tpu.memref_squeeze %dma_start3A_1182 : memref<1x50x128xf32, #tpu.memory_space<vmem>> -> memref<50x128xf32, #tpu.memory_space<vmem>>
      tpu.enqueue_dma source(%dma_start3A_1183 : memref<50x128xf32, #tpu.memory_space<vmem>>) target(%dma_start3A_1179 : memref<50x128xf32, #tpu.memory_space<hbm>>) target_semaphore(%arg20 : memref<!tpu.dma_semaphore, #tpu.memory_space<semaphore_mem>>)
      %dma_wait3A_1184 = arith.constant 1 : i32
      %dma_wait3A_1185 = arith.constant 0 : i32
      %dma_wait3A_1186 = arith.constant 0 : i32
      %dma_wait3A_1187 = tpu.memref_slice %arg6[%dma_wait3A_1184, %dma_wait3A_1185, %dma_wait3A_1186] : memref<10x50x128xf32, #tpu.memory_space<vmem>> -> memref<1x50x128xf32, #tpu.memory_space<vmem>>
      %dma_wait3A_1188 = tpu.memref_squeeze %dma_wait3A_1187 : memref<1x50x128xf32, #tpu.memory_space<vmem>> -> memref<50x128xf32, #tpu.memory_space<vmem>>
      %dma_wait3A_1189 = arith.constant 0 : i32
      %dma_wait3A_1190 = arith.constant 0 : i32
      %dma_wait3A_1191 = tpu.memref_slice %arg4[%mul3A_2, %dma_wait3A_1189, %dma_wait3A_1190] : memref<4096x50x128xf32, #tpu.memory_space<hbm>> -> memref<1x50x128xf32, #tpu.memory_space<hbm>>
      %dma_wait3A_1192 = tpu.memref_squeeze %dma_wait3A_1191 : memref<1x50x128xf32, #tpu.memory_space<hbm>> -> memref<50x128xf32, #tpu.memory_space<hbm>>
      %dma_wait3A_1193 = arith.constant 0 : i32
      %dma_wait3A_1194 = arith.constant 0 : i32
      %dma_wait3A_1195 = tpu.memref_slice %arg4[%mul3A_2, %dma_wait3A_1193, %dma_wait3A_1194] : memref<4096x50x128xf32, #tpu.memory_space<hbm>> -> memref<1x50x128xf32, #tpu.memory_space<hbm>>
      %dma_wait3A_1196 = tpu.memref_squeeze %dma_wait3A_1195 : memref<1x50x128xf32, #tpu.memory_space<hbm>> -> memref<50x128xf32, #tpu.memory_space<hbm>>
      %dma_wait3A_1197 = arith.constant 0 : i32
      %dma_wait3A_1198 = arith.constant 0 : i32
      %dma_wait3A_1199 = tpu.memref_slice %arg6[%dma_wait3A_1184, %dma_wait3A_1197, %dma_wait3A_1198] : memref<10x50x128xf32, #tpu.memory_space<vmem>> -> memref<1x50x128xf32, #tpu.memory_space<vmem>>
      %dma_wait3A_1200 = tpu.memref_squeeze %dma_wait3A_1199 : memref<1x50x128xf32, #tpu.memory_space<vmem>> -> memref<50x128xf32, #tpu.memory_space<vmem>>
      tpu.wait_dma2 semaphore(%arg18 : memref<!tpu.dma_semaphore, #tpu.memory_space<semaphore_mem>>) src(%dma_wait3A_1200 : memref<50x128xf32, #tpu.memory_space<vmem>>) dst(%dma_wait3A_1196 : memref<50x128xf32, #tpu.memory_space<hbm>>)
      %add3A_1201 = arith.constant 8 : i32
      %add3A_1202 = arith.addi %add3A_1153, %add3A_1201 : i32
      %dma_start3A_1203 = arith.constant 1 : i32
      %dma_start3A_1204 = arith.constant 0 : i32
      %dma_start3A_1205 = arith.constant 0 : i32
      %dma_start3A_1206 = tpu.memref_slice %arg6[%dma_start3A_1203, %dma_start3A_1204, %dma_start3A_1205] : memref<10x50x128xf32, #tpu.memory_space<vmem>> -> memref<1x50x128xf32, #tpu.memory_space<vmem>>
      %dma_start3A_1207 = tpu.memref_squeeze %dma_start3A_1206 : memref<1x50x128xf32, #tpu.memory_space<vmem>> -> memref<50x128xf32, #tpu.memory_space<vmem>>
      %dma_start3A_1208 = arith.constant 0 : i32
      %dma_start3A_1209 = tpu.memref_slice %arg5[%add3A_1202, %dma_start3A_1208] : memref<128x50xi32, #tpu.memory_space<vmem>> -> memref<1x50xi32, #tpu.memory_space<vmem>>
      %dma_start3A_1210 = tpu.memref_squeeze %dma_start3A_1209 : memref<1x50xi32, #tpu.memory_space<vmem>> -> memref<50xi32, #tpu.memory_space<vmem>>
      %dma_start3A_1211 = arith.constant 0 : i32
      %dma_start3A_1212 = arith.constant 0 : i32
      %dma_start3A_1213 = tpu.memref_slice %arg2[%dma_start3A_1211, %dma_start3A_1212] : memref<100000x128xf32, #tpu.memory_space<hbm>> -> memref<100000x128xf32, #tpu.memory_space<hbm>>
      tpu.enqueue_indirect_dma source(%dma_start3A_1213 : memref<100000x128xf32, #tpu.memory_space<hbm>>) target(%dma_start3A_1207 : memref<50x128xf32, #tpu.memory_space<vmem>>) offsets(%dma_start3A_1210 : memref<50xi32, #tpu.memory_space<vmem>>) semaphore(%arg8 : memref<!tpu.dma_semaphore, #tpu.memory_space<semaphore_mem>>)
      %add3A_1214 = arith.constant 2 : i32
      %add3A_1215 = arith.addi %add3A_1089, %add3A_1214 : i32
      %dma_wait3A_1216 = arith.constant 0 : i32
      %dma_wait3A_1217 = arith.constant 4 : i32
      %dma_wait3A_1218 = arith.constant 0 : i32
      %dma_wait3A_1219 = arith.constant 0 : i32
      %dma_wait3A_1220 = tpu.memref_slice %arg6[%dma_wait3A_1217, %dma_wait3A_1218, %dma_wait3A_1219] : memref<10x50x128xf32, #tpu.memory_space<vmem>> -> memref<1x50x128xf32, #tpu.memory_space<vmem>>
      %dma_wait3A_1221 = tpu.memref_squeeze %dma_wait3A_1220 : memref<1x50x128xf32, #tpu.memory_space<vmem>> -> memref<50x128xf32, #tpu.memory_space<vmem>>
      %dma_wait3A_1222 = arith.constant 0 : i32
      %dma_wait3A_1223 = tpu.memref_slice %arg5[%dma_wait3A_1216, %dma_wait3A_1222] : memref<128x50xi32, #tpu.memory_space<vmem>> -> memref<1x50xi32, #tpu.memory_space<vmem>>
      %dma_wait3A_1224 = tpu.memref_squeeze %dma_wait3A_1223 : memref<1x50xi32, #tpu.memory_space<vmem>> -> memref<50xi32, #tpu.memory_space<vmem>>
      %dma_wait3A_1225 = arith.constant 0 : i32
      %dma_wait3A_1226 = arith.constant 0 : i32
      %dma_wait3A_1227 = tpu.memref_slice %arg2[%dma_wait3A_1225, %dma_wait3A_1226] : memref<100000x128xf32, #tpu.memory_space<hbm>> -> memref<100000x128xf32, #tpu.memory_space<hbm>>
      tpu.wait_indirect_dma semaphore(%arg11 : memref<!tpu.dma_semaphore, #tpu.memory_space<semaphore_mem>>) src(%dma_wait3A_1227 : memref<100000x128xf32, #tpu.memory_space<hbm>>) dst(%dma_wait3A_1221 : memref<50x128xf32, #tpu.memory_space<vmem>>)
      %add3A_1228 = arith.addi %mul3A_2, %add3A_1215 : i32
      %dma_start3A_1229 = arith.constant 4 : i32
      %dma_start3A_1230 = arith.constant 0 : i32
      %dma_start3A_1231 = arith.constant 0 : i32
      %dma_start3A_1232 = tpu.memref_slice %arg6[%dma_start3A_1229, %dma_start3A_1230, %dma_start3A_1231] : memref<10x50x128xf32, #tpu.memory_space<vmem>> -> memref<1x50x128xf32, #tpu.memory_space<vmem>>
      %dma_start3A_1233 = tpu.memref_squeeze %dma_start3A_1232 : memref<1x50x128xf32, #tpu.memory_space<vmem>> -> memref<50x128xf32, #tpu.memory_space<vmem>>
      %dma_start3A_1234 = arith.constant 0 : i32
      %dma_start3A_1235 = arith.constant 0 : i32
      %dma_start3A_1236 = tpu.memref_slice %arg4[%add3A_1228, %dma_start3A_1234, %dma_start3A_1235] : memref<4096x50x128xf32, #tpu.memory_space<hbm>> -> memref<1x50x128xf32, #tpu.memory_space<hbm>>
      %dma_start3A_1237 = tpu.memref_squeeze %dma_start3A_1236 : memref<1x50x128xf32, #tpu.memory_space<hbm>> -> memref<50x128xf32, #tpu.memory_space<hbm>>
      %dma_start3A_1238 = arith.constant 0 : i32
      %dma_start3A_1239 = arith.constant 0 : i32
      %dma_start3A_1240 = tpu.memref_slice %arg4[%add3A_1228, %dma_start3A_1238, %dma_start3A_1239] : memref<4096x50x128xf32, #tpu.memory_space<hbm>> -> memref<1x50x128xf32, #tpu.memory_space<hbm>>
      %dma_start3A_1241 = tpu.memref_squeeze %dma_start3A_1240 : memref<1x50x128xf32, #tpu.memory_space<hbm>> -> memref<50x128xf32, #tpu.memory_space<hbm>>
      %dma_start3A_1242 = arith.constant 0 : i32
      %dma_start3A_1243 = arith.constant 0 : i32
      %dma_start3A_1244 = tpu.memref_slice %arg6[%dma_start3A_1229, %dma_start3A_1242, %dma_start3A_1243] : memref<10x50x128xf32, #tpu.memory_space<vmem>> -> memref<1x50x128xf32, #tpu.memory_space<vmem>>
      %dma_start3A_1245 = tpu.memref_squeeze %dma_start3A_1244 : memref<1x50x128xf32, #tpu.memory_space<vmem>> -> memref<50x128xf32, #tpu.memory_space<vmem>>
      tpu.enqueue_dma source(%dma_start3A_1245 : memref<50x128xf32, #tpu.memory_space<vmem>>) target(%dma_start3A_1241 : memref<50x128xf32, #tpu.memory_space<hbm>>) target_semaphore(%arg21 : memref<!tpu.dma_semaphore, #tpu.memory_space<semaphore_mem>>)
      %dma_wait3A_1246 = arith.constant 2 : i32
      %dma_wait3A_1247 = arith.constant 0 : i32
      %dma_wait3A_1248 = arith.constant 0 : i32
      %dma_wait3A_1249 = tpu.memref_slice %arg6[%dma_wait3A_1246, %dma_wait3A_1247, %dma_wait3A_1248] : memref<10x50x128xf32, #tpu.memory_space<vmem>> -> memref<1x50x128xf32, #tpu.memory_space<vmem>>
      %dma_wait3A_1250 = tpu.memref_squeeze %dma_wait3A_1249 : memref<1x50x128xf32, #tpu.memory_space<vmem>> -> memref<50x128xf32, #tpu.memory_space<vmem>>
      %dma_wait3A_1251 = arith.constant 0 : i32
      %dma_wait3A_1252 = arith.constant 0 : i32
      %dma_wait3A_1253 = tpu.memref_slice %arg4[%mul3A_2, %dma_wait3A_1251, %dma_wait3A_1252] : memref<4096x50x128xf32, #tpu.memory_space<hbm>> -> memref<1x50x128xf32, #tpu.memory_space<hbm>>
      %dma_wait3A_1254 = tpu.memref_squeeze %dma_wait3A_1253 : memref<1x50x128xf32, #tpu.memory_space<hbm>> -> memref<50x128xf32, #tpu.memory_space<hbm>>
      %dma_wait3A_1255 = arith.constant 0 : i32
      %dma_wait3A_1256 = arith.constant 0 : i32
      %dma_wait3A_1257 = tpu.memref_slice %arg4[%mul3A_2, %dma_wait3A_1255, %dma_wait3A_1256] : memref<4096x50x128xf32, #tpu.memory_space<hbm>> -> memref<1x50x128xf32, #tpu.memory_space<hbm>>
      %dma_wait3A_1258 = tpu.memref_squeeze %dma_wait3A_1257 : memref<1x50x128xf32, #tpu.memory_space<hbm>> -> memref<50x128xf32, #tpu.memory_space<hbm>>
      %dma_wait3A_1259 = arith.constant 0 : i32
      %dma_wait3A_1260 = arith.constant 0 : i32
      %dma_wait3A_1261 = tpu.memref_slice %arg6[%dma_wait3A_1246, %dma_wait3A_1259, %dma_wait3A_1260] : memref<10x50x128xf32, #tpu.memory_space<vmem>> -> memref<1x50x128xf32, #tpu.memory_space<vmem>>
      %dma_wait3A_1262 = tpu.memref_squeeze %dma_wait3A_1261 : memref<1x50x128xf32, #tpu.memory_space<vmem>> -> memref<50x128xf32, #tpu.memory_space<vmem>>
      tpu.wait_dma2 semaphore(%arg19 : memref<!tpu.dma_semaphore, #tpu.memory_space<semaphore_mem>>) src(%dma_wait3A_1262 : memref<50x128xf32, #tpu.memory_space<vmem>>) dst(%dma_wait3A_1258 : memref<50x128xf32, #tpu.memory_space<hbm>>)
      %add3A_1263 = arith.constant 8 : i32
      %add3A_1264 = arith.addi %add3A_1215, %add3A_1263 : i32
      %dma_start3A_1265 = arith.constant 2 : i32
      %dma_start3A_1266 = arith.constant 0 : i32
      %dma_start3A_1267 = arith.constant 0 : i32
      %dma_start3A_1268 = tpu.memref_slice %arg6[%dma_start3A_1265, %dma_start3A_1266, %dma_start3A_1267] : memref<10x50x128xf32, #tpu.memory_space<vmem>> -> memref<1x50x128xf32, #tpu.memory_space<vmem>>
      %dma_start3A_1269 = tpu.memref_squeeze %dma_start3A_1268 : memref<1x50x128xf32, #tpu.memory_space<vmem>> -> memref<50x128xf32, #tpu.memory_space<vmem>>
      %dma_start3A_1270 = arith.constant 0 : i32
      %dma_start3A_1271 = tpu.memref_slice %arg5[%add3A_1264, %dma_start3A_1270] : memref<128x50xi32, #tpu.memory_space<vmem>> -> memref<1x50xi32, #tpu.memory_space<vmem>>
      %dma_start3A_1272 = tpu.memref_squeeze %dma_start3A_1271 : memref<1x50xi32, #tpu.memory_space<vmem>> -> memref<50xi32, #tpu.memory_space<vmem>>
      %dma_start3A_1273 = arith.constant 0 : i32
      %dma_start3A_1274 = arith.constant 0 : i32
      %dma_start3A_1275 = tpu.memref_slice %arg2[%dma_start3A_1273, %dma_start3A_1274] : memref<100000x128xf32, #tpu.memory_space<hbm>> -> memref<100000x128xf32, #tpu.memory_space<hbm>>
      tpu.enqueue_indirect_dma source(%dma_start3A_1275 : memref<100000x128xf32, #tpu.memory_space<hbm>>) target(%dma_start3A_1269 : memref<50x128xf32, #tpu.memory_space<vmem>>) offsets(%dma_start3A_1272 : memref<50xi32, #tpu.memory_space<vmem>>) semaphore(%arg9 : memref<!tpu.dma_semaphore, #tpu.memory_space<semaphore_mem>>)
      %add3A_1276 = arith.constant 3 : i32
      %add3A_1277 = arith.addi %add3A_1089, %add3A_1276 : i32
      %dma_wait3A_1278 = arith.constant 0 : i32
      %dma_wait3A_1279 = arith.constant 5 : i32
      %dma_wait3A_1280 = arith.constant 0 : i32
      %dma_wait3A_1281 = arith.constant 0 : i32
      %dma_wait3A_1282 = tpu.memref_slice %arg6[%dma_wait3A_1279, %dma_wait3A_1280, %dma_wait3A_1281] : memref<10x50x128xf32, #tpu.memory_space<vmem>> -> memref<1x50x128xf32, #tpu.memory_space<vmem>>
      %dma_wait3A_1283 = tpu.memref_squeeze %dma_wait3A_1282 : memref<1x50x128xf32, #tpu.memory_space<vmem>> -> memref<50x128xf32, #tpu.memory_space<vmem>>
      %dma_wait3A_1284 = arith.constant 0 : i32
      %dma_wait3A_1285 = tpu.memref_slice %arg5[%dma_wait3A_1278, %dma_wait3A_1284] : memref<128x50xi32, #tpu.memory_space<vmem>> -> memref<1x50xi32, #tpu.memory_space<vmem>>
      %dma_wait3A_1286 = tpu.memref_squeeze %dma_wait3A_1285 : memref<1x50xi32, #tpu.memory_space<vmem>> -> memref<50xi32, #tpu.memory_space<vmem>>
      %dma_wait3A_1287 = arith.constant 0 : i32
      %dma_wait3A_1288 = arith.constant 0 : i32
      %dma_wait3A_1289 = tpu.memref_slice %arg2[%dma_wait3A_1287, %dma_wait3A_1288] : memref<100000x128xf32, #tpu.memory_space<hbm>> -> memref<100000x128xf32, #tpu.memory_space<hbm>>
      tpu.wait_indirect_dma semaphore(%arg12 : memref<!tpu.dma_semaphore, #tpu.memory_space<semaphore_mem>>) src(%dma_wait3A_1289 : memref<100000x128xf32, #tpu.memory_space<hbm>>) dst(%dma_wait3A_1283 : memref<50x128xf32, #tpu.memory_space<vmem>>)
      %add3A_1290 = arith.addi %mul3A_2, %add3A_1277 : i32
      %dma_start3A_1291 = arith.constant 5 : i32
      %dma_start3A_1292 = arith.constant 0 : i32
      %dma_start3A_1293 = arith.constant 0 : i32
      %dma_start3A_1294 = tpu.memref_slice %arg6[%dma_start3A_1291, %dma_start3A_1292, %dma_start3A_1293] : memref<10x50x128xf32, #tpu.memory_space<vmem>> -> memref<1x50x128xf32, #tpu.memory_space<vmem>>
      %dma_start3A_1295 = tpu.memref_squeeze %dma_start3A_1294 : memref<1x50x128xf32, #tpu.memory_space<vmem>> -> memref<50x128xf32, #tpu.memory_space<vmem>>
      %dma_start3A_1296 = arith.constant 0 : i32
      %dma_start3A_1297 = arith.constant 0 : i32
      %dma_start3A_1298 = tpu.memref_slice %arg4[%add3A_1290, %dma_start3A_1296, %dma_start3A_1297] : memref<4096x50x128xf32, #tpu.memory_space<hbm>> -> memref<1x50x128xf32, #tpu.memory_space<hbm>>
      %dma_start3A_1299 = tpu.memref_squeeze %dma_start3A_1298 : memref<1x50x128xf32, #tpu.memory_space<hbm>> -> memref<50x128xf32, #tpu.memory_space<hbm>>
      %dma_start3A_1300 = arith.constant 0 : i32
      %dma_start3A_1301 = arith.constant 0 : i32
      %dma_start3A_1302 = tpu.memref_slice %arg4[%add3A_1290, %dma_start3A_1300, %dma_start3A_1301] : memref<4096x50x128xf32, #tpu.memory_space<hbm>> -> memref<1x50x128xf32, #tpu.memory_space<hbm>>
      %dma_start3A_1303 = tpu.memref_squeeze %dma_start3A_1302 : memref<1x50x128xf32, #tpu.memory_space<hbm>> -> memref<50x128xf32, #tpu.memory_space<hbm>>
      %dma_start3A_1304 = arith.constant 0 : i32
      %dma_start3A_1305 = arith.constant 0 : i32
      %dma_start3A_1306 = tpu.memref_slice %arg6[%dma_start3A_1291, %dma_start3A_1304, %dma_start3A_1305] : memref<10x50x128xf32, #tpu.memory_space<vmem>> -> memref<1x50x128xf32, #tpu.memory_space<vmem>>
      %dma_start3A_1307 = tpu.memref_squeeze %dma_start3A_1306 : memref<1x50x128xf32, #tpu.memory_space<vmem>> -> memref<50x128xf32, #tpu.memory_space<vmem>>
      tpu.enqueue_dma source(%dma_start3A_1307 : memref<50x128xf32, #tpu.memory_space<vmem>>) target(%dma_start3A_1303 : memref<50x128xf32, #tpu.memory_space<hbm>>) target_semaphore(%arg22 : memref<!tpu.dma_semaphore, #tpu.memory_space<semaphore_mem>>)
      %dma_wait3A_1308 = arith.constant 3 : i32
      %dma_wait3A_1309 = arith.constant 0 : i32
      %dma_wait3A_1310 = arith.constant 0 : i32
      %dma_wait3A_1311 = tpu.memref_slice %arg6[%dma_wait3A_1308, %dma_wait3A_1309, %dma_wait3A_1310] : memref<10x50x128xf32, #tpu.memory_space<vmem>> -> memref<1x50x128xf32, #tpu.memory_space<vmem>>
      %dma_wait3A_1312 = tpu.memref_squeeze %dma_wait3A_1311 : memref<1x50x128xf32, #tpu.memory_space<vmem>> -> memref<50x128xf32, #tpu.memory_space<vmem>>
      %dma_wait3A_1313 = arith.constant 0 : i32
      %dma_wait3A_1314 = arith.constant 0 : i32
      %dma_wait3A_1315 = tpu.memref_slice %arg4[%mul3A_2, %dma_wait3A_1313, %dma_wait3A_1314] : memref<4096x50x128xf32, #tpu.memory_space<hbm>> -> memref<1x50x128xf32, #tpu.memory_space<hbm>>
      %dma_wait3A_1316 = tpu.memref_squeeze %dma_wait3A_1315 : memref<1x50x128xf32, #tpu.memory_space<hbm>> -> memref<50x128xf32, #tpu.memory_space<hbm>>
      %dma_wait3A_1317 = arith.constant 0 : i32
      %dma_wait3A_1318 = arith.constant 0 : i32
      %dma_wait3A_1319 = tpu.memref_slice %arg4[%mul3A_2, %dma_wait3A_1317, %dma_wait3A_1318] : memref<4096x50x128xf32, #tpu.memory_space<hbm>> -> memref<1x50x128xf32, #tpu.memory_space<hbm>>
      %dma_wait3A_1320 = tpu.memref_squeeze %dma_wait3A_1319 : memref<1x50x128xf32, #tpu.memory_space<hbm>> -> memref<50x128xf32, #tpu.memory_space<hbm>>
      %dma_wait3A_1321 = arith.constant 0 : i32
      %dma_wait3A_1322 = arith.constant 0 : i32
      %dma_wait3A_1323 = tpu.memref_slice %arg6[%dma_wait3A_1308, %dma_wait3A_1321, %dma_wait3A_1322] : memref<10x50x128xf32, #tpu.memory_space<vmem>> -> memref<1x50x128xf32, #tpu.memory_space<vmem>>
      %dma_wait3A_1324 = tpu.memref_squeeze %dma_wait3A_1323 : memref<1x50x128xf32, #tpu.memory_space<vmem>> -> memref<50x128xf32, #tpu.memory_space<vmem>>
      tpu.wait_dma2 semaphore(%arg20 : memref<!tpu.dma_semaphore, #tpu.memory_space<semaphore_mem>>) src(%dma_wait3A_1324 : memref<50x128xf32, #tpu.memory_space<vmem>>) dst(%dma_wait3A_1320 : memref<50x128xf32, #tpu.memory_space<hbm>>)
      %add3A_1325 = arith.constant 8 : i32
      %add3A_1326 = arith.addi %add3A_1277, %add3A_1325 : i32
      %dma_start3A_1327 = arith.constant 3 : i32
      %dma_start3A_1328 = arith.constant 0 : i32
      %dma_start3A_1329 = arith.constant 0 : i32
      %dma_start3A_1330 = tpu.memref_slice %arg6[%dma_start3A_1327, %dma_start3A_1328, %dma_start3A_1329] : memref<10x50x128xf32, #tpu.memory_space<vmem>> -> memref<1x50x128xf32, #tpu.memory_space<vmem>>
      %dma_start3A_1331 = tpu.memref_squeeze %dma_start3A_1330 : memref<1x50x128xf32, #tpu.memory_space<vmem>> -> memref<50x128xf32, #tpu.memory_space<vmem>>
      %dma_start3A_1332 = arith.constant 0 : i32
      %dma_start3A_1333 = tpu.memref_slice %arg5[%add3A_1326, %dma_start3A_1332] : memref<128x50xi32, #tpu.memory_space<vmem>> -> memref<1x50xi32, #tpu.memory_space<vmem>>
      %dma_start3A_1334 = tpu.memref_squeeze %dma_start3A_1333 : memref<1x50xi32, #tpu.memory_space<vmem>> -> memref<50xi32, #tpu.memory_space<vmem>>
      %dma_start3A_1335 = arith.constant 0 : i32
      %dma_start3A_1336 = arith.constant 0 : i32
      %dma_start3A_1337 = tpu.memref_slice %arg2[%dma_start3A_1335, %dma_start3A_1336] : memref<100000x128xf32, #tpu.memory_space<hbm>> -> memref<100000x128xf32, #tpu.memory_space<hbm>>
      tpu.enqueue_indirect_dma source(%dma_start3A_1337 : memref<100000x128xf32, #tpu.memory_space<hbm>>) target(%dma_start3A_1331 : memref<50x128xf32, #tpu.memory_space<vmem>>) offsets(%dma_start3A_1334 : memref<50xi32, #tpu.memory_space<vmem>>) semaphore(%arg10 : memref<!tpu.dma_semaphore, #tpu.memory_space<semaphore_mem>>)
      %add3A_1338 = arith.constant 4 : i32
      %add3A_1339 = arith.addi %add3A_1089, %add3A_1338 : i32
      %dma_wait3A_1340 = arith.constant 0 : i32
      %dma_wait3A_1341 = arith.constant 6 : i32
      %dma_wait3A_1342 = arith.constant 0 : i32
      %dma_wait3A_1343 = arith.constant 0 : i32
      %dma_wait3A_1344 = tpu.memref_slice %arg6[%dma_wait3A_1341, %dma_wait3A_1342, %dma_wait3A_1343] : memref<10x50x128xf32, #tpu.memory_space<vmem>> -> memref<1x50x128xf32, #tpu.memory_space<vmem>>
      %dma_wait3A_1345 = tpu.memref_squeeze %dma_wait3A_1344 : memref<1x50x128xf32, #tpu.memory_space<vmem>> -> memref<50x128xf32, #tpu.memory_space<vmem>>
      %dma_wait3A_1346 = arith.constant 0 : i32
      %dma_wait3A_1347 = tpu.memref_slice %arg5[%dma_wait3A_1340, %dma_wait3A_1346] : memref<128x50xi32, #tpu.memory_space<vmem>> -> memref<1x50xi32, #tpu.memory_space<vmem>>
      %dma_wait3A_1348 = tpu.memref_squeeze %dma_wait3A_1347 : memref<1x50xi32, #tpu.memory_space<vmem>> -> memref<50xi32, #tpu.memory_space<vmem>>
      %dma_wait3A_1349 = arith.constant 0 : i32
      %dma_wait3A_1350 = arith.constant 0 : i32
      %dma_wait3A_1351 = tpu.memref_slice %arg2[%dma_wait3A_1349, %dma_wait3A_1350] : memref<100000x128xf32, #tpu.memory_space<hbm>> -> memref<100000x128xf32, #tpu.memory_space<hbm>>
      tpu.wait_indirect_dma semaphore(%arg13 : memref<!tpu.dma_semaphore, #tpu.memory_space<semaphore_mem>>) src(%dma_wait3A_1351 : memref<100000x128xf32, #tpu.memory_space<hbm>>) dst(%dma_wait3A_1345 : memref<50x128xf32, #tpu.memory_space<vmem>>)
      %add3A_1352 = arith.addi %mul3A_2, %add3A_1339 : i32
      %dma_start3A_1353 = arith.constant 6 : i32
      %dma_start3A_1354 = arith.constant 0 : i32
      %dma_start3A_1355 = arith.constant 0 : i32
      %dma_start3A_1356 = tpu.memref_slice %arg6[%dma_start3A_1353, %dma_start3A_1354, %dma_start3A_1355] : memref<10x50x128xf32, #tpu.memory_space<vmem>> -> memref<1x50x128xf32, #tpu.memory_space<vmem>>
      %dma_start3A_1357 = tpu.memref_squeeze %dma_start3A_1356 : memref<1x50x128xf32, #tpu.memory_space<vmem>> -> memref<50x128xf32, #tpu.memory_space<vmem>>
      %dma_start3A_1358 = arith.constant 0 : i32
      %dma_start3A_1359 = arith.constant 0 : i32
      %dma_start3A_1360 = tpu.memref_slice %arg4[%add3A_1352, %dma_start3A_1358, %dma_start3A_1359] : memref<4096x50x128xf32, #tpu.memory_space<hbm>> -> memref<1x50x128xf32, #tpu.memory_space<hbm>>
      %dma_start3A_1361 = tpu.memref_squeeze %dma_start3A_1360 : memref<1x50x128xf32, #tpu.memory_space<hbm>> -> memref<50x128xf32, #tpu.memory_space<hbm>>
      %dma_start3A_1362 = arith.constant 0 : i32
      %dma_start3A_1363 = arith.constant 0 : i32
      %dma_start3A_1364 = tpu.memref_slice %arg4[%add3A_1352, %dma_start3A_1362, %dma_start3A_1363] : memref<4096x50x128xf32, #tpu.memory_space<hbm>> -> memref<1x50x128xf32, #tpu.memory_space<hbm>>
      %dma_start3A_1365 = tpu.memref_squeeze %dma_start3A_1364 : memref<1x50x128xf32, #tpu.memory_space<hbm>> -> memref<50x128xf32, #tpu.memory_space<hbm>>
      %dma_start3A_1366 = arith.constant 0 : i32
      %dma_start3A_1367 = arith.constant 0 : i32
      %dma_start3A_1368 = tpu.memref_slice %arg6[%dma_start3A_1353, %dma_start3A_1366, %dma_start3A_1367] : memref<10x50x128xf32, #tpu.memory_space<vmem>> -> memref<1x50x128xf32, #tpu.memory_space<vmem>>
      %dma_start3A_1369 = tpu.memref_squeeze %dma_start3A_1368 : memref<1x50x128xf32, #tpu.memory_space<vmem>> -> memref<50x128xf32, #tpu.memory_space<vmem>>
      tpu.enqueue_dma source(%dma_start3A_1369 : memref<50x128xf32, #tpu.memory_space<vmem>>) target(%dma_start3A_1365 : memref<50x128xf32, #tpu.memory_space<hbm>>) target_semaphore(%arg23 : memref<!tpu.dma_semaphore, #tpu.memory_space<semaphore_mem>>)
      %dma_wait3A_1370 = arith.constant 4 : i32
      %dma_wait3A_1371 = arith.constant 0 : i32
      %dma_wait3A_1372 = arith.constant 0 : i32
      %dma_wait3A_1373 = tpu.memref_slice %arg6[%dma_wait3A_1370, %dma_wait3A_1371, %dma_wait3A_1372] : memref<10x50x128xf32, #tpu.memory_space<vmem>> -> memref<1x50x128xf32, #tpu.memory_space<vmem>>
      %dma_wait3A_1374 = tpu.memref_squeeze %dma_wait3A_1373 : memref<1x50x128xf32, #tpu.memory_space<vmem>> -> memref<50x128xf32, #tpu.memory_space<vmem>>
      %dma_wait3A_1375 = arith.constant 0 : i32
      %dma_wait3A_1376 = arith.constant 0 : i32
      %dma_wait3A_1377 = tpu.memref_slice %arg4[%mul3A_2, %dma_wait3A_1375, %dma_wait3A_1376] : memref<4096x50x128xf32, #tpu.memory_space<hbm>> -> memref<1x50x128xf32, #tpu.memory_space<hbm>>
      %dma_wait3A_1378 = tpu.memref_squeeze %dma_wait3A_1377 : memref<1x50x128xf32, #tpu.memory_space<hbm>> -> memref<50x128xf32, #tpu.memory_space<hbm>>
      %dma_wait3A_1379 = arith.constant 0 : i32
      %dma_wait3A_1380 = arith.constant 0 : i32
      %dma_wait3A_1381 = tpu.memref_slice %arg4[%mul3A_2, %dma_wait3A_1379, %dma_wait3A_1380] : memref<4096x50x128xf32, #tpu.memory_space<hbm>> -> memref<1x50x128xf32, #tpu.memory_space<hbm>>
      %dma_wait3A_1382 = tpu.memref_squeeze %dma_wait3A_1381 : memref<1x50x128xf32, #tpu.memory_space<hbm>> -> memref<50x128xf32, #tpu.memory_space<hbm>>
      %dma_wait3A_1383 = arith.constant 0 : i32
      %dma_wait3A_1384 = arith.constant 0 : i32
      %dma_wait3A_1385 = tpu.memref_slice %arg6[%dma_wait3A_1370, %dma_wait3A_1383, %dma_wait3A_1384] : memref<10x50x128xf32, #tpu.memory_space<vmem>> -> memref<1x50x128xf32, #tpu.memory_space<vmem>>
      %dma_wait3A_1386 = tpu.memref_squeeze %dma_wait3A_1385 : memref<1x50x128xf32, #tpu.memory_space<vmem>> -> memref<50x128xf32, #tpu.memory_space<vmem>>
      tpu.wait_dma2 semaphore(%arg21 : memref<!tpu.dma_semaphore, #tpu.memory_space<semaphore_mem>>) src(%dma_wait3A_1386 : memref<50x128xf32, #tpu.memory_space<vmem>>) dst(%dma_wait3A_1382 : memref<50x128xf32, #tpu.memory_space<hbm>>)
      %add3A_1387 = arith.constant 8 : i32
      %add3A_1388 = arith.addi %add3A_1339, %add3A_1387 : i32
      %dma_start3A_1389 = arith.constant 4 : i32
      %dma_start3A_1390 = arith.constant 0 : i32
      %dma_start3A_1391 = arith.constant 0 : i32
      %dma_start3A_1392 = tpu.memref_slice %arg6[%dma_start3A_1389, %dma_start3A_1390, %dma_start3A_1391] : memref<10x50x128xf32, #tpu.memory_space<vmem>> -> memref<1x50x128xf32, #tpu.memory_space<vmem>>
      %dma_start3A_1393 = tpu.memref_squeeze %dma_start3A_1392 : memref<1x50x128xf32, #tpu.memory_space<vmem>> -> memref<50x128xf32, #tpu.memory_space<vmem>>
      %dma_start3A_1394 = arith.constant 0 : i32
      %dma_start3A_1395 = tpu.memref_slice %arg5[%add3A_1388, %dma_start3A_1394] : memref<128x50xi32, #tpu.memory_space<vmem>> -> memref<1x50xi32, #tpu.memory_space<vmem>>
      %dma_start3A_1396 = tpu.memref_squeeze %dma_start3A_1395 : memref<1x50xi32, #tpu.memory_space<vmem>> -> memref<50xi32, #tpu.memory_space<vmem>>
      %dma_start3A_1397 = arith.constant 0 : i32
      %dma_start3A_1398 = arith.constant 0 : i32
      %dma_start3A_1399 = tpu.memref_slice %arg2[%dma_start3A_1397, %dma_start3A_1398] : memref<100000x128xf32, #tpu.memory_space<hbm>> -> memref<100000x128xf32, #tpu.memory_space<hbm>>
      tpu.enqueue_indirect_dma source(%dma_start3A_1399 : memref<100000x128xf32, #tpu.memory_space<hbm>>) target(%dma_start3A_1393 : memref<50x128xf32, #tpu.memory_space<vmem>>) offsets(%dma_start3A_1396 : memref<50xi32, #tpu.memory_space<vmem>>) semaphore(%arg11 : memref<!tpu.dma_semaphore, #tpu.memory_space<semaphore_mem>>)
      %add3A_1400 = arith.constant 5 : i32
      %add3A_1401 = arith.addi %add3A_1089, %add3A_1400 : i32
      %dma_wait3A_1402 = arith.constant 0 : i32
      %dma_wait3A_1403 = arith.constant 7 : i32
      %dma_wait3A_1404 = arith.constant 0 : i32
      %dma_wait3A_1405 = arith.constant 0 : i32
      %dma_wait3A_1406 = tpu.memref_slice %arg6[%dma_wait3A_1403, %dma_wait3A_1404, %dma_wait3A_1405] : memref<10x50x128xf32, #tpu.memory_space<vmem>> -> memref<1x50x128xf32, #tpu.memory_space<vmem>>
      %dma_wait3A_1407 = tpu.memref_squeeze %dma_wait3A_1406 : memref<1x50x128xf32, #tpu.memory_space<vmem>> -> memref<50x128xf32, #tpu.memory_space<vmem>>
      %dma_wait3A_1408 = arith.constant 0 : i32
      %dma_wait3A_1409 = tpu.memref_slice %arg5[%dma_wait3A_1402, %dma_wait3A_1408] : memref<128x50xi32, #tpu.memory_space<vmem>> -> memref<1x50xi32, #tpu.memory_space<vmem>>
      %dma_wait3A_1410 = tpu.memref_squeeze %dma_wait3A_1409 : memref<1x50xi32, #tpu.memory_space<vmem>> -> memref<50xi32, #tpu.memory_space<vmem>>
      %dma_wait3A_1411 = arith.constant 0 : i32
      %dma_wait3A_1412 = arith.constant 0 : i32
      %dma_wait3A_1413 = tpu.memref_slice %arg2[%dma_wait3A_1411, %dma_wait3A_1412] : memref<100000x128xf32, #tpu.memory_space<hbm>> -> memref<100000x128xf32, #tpu.memory_space<hbm>>
      tpu.wait_indirect_dma semaphore(%arg14 : memref<!tpu.dma_semaphore, #tpu.memory_space<semaphore_mem>>) src(%dma_wait3A_1413 : memref<100000x128xf32, #tpu.memory_space<hbm>>) dst(%dma_wait3A_1407 : memref<50x128xf32, #tpu.memory_space<vmem>>)
      %add3A_1414 = arith.addi %mul3A_2, %add3A_1401 : i32
      %dma_start3A_1415 = arith.constant 7 : i32
      %dma_start3A_1416 = arith.constant 0 : i32
      %dma_start3A_1417 = arith.constant 0 : i32
      %dma_start3A_1418 = tpu.memref_slice %arg6[%dma_start3A_1415, %dma_start3A_1416, %dma_start3A_1417] : memref<10x50x128xf32, #tpu.memory_space<vmem>> -> memref<1x50x128xf32, #tpu.memory_space<vmem>>
      %dma_start3A_1419 = tpu.memref_squeeze %dma_start3A_1418 : memref<1x50x128xf32, #tpu.memory_space<vmem>> -> memref<50x128xf32, #tpu.memory_space<vmem>>
      %dma_start3A_1420 = arith.constant 0 : i32
      %dma_start3A_1421 = arith.constant 0 : i32
      %dma_start3A_1422 = tpu.memref_slice %arg4[%add3A_1414, %dma_start3A_1420, %dma_start3A_1421] : memref<4096x50x128xf32, #tpu.memory_space<hbm>> -> memref<1x50x128xf32, #tpu.memory_space<hbm>>
      %dma_start3A_1423 = tpu.memref_squeeze %dma_start3A_1422 : memref<1x50x128xf32, #tpu.memory_space<hbm>> -> memref<50x128xf32, #tpu.memory_space<hbm>>
      %dma_start3A_1424 = arith.constant 0 : i32
      %dma_start3A_1425 = arith.constant 0 : i32
      %dma_start3A_1426 = tpu.memref_slice %arg4[%add3A_1414, %dma_start3A_1424, %dma_start3A_1425] : memref<4096x50x128xf32, #tpu.memory_space<hbm>> -> memref<1x50x128xf32, #tpu.memory_space<hbm>>
      %dma_start3A_1427 = tpu.memref_squeeze %dma_start3A_1426 : memref<1x50x128xf32, #tpu.memory_space<hbm>> -> memref<50x128xf32, #tpu.memory_space<hbm>>
      %dma_start3A_1428 = arith.constant 0 : i32
      %dma_start3A_1429 = arith.constant 0 : i32
      %dma_start3A_1430 = tpu.memref_slice %arg6[%dma_start3A_1415, %dma_start3A_1428, %dma_start3A_1429] : memref<10x50x128xf32, #tpu.memory_space<vmem>> -> memref<1x50x128xf32, #tpu.memory_space<vmem>>
      %dma_start3A_1431 = tpu.memref_squeeze %dma_start3A_1430 : memref<1x50x128xf32, #tpu.memory_space<vmem>> -> memref<50x128xf32, #tpu.memory_space<vmem>>
      tpu.enqueue_dma source(%dma_start3A_1431 : memref<50x128xf32, #tpu.memory_space<vmem>>) target(%dma_start3A_1427 : memref<50x128xf32, #tpu.memory_space<hbm>>) target_semaphore(%arg24 : memref<!tpu.dma_semaphore, #tpu.memory_space<semaphore_mem>>)
      %dma_wait3A_1432 = arith.constant 5 : i32
      %dma_wait3A_1433 = arith.constant 0 : i32
      %dma_wait3A_1434 = arith.constant 0 : i32
      %dma_wait3A_1435 = tpu.memref_slice %arg6[%dma_wait3A_1432, %dma_wait3A_1433, %dma_wait3A_1434] : memref<10x50x128xf32, #tpu.memory_space<vmem>> -> memref<1x50x128xf32, #tpu.memory_space<vmem>>
      %dma_wait3A_1436 = tpu.memref_squeeze %dma_wait3A_1435 : memref<1x50x128xf32, #tpu.memory_space<vmem>> -> memref<50x128xf32, #tpu.memory_space<vmem>>
      %dma_wait3A_1437 = arith.constant 0 : i32
      %dma_wait3A_1438 = arith.constant 0 : i32
      %dma_wait3A_1439 = tpu.memref_slice %arg4[%mul3A_2, %dma_wait3A_1437, %dma_wait3A_1438] : memref<4096x50x128xf32, #tpu.memory_space<hbm>> -> memref<1x50x128xf32, #tpu.memory_space<hbm>>
      %dma_wait3A_1440 = tpu.memref_squeeze %dma_wait3A_1439 : memref<1x50x128xf32, #tpu.memory_space<hbm>> -> memref<50x128xf32, #tpu.memory_space<hbm>>
      %dma_wait3A_1441 = arith.constant 0 : i32
      %dma_wait3A_1442 = arith.constant 0 : i32
      %dma_wait3A_1443 = tpu.memref_slice %arg4[%mul3A_2, %dma_wait3A_1441, %dma_wait3A_1442] : memref<4096x50x128xf32, #tpu.memory_space<hbm>> -> memref<1x50x128xf32, #tpu.memory_space<hbm>>
      %dma_wait3A_1444 = tpu.memref_squeeze %dma_wait3A_1443 : memref<1x50x128xf32, #tpu.memory_space<hbm>> -> memref<50x128xf32, #tpu.memory_space<hbm>>
      %dma_wait3A_1445 = arith.constant 0 : i32
      %dma_wait3A_1446 = arith.constant 0 : i32
      %dma_wait3A_1447 = tpu.memref_slice %arg6[%dma_wait3A_1432, %dma_wait3A_1445, %dma_wait3A_1446] : memref<10x50x128xf32, #tpu.memory_space<vmem>> -> memref<1x50x128xf32, #tpu.memory_space<vmem>>
      %dma_wait3A_1448 = tpu.memref_squeeze %dma_wait3A_1447 : memref<1x50x128xf32, #tpu.memory_space<vmem>> -> memref<50x128xf32, #tpu.memory_space<vmem>>
      tpu.wait_dma2 semaphore(%arg22 : memref<!tpu.dma_semaphore, #tpu.memory_space<semaphore_mem>>) src(%dma_wait3A_1448 : memref<50x128xf32, #tpu.memory_space<vmem>>) dst(%dma_wait3A_1444 : memref<50x128xf32, #tpu.memory_space<hbm>>)
      %add3A_1449 = arith.constant 8 : i32
      %add3A_1450 = arith.addi %add3A_1401, %add3A_1449 : i32
      %dma_start3A_1451 = arith.constant 5 : i32
      %dma_start3A_1452 = arith.constant 0 : i32
      %dma_start3A_1453 = arith.constant 0 : i32
      %dma_start3A_1454 = tpu.memref_slice %arg6[%dma_start3A_1451, %dma_start3A_1452, %dma_start3A_1453] : memref<10x50x128xf32, #tpu.memory_space<vmem>> -> memref<1x50x128xf32, #tpu.memory_space<vmem>>
      %dma_start3A_1455 = tpu.memref_squeeze %dma_start3A_1454 : memref<1x50x128xf32, #tpu.memory_space<vmem>> -> memref<50x128xf32, #tpu.memory_space<vmem>>
      %dma_start3A_1456 = arith.constant 0 : i32
      %dma_start3A_1457 = tpu.memref_slice %arg5[%add3A_1450, %dma_start3A_1456] : memref<128x50xi32, #tpu.memory_space<vmem>> -> memref<1x50xi32, #tpu.memory_space<vmem>>
      %dma_start3A_1458 = tpu.memref_squeeze %dma_start3A_1457 : memref<1x50xi32, #tpu.memory_space<vmem>> -> memref<50xi32, #tpu.memory_space<vmem>>
      %dma_start3A_1459 = arith.constant 0 : i32
      %dma_start3A_1460 = arith.constant 0 : i32
      %dma_start3A_1461 = tpu.memref_slice %arg2[%dma_start3A_1459, %dma_start3A_1460] : memref<100000x128xf32, #tpu.memory_space<hbm>> -> memref<100000x128xf32, #tpu.memory_space<hbm>>
      tpu.enqueue_indirect_dma source(%dma_start3A_1461 : memref<100000x128xf32, #tpu.memory_space<hbm>>) target(%dma_start3A_1455 : memref<50x128xf32, #tpu.memory_space<vmem>>) offsets(%dma_start3A_1458 : memref<50xi32, #tpu.memory_space<vmem>>) semaphore(%arg12 : memref<!tpu.dma_semaphore, #tpu.memory_space<semaphore_mem>>)
      %add3A_1462 = arith.constant 6 : i32
      %add3A_1463 = arith.addi %add3A_1089, %add3A_1462 : i32
      %dma_wait3A_1464 = arith.constant 0 : i32
      %dma_wait3A_1465 = arith.constant 8 : i32
      %dma_wait3A_1466 = arith.constant 0 : i32
      %dma_wait3A_1467 = arith.constant 0 : i32
      %dma_wait3A_1468 = tpu.memref_slice %arg6[%dma_wait3A_1465, %dma_wait3A_1466, %dma_wait3A_1467] : memref<10x50x128xf32, #tpu.memory_space<vmem>> -> memref<1x50x128xf32, #tpu.memory_space<vmem>>
      %dma_wait3A_1469 = tpu.memref_squeeze %dma_wait3A_1468 : memref<1x50x128xf32, #tpu.memory_space<vmem>> -> memref<50x128xf32, #tpu.memory_space<vmem>>
      %dma_wait3A_1470 = arith.constant 0 : i32
      %dma_wait3A_1471 = tpu.memref_slice %arg5[%dma_wait3A_1464, %dma_wait3A_1470] : memref<128x50xi32, #tpu.memory_space<vmem>> -> memref<1x50xi32, #tpu.memory_space<vmem>>
      %dma_wait3A_1472 = tpu.memref_squeeze %dma_wait3A_1471 : memref<1x50xi32, #tpu.memory_space<vmem>> -> memref<50xi32, #tpu.memory_space<vmem>>
      %dma_wait3A_1473 = arith.constant 0 : i32
      %dma_wait3A_1474 = arith.constant 0 : i32
      %dma_wait3A_1475 = tpu.memref_slice %arg2[%dma_wait3A_1473, %dma_wait3A_1474] : memref<100000x128xf32, #tpu.memory_space<hbm>> -> memref<100000x128xf32, #tpu.memory_space<hbm>>
      tpu.wait_indirect_dma semaphore(%arg15 : memref<!tpu.dma_semaphore, #tpu.memory_space<semaphore_mem>>) src(%dma_wait3A_1475 : memref<100000x128xf32, #tpu.memory_space<hbm>>) dst(%dma_wait3A_1469 : memref<50x128xf32, #tpu.memory_space<vmem>>)
      %add3A_1476 = arith.addi %mul3A_2, %add3A_1463 : i32
      %dma_start3A_1477 = arith.constant 8 : i32
      %dma_start3A_1478 = arith.constant 0 : i32
      %dma_start3A_1479 = arith.constant 0 : i32
      %dma_start3A_1480 = tpu.memref_slice %arg6[%dma_start3A_1477, %dma_start3A_1478, %dma_start3A_1479] : memref<10x50x128xf32, #tpu.memory_space<vmem>> -> memref<1x50x128xf32, #tpu.memory_space<vmem>>
      %dma_start3A_1481 = tpu.memref_squeeze %dma_start3A_1480 : memref<1x50x128xf32, #tpu.memory_space<vmem>> -> memref<50x128xf32, #tpu.memory_space<vmem>>
      %dma_start3A_1482 = arith.constant 0 : i32
      %dma_start3A_1483 = arith.constant 0 : i32
      %dma_start3A_1484 = tpu.memref_slice %arg4[%add3A_1476, %dma_start3A_1482, %dma_start3A_1483] : memref<4096x50x128xf32, #tpu.memory_space<hbm>> -> memref<1x50x128xf32, #tpu.memory_space<hbm>>
      %dma_start3A_1485 = tpu.memref_squeeze %dma_start3A_1484 : memref<1x50x128xf32, #tpu.memory_space<hbm>> -> memref<50x128xf32, #tpu.memory_space<hbm>>
      %dma_start3A_1486 = arith.constant 0 : i32
      %dma_start3A_1487 = arith.constant 0 : i32
      %dma_start3A_1488 = tpu.memref_slice %arg4[%add3A_1476, %dma_start3A_1486, %dma_start3A_1487] : memref<4096x50x128xf32, #tpu.memory_space<hbm>> -> memref<1x50x128xf32, #tpu.memory_space<hbm>>
      %dma_start3A_1489 = tpu.memref_squeeze %dma_start3A_1488 : memref<1x50x128xf32, #tpu.memory_space<hbm>> -> memref<50x128xf32, #tpu.memory_space<hbm>>
      %dma_start3A_1490 = arith.constant 0 : i32
      %dma_start3A_1491 = arith.constant 0 : i32
      %dma_start3A_1492 = tpu.memref_slice %arg6[%dma_start3A_1477, %dma_start3A_1490, %dma_start3A_1491] : memref<10x50x128xf32, #tpu.memory_space<vmem>> -> memref<1x50x128xf32, #tpu.memory_space<vmem>>
      %dma_start3A_1493 = tpu.memref_squeeze %dma_start3A_1492 : memref<1x50x128xf32, #tpu.memory_space<vmem>> -> memref<50x128xf32, #tpu.memory_space<vmem>>
      tpu.enqueue_dma source(%dma_start3A_1493 : memref<50x128xf32, #tpu.memory_space<vmem>>) target(%dma_start3A_1489 : memref<50x128xf32, #tpu.memory_space<hbm>>) target_semaphore(%arg25 : memref<!tpu.dma_semaphore, #tpu.memory_space<semaphore_mem>>)
      %dma_wait3A_1494 = arith.constant 6 : i32
      %dma_wait3A_1495 = arith.constant 0 : i32
      %dma_wait3A_1496 = arith.constant 0 : i32
      %dma_wait3A_1497 = tpu.memref_slice %arg6[%dma_wait3A_1494, %dma_wait3A_1495, %dma_wait3A_1496] : memref<10x50x128xf32, #tpu.memory_space<vmem>> -> memref<1x50x128xf32, #tpu.memory_space<vmem>>
      %dma_wait3A_1498 = tpu.memref_squeeze %dma_wait3A_1497 : memref<1x50x128xf32, #tpu.memory_space<vmem>> -> memref<50x128xf32, #tpu.memory_space<vmem>>
      %dma_wait3A_1499 = arith.constant 0 : i32
      %dma_wait3A_1500 = arith.constant 0 : i32
      %dma_wait3A_1501 = tpu.memref_slice %arg4[%mul3A_2, %dma_wait3A_1499, %dma_wait3A_1500] : memref<4096x50x128xf32, #tpu.memory_space<hbm>> -> memref<1x50x128xf32, #tpu.memory_space<hbm>>
      %dma_wait3A_1502 = tpu.memref_squeeze %dma_wait3A_1501 : memref<1x50x128xf32, #tpu.memory_space<hbm>> -> memref<50x128xf32, #tpu.memory_space<hbm>>
      %dma_wait3A_1503 = arith.constant 0 : i32
      %dma_wait3A_1504 = arith.constant 0 : i32
      %dma_wait3A_1505 = tpu.memref_slice %arg4[%mul3A_2, %dma_wait3A_1503, %dma_wait3A_1504] : memref<4096x50x128xf32, #tpu.memory_space<hbm>> -> memref<1x50x128xf32, #tpu.memory_space<hbm>>
      %dma_wait3A_1506 = tpu.memref_squeeze %dma_wait3A_1505 : memref<1x50x128xf32, #tpu.memory_space<hbm>> -> memref<50x128xf32, #tpu.memory_space<hbm>>
      %dma_wait3A_1507 = arith.constant 0 : i32
      %dma_wait3A_1508 = arith.constant 0 : i32
      %dma_wait3A_1509 = tpu.memref_slice %arg6[%dma_wait3A_1494, %dma_wait3A_1507, %dma_wait3A_1508] : memref<10x50x128xf32, #tpu.memory_space<vmem>> -> memref<1x50x128xf32, #tpu.memory_space<vmem>>
      %dma_wait3A_1510 = tpu.memref_squeeze %dma_wait3A_1509 : memref<1x50x128xf32, #tpu.memory_space<vmem>> -> memref<50x128xf32, #tpu.memory_space<vmem>>
      tpu.wait_dma2 semaphore(%arg23 : memref<!tpu.dma_semaphore, #tpu.memory_space<semaphore_mem>>) src(%dma_wait3A_1510 : memref<50x128xf32, #tpu.memory_space<vmem>>) dst(%dma_wait3A_1506 : memref<50x128xf32, #tpu.memory_space<hbm>>)
      %add3A_1511 = arith.constant 8 : i32
      %add3A_1512 = arith.addi %add3A_1463, %add3A_1511 : i32
      %dma_start3A_1513 = arith.constant 6 : i32
      %dma_start3A_1514 = arith.constant 0 : i32
      %dma_start3A_1515 = arith.constant 0 : i32
      %dma_start3A_1516 = tpu.memref_slice %arg6[%dma_start3A_1513, %dma_start3A_1514, %dma_start3A_1515] : memref<10x50x128xf32, #tpu.memory_space<vmem>> -> memref<1x50x128xf32, #tpu.memory_space<vmem>>
      %dma_start3A_1517 = tpu.memref_squeeze %dma_start3A_1516 : memref<1x50x128xf32, #tpu.memory_space<vmem>> -> memref<50x128xf32, #tpu.memory_space<vmem>>
      %dma_start3A_1518 = arith.constant 0 : i32
      %dma_start3A_1519 = tpu.memref_slice %arg5[%add3A_1512, %dma_start3A_1518] : memref<128x50xi32, #tpu.memory_space<vmem>> -> memref<1x50xi32, #tpu.memory_space<vmem>>
      %dma_start3A_1520 = tpu.memref_squeeze %dma_start3A_1519 : memref<1x50xi32, #tpu.memory_space<vmem>> -> memref<50xi32, #tpu.memory_space<vmem>>
      %dma_start3A_1521 = arith.constant 0 : i32
      %dma_start3A_1522 = arith.constant 0 : i32
      %dma_start3A_1523 = tpu.memref_slice %arg2[%dma_start3A_1521, %dma_start3A_1522] : memref<100000x128xf32, #tpu.memory_space<hbm>> -> memref<100000x128xf32, #tpu.memory_space<hbm>>
      tpu.enqueue_indirect_dma source(%dma_start3A_1523 : memref<100000x128xf32, #tpu.memory_space<hbm>>) target(%dma_start3A_1517 : memref<50x128xf32, #tpu.memory_space<vmem>>) offsets(%dma_start3A_1520 : memref<50xi32, #tpu.memory_space<vmem>>) semaphore(%arg13 : memref<!tpu.dma_semaphore, #tpu.memory_space<semaphore_mem>>)
      %add3A_1524 = arith.constant 7 : i32
      %add3A_1525 = arith.addi %add3A_1089, %add3A_1524 : i32
      %dma_wait3A_1526 = arith.constant 0 : i32
      %dma_wait3A_1527 = arith.constant 9 : i32
      %dma_wait3A_1528 = arith.constant 0 : i32
      %dma_wait3A_1529 = arith.constant 0 : i32
      %dma_wait3A_1530 = tpu.memref_slice %arg6[%dma_wait3A_1527, %dma_wait3A_1528, %dma_wait3A_1529] : memref<10x50x128xf32, #tpu.memory_space<vmem>> -> memref<1x50x128xf32, #tpu.memory_space<vmem>>
      %dma_wait3A_1531 = tpu.memref_squeeze %dma_wait3A_1530 : memref<1x50x128xf32, #tpu.memory_space<vmem>> -> memref<50x128xf32, #tpu.memory_space<vmem>>
      %dma_wait3A_1532 = arith.constant 0 : i32
      %dma_wait3A_1533 = tpu.memref_slice %arg5[%dma_wait3A_1526, %dma_wait3A_1532] : memref<128x50xi32, #tpu.memory_space<vmem>> -> memref<1x50xi32, #tpu.memory_space<vmem>>
      %dma_wait3A_1534 = tpu.memref_squeeze %dma_wait3A_1533 : memref<1x50xi32, #tpu.memory_space<vmem>> -> memref<50xi32, #tpu.memory_space<vmem>>
      %dma_wait3A_1535 = arith.constant 0 : i32
      %dma_wait3A_1536 = arith.constant 0 : i32
      %dma_wait3A_1537 = tpu.memref_slice %arg2[%dma_wait3A_1535, %dma_wait3A_1536] : memref<100000x128xf32, #tpu.memory_space<hbm>> -> memref<100000x128xf32, #tpu.memory_space<hbm>>
      tpu.wait_indirect_dma semaphore(%arg16 : memref<!tpu.dma_semaphore, #tpu.memory_space<semaphore_mem>>) src(%dma_wait3A_1537 : memref<100000x128xf32, #tpu.memory_space<hbm>>) dst(%dma_wait3A_1531 : memref<50x128xf32, #tpu.memory_space<vmem>>)
      %add3A_1538 = arith.addi %mul3A_2, %add3A_1525 : i32
      %dma_start3A_1539 = arith.constant 9 : i32
      %dma_start3A_1540 = arith.constant 0 : i32
      %dma_start3A_1541 = arith.constant 0 : i32
      %dma_start3A_1542 = tpu.memref_slice %arg6[%dma_start3A_1539, %dma_start3A_1540, %dma_start3A_1541] : memref<10x50x128xf32, #tpu.memory_space<vmem>> -> memref<1x50x128xf32, #tpu.memory_space<vmem>>
      %dma_start3A_1543 = tpu.memref_squeeze %dma_start3A_1542 : memref<1x50x128xf32, #tpu.memory_space<vmem>> -> memref<50x128xf32, #tpu.memory_space<vmem>>
      %dma_start3A_1544 = arith.constant 0 : i32
      %dma_start3A_1545 = arith.constant 0 : i32
      %dma_start3A_1546 = tpu.memref_slice %arg4[%add3A_1538, %dma_start3A_1544, %dma_start3A_1545] : memref<4096x50x128xf32, #tpu.memory_space<hbm>> -> memref<1x50x128xf32, #tpu.memory_space<hbm>>
      %dma_start3A_1547 = tpu.memref_squeeze %dma_start3A_1546 : memref<1x50x128xf32, #tpu.memory_space<hbm>> -> memref<50x128xf32, #tpu.memory_space<hbm>>
      %dma_start3A_1548 = arith.constant 0 : i32
      %dma_start3A_1549 = arith.constant 0 : i32
      %dma_start3A_1550 = tpu.memref_slice %arg4[%add3A_1538, %dma_start3A_1548, %dma_start3A_1549] : memref<4096x50x128xf32, #tpu.memory_space<hbm>> -> memref<1x50x128xf32, #tpu.memory_space<hbm>>
      %dma_start3A_1551 = tpu.memref_squeeze %dma_start3A_1550 : memref<1x50x128xf32, #tpu.memory_space<hbm>> -> memref<50x128xf32, #tpu.memory_space<hbm>>
      %dma_start3A_1552 = arith.constant 0 : i32
      %dma_start3A_1553 = arith.constant 0 : i32
      %dma_start3A_1554 = tpu.memref_slice %arg6[%dma_start3A_1539, %dma_start3A_1552, %dma_start3A_1553] : memref<10x50x128xf32, #tpu.memory_space<vmem>> -> memref<1x50x128xf32, #tpu.memory_space<vmem>>
      %dma_start3A_1555 = tpu.memref_squeeze %dma_start3A_1554 : memref<1x50x128xf32, #tpu.memory_space<vmem>> -> memref<50x128xf32, #tpu.memory_space<vmem>>
      tpu.enqueue_dma source(%dma_start3A_1555 : memref<50x128xf32, #tpu.memory_space<vmem>>) target(%dma_start3A_1551 : memref<50x128xf32, #tpu.memory_space<hbm>>) target_semaphore(%arg26 : memref<!tpu.dma_semaphore, #tpu.memory_space<semaphore_mem>>)
      %dma_wait3A_1556 = arith.constant 7 : i32
      %dma_wait3A_1557 = arith.constant 0 : i32
      %dma_wait3A_1558 = arith.constant 0 : i32
      %dma_wait3A_1559 = tpu.memref_slice %arg6[%dma_wait3A_1556, %dma_wait3A_1557, %dma_wait3A_1558] : memref<10x50x128xf32, #tpu.memory_space<vmem>> -> memref<1x50x128xf32, #tpu.memory_space<vmem>>
      %dma_wait3A_1560 = tpu.memref_squeeze %dma_wait3A_1559 : memref<1x50x128xf32, #tpu.memory_space<vmem>> -> memref<50x128xf32, #tpu.memory_space<vmem>>
      %dma_wait3A_1561 = arith.constant 0 : i32
      %dma_wait3A_1562 = arith.constant 0 : i32
      %dma_wait3A_1563 = tpu.memref_slice %arg4[%mul3A_2, %dma_wait3A_1561, %dma_wait3A_1562] : memref<4096x50x128xf32, #tpu.memory_space<hbm>> -> memref<1x50x128xf32, #tpu.memory_space<hbm>>
      %dma_wait3A_1564 = tpu.memref_squeeze %dma_wait3A_1563 : memref<1x50x128xf32, #tpu.memory_space<hbm>> -> memref<50x128xf32, #tpu.memory_space<hbm>>
      %dma_wait3A_1565 = arith.constant 0 : i32
      %dma_wait3A_1566 = arith.constant 0 : i32
      %dma_wait3A_1567 = tpu.memref_slice %arg4[%mul3A_2, %dma_wait3A_1565, %dma_wait3A_1566] : memref<4096x50x128xf32, #tpu.memory_space<hbm>> -> memref<1x50x128xf32, #tpu.memory_space<hbm>>
      %dma_wait3A_1568 = tpu.memref_squeeze %dma_wait3A_1567 : memref<1x50x128xf32, #tpu.memory_space<hbm>> -> memref<50x128xf32, #tpu.memory_space<hbm>>
      %dma_wait3A_1569 = arith.constant 0 : i32
      %dma_wait3A_1570 = arith.constant 0 : i32
      %dma_wait3A_1571 = tpu.memref_slice %arg6[%dma_wait3A_1556, %dma_wait3A_1569, %dma_wait3A_1570] : memref<10x50x128xf32, #tpu.memory_space<vmem>> -> memref<1x50x128xf32, #tpu.memory_space<vmem>>
      %dma_wait3A_1572 = tpu.memref_squeeze %dma_wait3A_1571 : memref<1x50x128xf32, #tpu.memory_space<vmem>> -> memref<50x128xf32, #tpu.memory_space<vmem>>
      tpu.wait_dma2 semaphore(%arg24 : memref<!tpu.dma_semaphore, #tpu.memory_space<semaphore_mem>>) src(%dma_wait3A_1572 : memref<50x128xf32, #tpu.memory_space<vmem>>) dst(%dma_wait3A_1568 : memref<50x128xf32, #tpu.memory_space<hbm>>)
      %add3A_1573 = arith.constant 8 : i32
      %add3A_1574 = arith.addi %add3A_1525, %add3A_1573 : i32
      %dma_start3A_1575 = arith.constant 7 : i32
      %dma_start3A_1576 = arith.constant 0 : i32
      %dma_start3A_1577 = arith.constant 0 : i32
      %dma_start3A_1578 = tpu.memref_slice %arg6[%dma_start3A_1575, %dma_start3A_1576, %dma_start3A_1577] : memref<10x50x128xf32, #tpu.memory_space<vmem>> -> memref<1x50x128xf32, #tpu.memory_space<vmem>>
      %dma_start3A_1579 = tpu.memref_squeeze %dma_start3A_1578 : memref<1x50x128xf32, #tpu.memory_space<vmem>> -> memref<50x128xf32, #tpu.memory_space<vmem>>
      %dma_start3A_1580 = arith.constant 0 : i32
      %dma_start3A_1581 = tpu.memref_slice %arg5[%add3A_1574, %dma_start3A_1580] : memref<128x50xi32, #tpu.memory_space<vmem>> -> memref<1x50xi32, #tpu.memory_space<vmem>>
      %dma_start3A_1582 = tpu.memref_squeeze %dma_start3A_1581 : memref<1x50xi32, #tpu.memory_space<vmem>> -> memref<50xi32, #tpu.memory_space<vmem>>
      %dma_start3A_1583 = arith.constant 0 : i32
      %dma_start3A_1584 = arith.constant 0 : i32
      %dma_start3A_1585 = tpu.memref_slice %arg2[%dma_start3A_1583, %dma_start3A_1584] : memref<100000x128xf32, #tpu.memory_space<hbm>> -> memref<100000x128xf32, #tpu.memory_space<hbm>>
      tpu.enqueue_indirect_dma source(%dma_start3A_1585 : memref<100000x128xf32, #tpu.memory_space<hbm>>) target(%dma_start3A_1579 : memref<50x128xf32, #tpu.memory_space<vmem>>) offsets(%dma_start3A_1582 : memref<50xi32, #tpu.memory_space<vmem>>) semaphore(%arg14 : memref<!tpu.dma_semaphore, #tpu.memory_space<semaphore_mem>>)
      %add3A_1586 = arith.constant 8 : i32
      %add3A_1587 = arith.addi %add3A_1089, %add3A_1586 : i32
      %dma_wait3A_1588 = arith.constant 0 : i32
      %dma_wait3A_1589 = arith.constant 0 : i32
      %dma_wait3A_1590 = arith.constant 0 : i32
      %dma_wait3A_1591 = arith.constant 0 : i32
      %dma_wait3A_1592 = tpu.memref_slice %arg6[%dma_wait3A_1589, %dma_wait3A_1590, %dma_wait3A_1591] : memref<10x50x128xf32, #tpu.memory_space<vmem>> -> memref<1x50x128xf32, #tpu.memory_space<vmem>>
      %dma_wait3A_1593 = tpu.memref_squeeze %dma_wait3A_1592 : memref<1x50x128xf32, #tpu.memory_space<vmem>> -> memref<50x128xf32, #tpu.memory_space<vmem>>
      %dma_wait3A_1594 = arith.constant 0 : i32
      %dma_wait3A_1595 = tpu.memref_slice %arg5[%dma_wait3A_1588, %dma_wait3A_1594] : memref<128x50xi32, #tpu.memory_space<vmem>> -> memref<1x50xi32, #tpu.memory_space<vmem>>
      %dma_wait3A_1596 = tpu.memref_squeeze %dma_wait3A_1595 : memref<1x50xi32, #tpu.memory_space<vmem>> -> memref<50xi32, #tpu.memory_space<vmem>>
      %dma_wait3A_1597 = arith.constant 0 : i32
      %dma_wait3A_1598 = arith.constant 0 : i32
      %dma_wait3A_1599 = tpu.memref_slice %arg2[%dma_wait3A_1597, %dma_wait3A_1598] : memref<100000x128xf32, #tpu.memory_space<hbm>> -> memref<100000x128xf32, #tpu.memory_space<hbm>>
      tpu.wait_indirect_dma semaphore(%arg7 : memref<!tpu.dma_semaphore, #tpu.memory_space<semaphore_mem>>) src(%dma_wait3A_1599 : memref<100000x128xf32, #tpu.memory_space<hbm>>) dst(%dma_wait3A_1593 : memref<50x128xf32, #tpu.memory_space<vmem>>)
      %add3A_1600 = arith.addi %mul3A_2, %add3A_1587 : i32
      %dma_start3A_1601 = arith.constant 0 : i32
      %dma_start3A_1602 = arith.constant 0 : i32
      %dma_start3A_1603 = arith.constant 0 : i32
      %dma_start3A_1604 = tpu.memref_slice %arg6[%dma_start3A_1601, %dma_start3A_1602, %dma_start3A_1603] : memref<10x50x128xf32, #tpu.memory_space<vmem>> -> memref<1x50x128xf32, #tpu.memory_space<vmem>>
      %dma_start3A_1605 = tpu.memref_squeeze %dma_start3A_1604 : memref<1x50x128xf32, #tpu.memory_space<vmem>> -> memref<50x128xf32, #tpu.memory_space<vmem>>
      %dma_start3A_1606 = arith.constant 0 : i32
      %dma_start3A_1607 = arith.constant 0 : i32
      %dma_start3A_1608 = tpu.memref_slice %arg4[%add3A_1600, %dma_start3A_1606, %dma_start3A_1607] : memref<4096x50x128xf32, #tpu.memory_space<hbm>> -> memref<1x50x128xf32, #tpu.memory_space<hbm>>
      %dma_start3A_1609 = tpu.memref_squeeze %dma_start3A_1608 : memref<1x50x128xf32, #tpu.memory_space<hbm>> -> memref<50x128xf32, #tpu.memory_space<hbm>>
      %dma_start3A_1610 = arith.constant 0 : i32
      %dma_start3A_1611 = arith.constant 0 : i32
      %dma_start3A_1612 = tpu.memref_slice %arg4[%add3A_1600, %dma_start3A_1610, %dma_start3A_1611] : memref<4096x50x128xf32, #tpu.memory_space<hbm>> -> memref<1x50x128xf32, #tpu.memory_space<hbm>>
      %dma_start3A_1613 = tpu.memref_squeeze %dma_start3A_1612 : memref<1x50x128xf32, #tpu.memory_space<hbm>> -> memref<50x128xf32, #tpu.memory_space<hbm>>
      %dma_start3A_1614 = arith.constant 0 : i32
      %dma_start3A_1615 = arith.constant 0 : i32
      %dma_start3A_1616 = tpu.memref_slice %arg6[%dma_start3A_1601, %dma_start3A_1614, %dma_start3A_1615] : memref<10x50x128xf32, #tpu.memory_space<vmem>> -> memref<1x50x128xf32, #tpu.memory_space<vmem>>
      %dma_start3A_1617 = tpu.memref_squeeze %dma_start3A_1616 : memref<1x50x128xf32, #tpu.memory_space<vmem>> -> memref<50x128xf32, #tpu.memory_space<vmem>>
      tpu.enqueue_dma source(%dma_start3A_1617 : memref<50x128xf32, #tpu.memory_space<vmem>>) target(%dma_start3A_1613 : memref<50x128xf32, #tpu.memory_space<hbm>>) target_semaphore(%arg17 : memref<!tpu.dma_semaphore, #tpu.memory_space<semaphore_mem>>)
      %dma_wait3A_1618 = arith.constant 8 : i32
      %dma_wait3A_1619 = arith.constant 0 : i32
      %dma_wait3A_1620 = arith.constant 0 : i32
      %dma_wait3A_1621 = tpu.memref_slice %arg6[%dma_wait3A_1618, %dma_wait3A_1619, %dma_wait3A_1620] : memref<10x50x128xf32, #tpu.memory_space<vmem>> -> memref<1x50x128xf32, #tpu.memory_space<vmem>>
      %dma_wait3A_1622 = tpu.memref_squeeze %dma_wait3A_1621 : memref<1x50x128xf32, #tpu.memory_space<vmem>> -> memref<50x128xf32, #tpu.memory_space<vmem>>
      %dma_wait3A_1623 = arith.constant 0 : i32
      %dma_wait3A_1624 = arith.constant 0 : i32
      %dma_wait3A_1625 = tpu.memref_slice %arg4[%mul3A_2, %dma_wait3A_1623, %dma_wait3A_1624] : memref<4096x50x128xf32, #tpu.memory_space<hbm>> -> memref<1x50x128xf32, #tpu.memory_space<hbm>>
      %dma_wait3A_1626 = tpu.memref_squeeze %dma_wait3A_1625 : memref<1x50x128xf32, #tpu.memory_space<hbm>> -> memref<50x128xf32, #tpu.memory_space<hbm>>
      %dma_wait3A_1627 = arith.constant 0 : i32
      %dma_wait3A_1628 = arith.constant 0 : i32
      %dma_wait3A_1629 = tpu.memref_slice %arg4[%mul3A_2, %dma_wait3A_1627, %dma_wait3A_1628] : memref<4096x50x128xf32, #tpu.memory_space<hbm>> -> memref<1x50x128xf32, #tpu.memory_space<hbm>>
      %dma_wait3A_1630 = tpu.memref_squeeze %dma_wait3A_1629 : memref<1x50x128xf32, #tpu.memory_space<hbm>> -> memref<50x128xf32, #tpu.memory_space<hbm>>
      %dma_wait3A_1631 = arith.constant 0 : i32
      %dma_wait3A_1632 = arith.constant 0 : i32
      %dma_wait3A_1633 = tpu.memref_slice %arg6[%dma_wait3A_1618, %dma_wait3A_1631, %dma_wait3A_1632] : memref<10x50x128xf32, #tpu.memory_space<vmem>> -> memref<1x50x128xf32, #tpu.memory_space<vmem>>
      %dma_wait3A_1634 = tpu.memref_squeeze %dma_wait3A_1633 : memref<1x50x128xf32, #tpu.memory_space<vmem>> -> memref<50x128xf32, #tpu.memory_space<vmem>>
      tpu.wait_dma2 semaphore(%arg25 : memref<!tpu.dma_semaphore, #tpu.memory_space<semaphore_mem>>) src(%dma_wait3A_1634 : memref<50x128xf32, #tpu.memory_space<vmem>>) dst(%dma_wait3A_1630 : memref<50x128xf32, #tpu.memory_space<hbm>>)
      %add3A_1635 = arith.constant 8 : i32
      %add3A_1636 = arith.addi %add3A_1587, %add3A_1635 : i32
      %dma_start3A_1637 = arith.constant 8 : i32
      %dma_start3A_1638 = arith.constant 0 : i32
      %dma_start3A_1639 = arith.constant 0 : i32
      %dma_start3A_1640 = tpu.memref_slice %arg6[%dma_start3A_1637, %dma_start3A_1638, %dma_start3A_1639] : memref<10x50x128xf32, #tpu.memory_space<vmem>> -> memref<1x50x128xf32, #tpu.memory_space<vmem>>
      %dma_start3A_1641 = tpu.memref_squeeze %dma_start3A_1640 : memref<1x50x128xf32, #tpu.memory_space<vmem>> -> memref<50x128xf32, #tpu.memory_space<vmem>>
      %dma_start3A_1642 = arith.constant 0 : i32
      %dma_start3A_1643 = tpu.memref_slice %arg5[%add3A_1636, %dma_start3A_1642] : memref<128x50xi32, #tpu.memory_space<vmem>> -> memref<1x50xi32, #tpu.memory_space<vmem>>
      %dma_start3A_1644 = tpu.memref_squeeze %dma_start3A_1643 : memref<1x50xi32, #tpu.memory_space<vmem>> -> memref<50xi32, #tpu.memory_space<vmem>>
      %dma_start3A_1645 = arith.constant 0 : i32
      %dma_start3A_1646 = arith.constant 0 : i32
      %dma_start3A_1647 = tpu.memref_slice %arg2[%dma_start3A_1645, %dma_start3A_1646] : memref<100000x128xf32, #tpu.memory_space<hbm>> -> memref<100000x128xf32, #tpu.memory_space<hbm>>
      tpu.enqueue_indirect_dma source(%dma_start3A_1647 : memref<100000x128xf32, #tpu.memory_space<hbm>>) target(%dma_start3A_1641 : memref<50x128xf32, #tpu.memory_space<vmem>>) offsets(%dma_start3A_1644 : memref<50xi32, #tpu.memory_space<vmem>>) semaphore(%arg15 : memref<!tpu.dma_semaphore, #tpu.memory_space<semaphore_mem>>)
      %add3A_1648 = arith.constant 9 : i32
      %add3A_1649 = arith.addi %add3A_1089, %add3A_1648 : i32
      %dma_wait3A_1650 = arith.constant 0 : i32
      %dma_wait3A_1651 = arith.constant 1 : i32
      %dma_wait3A_1652 = arith.constant 0 : i32
      %dma_wait3A_1653 = arith.constant 0 : i32
      %dma_wait3A_1654 = tpu.memref_slice %arg6[%dma_wait3A_1651, %dma_wait3A_1652, %dma_wait3A_1653] : memref<10x50x128xf32, #tpu.memory_space<vmem>> -> memref<1x50x128xf32, #tpu.memory_space<vmem>>
      %dma_wait3A_1655 = tpu.memref_squeeze %dma_wait3A_1654 : memref<1x50x128xf32, #tpu.memory_space<vmem>> -> memref<50x128xf32, #tpu.memory_space<vmem>>
      %dma_wait3A_1656 = arith.constant 0 : i32
      %dma_wait3A_1657 = tpu.memref_slice %arg5[%dma_wait3A_1650, %dma_wait3A_1656] : memref<128x50xi32, #tpu.memory_space<vmem>> -> memref<1x50xi32, #tpu.memory_space<vmem>>
      %dma_wait3A_1658 = tpu.memref_squeeze %dma_wait3A_1657 : memref<1x50xi32, #tpu.memory_space<vmem>> -> memref<50xi32, #tpu.memory_space<vmem>>
      %dma_wait3A_1659 = arith.constant 0 : i32
      %dma_wait3A_1660 = arith.constant 0 : i32
      %dma_wait3A_1661 = tpu.memref_slice %arg2[%dma_wait3A_1659, %dma_wait3A_1660] : memref<100000x128xf32, #tpu.memory_space<hbm>> -> memref<100000x128xf32, #tpu.memory_space<hbm>>
      tpu.wait_indirect_dma semaphore(%arg8 : memref<!tpu.dma_semaphore, #tpu.memory_space<semaphore_mem>>) src(%dma_wait3A_1661 : memref<100000x128xf32, #tpu.memory_space<hbm>>) dst(%dma_wait3A_1655 : memref<50x128xf32, #tpu.memory_space<vmem>>)
      %add3A_1662 = arith.addi %mul3A_2, %add3A_1649 : i32
      %dma_start3A_1663 = arith.constant 1 : i32
      %dma_start3A_1664 = arith.constant 0 : i32
      %dma_start3A_1665 = arith.constant 0 : i32
      %dma_start3A_1666 = tpu.memref_slice %arg6[%dma_start3A_1663, %dma_start3A_1664, %dma_start3A_1665] : memref<10x50x128xf32, #tpu.memory_space<vmem>> -> memref<1x50x128xf32, #tpu.memory_space<vmem>>
      %dma_start3A_1667 = tpu.memref_squeeze %dma_start3A_1666 : memref<1x50x128xf32, #tpu.memory_space<vmem>> -> memref<50x128xf32, #tpu.memory_space<vmem>>
      %dma_start3A_1668 = arith.constant 0 : i32
      %dma_start3A_1669 = arith.constant 0 : i32
      %dma_start3A_1670 = tpu.memref_slice %arg4[%add3A_1662, %dma_start3A_1668, %dma_start3A_1669] : memref<4096x50x128xf32, #tpu.memory_space<hbm>> -> memref<1x50x128xf32, #tpu.memory_space<hbm>>
      %dma_start3A_1671 = tpu.memref_squeeze %dma_start3A_1670 : memref<1x50x128xf32, #tpu.memory_space<hbm>> -> memref<50x128xf32, #tpu.memory_space<hbm>>
      %dma_start3A_1672 = arith.constant 0 : i32
      %dma_start3A_1673 = arith.constant 0 : i32
      %dma_start3A_1674 = tpu.memref_slice %arg4[%add3A_1662, %dma_start3A_1672, %dma_start3A_1673] : memref<4096x50x128xf32, #tpu.memory_space<hbm>> -> memref<1x50x128xf32, #tpu.memory_space<hbm>>
      %dma_start3A_1675 = tpu.memref_squeeze %dma_start3A_1674 : memref<1x50x128xf32, #tpu.memory_space<hbm>> -> memref<50x128xf32, #tpu.memory_space<hbm>>
      %dma_start3A_1676 = arith.constant 0 : i32
      %dma_start3A_1677 = arith.constant 0 : i32
      %dma_start3A_1678 = tpu.memref_slice %arg6[%dma_start3A_1663, %dma_start3A_1676, %dma_start3A_1677] : memref<10x50x128xf32, #tpu.memory_space<vmem>> -> memref<1x50x128xf32, #tpu.memory_space<vmem>>
      %dma_start3A_1679 = tpu.memref_squeeze %dma_start3A_1678 : memref<1x50x128xf32, #tpu.memory_space<vmem>> -> memref<50x128xf32, #tpu.memory_space<vmem>>
      tpu.enqueue_dma source(%dma_start3A_1679 : memref<50x128xf32, #tpu.memory_space<vmem>>) target(%dma_start3A_1675 : memref<50x128xf32, #tpu.memory_space<hbm>>) target_semaphore(%arg18 : memref<!tpu.dma_semaphore, #tpu.memory_space<semaphore_mem>>)
      %dma_wait3A_1680 = arith.constant 9 : i32
      %dma_wait3A_1681 = arith.constant 0 : i32
      %dma_wait3A_1682 = arith.constant 0 : i32
      %dma_wait3A_1683 = tpu.memref_slice %arg6[%dma_wait3A_1680, %dma_wait3A_1681, %dma_wait3A_1682] : memref<10x50x128xf32, #tpu.memory_space<vmem>> -> memref<1x50x128xf32, #tpu.memory_space<vmem>>
      %dma_wait3A_1684 = tpu.memref_squeeze %dma_wait3A_1683 : memref<1x50x128xf32, #tpu.memory_space<vmem>> -> memref<50x128xf32, #tpu.memory_space<vmem>>
      %dma_wait3A_1685 = arith.constant 0 : i32
      %dma_wait3A_1686 = arith.constant 0 : i32
      %dma_wait3A_1687 = tpu.memref_slice %arg4[%mul3A_2, %dma_wait3A_1685, %dma_wait3A_1686] : memref<4096x50x128xf32, #tpu.memory_space<hbm>> -> memref<1x50x128xf32, #tpu.memory_space<hbm>>
      %dma_wait3A_1688 = tpu.memref_squeeze %dma_wait3A_1687 : memref<1x50x128xf32, #tpu.memory_space<hbm>> -> memref<50x128xf32, #tpu.memory_space<hbm>>
      %dma_wait3A_1689 = arith.constant 0 : i32
      %dma_wait3A_1690 = arith.constant 0 : i32
      %dma_wait3A_1691 = tpu.memref_slice %arg4[%mul3A_2, %dma_wait3A_1689, %dma_wait3A_1690] : memref<4096x50x128xf32, #tpu.memory_space<hbm>> -> memref<1x50x128xf32, #tpu.memory_space<hbm>>
      %dma_wait3A_1692 = tpu.memref_squeeze %dma_wait3A_1691 : memref<1x50x128xf32, #tpu.memory_space<hbm>> -> memref<50x128xf32, #tpu.memory_space<hbm>>
      %dma_wait3A_1693 = arith.constant 0 : i32
      %dma_wait3A_1694 = arith.constant 0 : i32
      %dma_wait3A_1695 = tpu.memref_slice %arg6[%dma_wait3A_1680, %dma_wait3A_1693, %dma_wait3A_1694] : memref<10x50x128xf32, #tpu.memory_space<vmem>> -> memref<1x50x128xf32, #tpu.memory_space<vmem>>
      %dma_wait3A_1696 = tpu.memref_squeeze %dma_wait3A_1695 : memref<1x50x128xf32, #tpu.memory_space<vmem>> -> memref<50x128xf32, #tpu.memory_space<vmem>>
      tpu.wait_dma2 semaphore(%arg26 : memref<!tpu.dma_semaphore, #tpu.memory_space<semaphore_mem>>) src(%dma_wait3A_1696 : memref<50x128xf32, #tpu.memory_space<vmem>>) dst(%dma_wait3A_1692 : memref<50x128xf32, #tpu.memory_space<hbm>>)
      %add3A_1697 = arith.constant 8 : i32
      %add3A_1698 = arith.addi %add3A_1649, %add3A_1697 : i32
      %dma_start3A_1699 = arith.constant 9 : i32
      %dma_start3A_1700 = arith.constant 0 : i32
      %dma_start3A_1701 = arith.constant 0 : i32
      %dma_start3A_1702 = tpu.memref_slice %arg6[%dma_start3A_1699, %dma_start3A_1700, %dma_start3A_1701] : memref<10x50x128xf32, #tpu.memory_space<vmem>> -> memref<1x50x128xf32, #tpu.memory_space<vmem>>
      %dma_start3A_1703 = tpu.memref_squeeze %dma_start3A_1702 : memref<1x50x128xf32, #tpu.memory_space<vmem>> -> memref<50x128xf32, #tpu.memory_space<vmem>>
      %dma_start3A_1704 = arith.constant 0 : i32
      %dma_start3A_1705 = tpu.memref_slice %arg5[%add3A_1698, %dma_start3A_1704] : memref<128x50xi32, #tpu.memory_space<vmem>> -> memref<1x50xi32, #tpu.memory_space<vmem>>
      %dma_start3A_1706 = tpu.memref_squeeze %dma_start3A_1705 : memref<1x50xi32, #tpu.memory_space<vmem>> -> memref<50xi32, #tpu.memory_space<vmem>>
      %dma_start3A_1707 = arith.constant 0 : i32
      %dma_start3A_1708 = arith.constant 0 : i32
      %dma_start3A_1709 = tpu.memref_slice %arg2[%dma_start3A_1707, %dma_start3A_1708] : memref<100000x128xf32, #tpu.memory_space<hbm>> -> memref<100000x128xf32, #tpu.memory_space<hbm>>
      tpu.enqueue_indirect_dma source(%dma_start3A_1709 : memref<100000x128xf32, #tpu.memory_space<hbm>>) target(%dma_start3A_1703 : memref<50x128xf32, #tpu.memory_space<vmem>>) offsets(%dma_start3A_1706 : memref<50xi32, #tpu.memory_space<vmem>>) semaphore(%arg16 : memref<!tpu.dma_semaphore, #tpu.memory_space<semaphore_mem>>)
    }
    %scan3A_186 = arith.constant 11 : i32
    %dma_wait3A_187 = arith.constant 0 : i32
    %dma_wait3A_188 = arith.constant 2 : i32
    %dma_wait3A_189 = arith.constant 0 : i32
    %dma_wait3A_190 = arith.constant 0 : i32
    %dma_wait3A_191 = tpu.memref_slice %arg6[%dma_wait3A_188, %dma_wait3A_189, %dma_wait3A_190] : memref<10x50x128xf32, #tpu.memory_space<vmem>> -> memref<1x50x128xf32, #tpu.memory_space<vmem>>
    %dma_wait3A_192 = tpu.memref_squeeze %dma_wait3A_191 : memref<1x50x128xf32, #tpu.memory_space<vmem>> -> memref<50x128xf32, #tpu.memory_space<vmem>>
    %dma_wait3A_193 = arith.constant 0 : i32
    %dma_wait3A_194 = tpu.memref_slice %arg5[%dma_wait3A_187, %dma_wait3A_193] : memref<128x50xi32, #tpu.memory_space<vmem>> -> memref<1x50xi32, #tpu.memory_space<vmem>>
    %dma_wait3A_195 = tpu.memref_squeeze %dma_wait3A_194 : memref<1x50xi32, #tpu.memory_space<vmem>> -> memref<50xi32, #tpu.memory_space<vmem>>
    %dma_wait3A_196 = arith.constant 0 : i32
    %dma_wait3A_197 = arith.constant 0 : i32
    %dma_wait3A_198 = tpu.memref_slice %arg2[%dma_wait3A_196, %dma_wait3A_197] : memref<100000x128xf32, #tpu.memory_space<hbm>> -> memref<100000x128xf32, #tpu.memory_space<hbm>>
    tpu.wait_indirect_dma semaphore(%arg9 : memref<!tpu.dma_semaphore, #tpu.memory_space<semaphore_mem>>) src(%dma_wait3A_198 : memref<100000x128xf32, #tpu.memory_space<hbm>>) dst(%dma_wait3A_192 : memref<50x128xf32, #tpu.memory_space<vmem>>)
    %add3A_199 = arith.constant 112 : i32
    %add3A_200 = arith.addi %mul3A_2, %add3A_199 : i32
    %dma_start3A_201 = arith.constant 2 : i32
    %dma_start3A_202 = arith.constant 0 : i32
    %dma_start3A_203 = arith.constant 0 : i32
    %dma_start3A_204 = tpu.memref_slice %arg6[%dma_start3A_201, %dma_start3A_202, %dma_start3A_203] : memref<10x50x128xf32, #tpu.memory_space<vmem>> -> memref<1x50x128xf32, #tpu.memory_space<vmem>>
    %dma_start3A_205 = tpu.memref_squeeze %dma_start3A_204 : memref<1x50x128xf32, #tpu.memory_space<vmem>> -> memref<50x128xf32, #tpu.memory_space<vmem>>
    %dma_start3A_206 = arith.constant 0 : i32
    %dma_start3A_207 = arith.constant 0 : i32
    %dma_start3A_208 = tpu.memref_slice %arg4[%add3A_200, %dma_start3A_206, %dma_start3A_207] : memref<4096x50x128xf32, #tpu.memory_space<hbm>> -> memref<1x50x128xf32, #tpu.memory_space<hbm>>
    %dma_start3A_209 = tpu.memref_squeeze %dma_start3A_208 : memref<1x50x128xf32, #tpu.memory_space<hbm>> -> memref<50x128xf32, #tpu.memory_space<hbm>>
    %dma_start3A_210 = arith.constant 0 : i32
    %dma_start3A_211 = arith.constant 0 : i32
    %dma_start3A_212 = tpu.memref_slice %arg4[%add3A_200, %dma_start3A_210, %dma_start3A_211] : memref<4096x50x128xf32, #tpu.memory_space<hbm>> -> memref<1x50x128xf32, #tpu.memory_space<hbm>>
    %dma_start3A_213 = tpu.memref_squeeze %dma_start3A_212 : memref<1x50x128xf32, #tpu.memory_space<hbm>> -> memref<50x128xf32, #tpu.memory_space<hbm>>
    %dma_start3A_214 = arith.constant 0 : i32
    %dma_start3A_215 = arith.constant 0 : i32
    %dma_start3A_216 = tpu.memref_slice %arg6[%dma_start3A_201, %dma_start3A_214, %dma_start3A_215] : memref<10x50x128xf32, #tpu.memory_space<vmem>> -> memref<1x50x128xf32, #tpu.memory_space<vmem>>
    %dma_start3A_217 = tpu.memref_squeeze %dma_start3A_216 : memref<1x50x128xf32, #tpu.memory_space<vmem>> -> memref<50x128xf32, #tpu.memory_space<vmem>>
    tpu.enqueue_dma source(%dma_start3A_217 : memref<50x128xf32, #tpu.memory_space<vmem>>) target(%dma_start3A_213 : memref<50x128xf32, #tpu.memory_space<hbm>>) target_semaphore(%arg19 : memref<!tpu.dma_semaphore, #tpu.memory_space<semaphore_mem>>)
    %dma_wait3A_218 = arith.constant 0 : i32
    %dma_wait3A_219 = arith.constant 0 : i32
    %dma_wait3A_220 = arith.constant 0 : i32
    %dma_wait3A_221 = tpu.memref_slice %arg6[%dma_wait3A_218, %dma_wait3A_219, %dma_wait3A_220] : memref<10x50x128xf32, #tpu.memory_space<vmem>> -> memref<1x50x128xf32, #tpu.memory_space<vmem>>
    %dma_wait3A_222 = tpu.memref_squeeze %dma_wait3A_221 : memref<1x50x128xf32, #tpu.memory_space<vmem>> -> memref<50x128xf32, #tpu.memory_space<vmem>>
    %dma_wait3A_223 = arith.constant 0 : i32
    %dma_wait3A_224 = arith.constant 0 : i32
    %dma_wait3A_225 = tpu.memref_slice %arg4[%mul3A_2, %dma_wait3A_223, %dma_wait3A_224] : memref<4096x50x128xf32, #tpu.memory_space<hbm>> -> memref<1x50x128xf32, #tpu.memory_space<hbm>>
    %dma_wait3A_226 = tpu.memref_squeeze %dma_wait3A_225 : memref<1x50x128xf32, #tpu.memory_space<hbm>> -> memref<50x128xf32, #tpu.memory_space<hbm>>
    %dma_wait3A_227 = arith.constant 0 : i32
    %dma_wait3A_228 = arith.constant 0 : i32
    %dma_wait3A_229 = tpu.memref_slice %arg4[%mul3A_2, %dma_wait3A_227, %dma_wait3A_228] : memref<4096x50x128xf32, #tpu.memory_space<hbm>> -> memref<1x50x128xf32, #tpu.memory_space<hbm>>
    %dma_wait3A_230 = tpu.memref_squeeze %dma_wait3A_229 : memref<1x50x128xf32, #tpu.memory_space<hbm>> -> memref<50x128xf32, #tpu.memory_space<hbm>>
    %dma_wait3A_231 = arith.constant 0 : i32
    %dma_wait3A_232 = arith.constant 0 : i32
    %dma_wait3A_233 = tpu.memref_slice %arg6[%dma_wait3A_218, %dma_wait3A_231, %dma_wait3A_232] : memref<10x50x128xf32, #tpu.memory_space<vmem>> -> memref<1x50x128xf32, #tpu.memory_space<vmem>>
    %dma_wait3A_234 = tpu.memref_squeeze %dma_wait3A_233 : memref<1x50x128xf32, #tpu.memory_space<vmem>> -> memref<50x128xf32, #tpu.memory_space<vmem>>
    tpu.wait_dma2 semaphore(%arg17 : memref<!tpu.dma_semaphore, #tpu.memory_space<semaphore_mem>>) src(%dma_wait3A_234 : memref<50x128xf32, #tpu.memory_space<vmem>>) dst(%dma_wait3A_230 : memref<50x128xf32, #tpu.memory_space<hbm>>)
    %dma_start3A_235 = arith.constant 120 : i32
    %dma_start3A_236 = arith.constant 0 : i32
    %dma_start3A_237 = arith.constant 0 : i32
    %dma_start3A_238 = arith.constant 0 : i32
    %dma_start3A_239 = tpu.memref_slice %arg6[%dma_start3A_236, %dma_start3A_237, %dma_start3A_238] : memref<10x50x128xf32, #tpu.memory_space<vmem>> -> memref<1x50x128xf32, #tpu.memory_space<vmem>>
    %dma_start3A_240 = tpu.memref_squeeze %dma_start3A_239 : memref<1x50x128xf32, #tpu.memory_space<vmem>> -> memref<50x128xf32, #tpu.memory_space<vmem>>
    %dma_start3A_241 = arith.constant 0 : i32
    %dma_start3A_242 = tpu.memref_slice %arg5[%dma_start3A_235, %dma_start3A_241] : memref<128x50xi32, #tpu.memory_space<vmem>> -> memref<1x50xi32, #tpu.memory_space<vmem>>
    %dma_start3A_243 = tpu.memref_squeeze %dma_start3A_242 : memref<1x50xi32, #tpu.memory_space<vmem>> -> memref<50xi32, #tpu.memory_space<vmem>>
    %dma_start3A_244 = arith.constant 0 : i32
    %dma_start3A_245 = arith.constant 0 : i32
    %dma_start3A_246 = tpu.memref_slice %arg2[%dma_start3A_244, %dma_start3A_245] : memref<100000x128xf32, #tpu.memory_space<hbm>> -> memref<100000x128xf32, #tpu.memory_space<hbm>>
    tpu.enqueue_indirect_dma source(%dma_start3A_246 : memref<100000x128xf32, #tpu.memory_space<hbm>>) target(%dma_start3A_240 : memref<50x128xf32, #tpu.memory_space<vmem>>) offsets(%dma_start3A_243 : memref<50xi32, #tpu.memory_space<vmem>>) semaphore(%arg7 : memref<!tpu.dma_semaphore, #tpu.memory_space<semaphore_mem>>)
    %dma_wait3A_247 = arith.constant 0 : i32
    %dma_wait3A_248 = arith.constant 3 : i32
    %dma_wait3A_249 = arith.constant 0 : i32
    %dma_wait3A_250 = arith.constant 0 : i32
    %dma_wait3A_251 = tpu.memref_slice %arg6[%dma_wait3A_248, %dma_wait3A_249, %dma_wait3A_250] : memref<10x50x128xf32, #tpu.memory_space<vmem>> -> memref<1x50x128xf32, #tpu.memory_space<vmem>>
    %dma_wait3A_252 = tpu.memref_squeeze %dma_wait3A_251 : memref<1x50x128xf32, #tpu.memory_space<vmem>> -> memref<50x128xf32, #tpu.memory_space<vmem>>
    %dma_wait3A_253 = arith.constant 0 : i32
    %dma_wait3A_254 = tpu.memref_slice %arg5[%dma_wait3A_247, %dma_wait3A_253] : memref<128x50xi32, #tpu.memory_space<vmem>> -> memref<1x50xi32, #tpu.memory_space<vmem>>
    %dma_wait3A_255 = tpu.memref_squeeze %dma_wait3A_254 : memref<1x50xi32, #tpu.memory_space<vmem>> -> memref<50xi32, #tpu.memory_space<vmem>>
    %dma_wait3A_256 = arith.constant 0 : i32
    %dma_wait3A_257 = arith.constant 0 : i32
    %dma_wait3A_258 = tpu.memref_slice %arg2[%dma_wait3A_256, %dma_wait3A_257] : memref<100000x128xf32, #tpu.memory_space<hbm>> -> memref<100000x128xf32, #tpu.memory_space<hbm>>
    tpu.wait_indirect_dma semaphore(%arg10 : memref<!tpu.dma_semaphore, #tpu.memory_space<semaphore_mem>>) src(%dma_wait3A_258 : memref<100000x128xf32, #tpu.memory_space<hbm>>) dst(%dma_wait3A_252 : memref<50x128xf32, #tpu.memory_space<vmem>>)
    %add3A_259 = arith.constant 113 : i32
    %add3A_260 = arith.addi %mul3A_2, %add3A_259 : i32
    %dma_start3A_261 = arith.constant 3 : i32
    %dma_start3A_262 = arith.constant 0 : i32
    %dma_start3A_263 = arith.constant 0 : i32
    %dma_start3A_264 = tpu.memref_slice %arg6[%dma_start3A_261, %dma_start3A_262, %dma_start3A_263] : memref<10x50x128xf32, #tpu.memory_space<vmem>> -> memref<1x50x128xf32, #tpu.memory_space<vmem>>
    %dma_start3A_265 = tpu.memref_squeeze %dma_start3A_264 : memref<1x50x128xf32, #tpu.memory_space<vmem>> -> memref<50x128xf32, #tpu.memory_space<vmem>>
    %dma_start3A_266 = arith.constant 0 : i32
    %dma_start3A_267 = arith.constant 0 : i32
    %dma_start3A_268 = tpu.memref_slice %arg4[%add3A_260, %dma_start3A_266, %dma_start3A_267] : memref<4096x50x128xf32, #tpu.memory_space<hbm>> -> memref<1x50x128xf32, #tpu.memory_space<hbm>>
    %dma_start3A_269 = tpu.memref_squeeze %dma_start3A_268 : memref<1x50x128xf32, #tpu.memory_space<hbm>> -> memref<50x128xf32, #tpu.memory_space<hbm>>
    %dma_start3A_270 = arith.constant 0 : i32
    %dma_start3A_271 = arith.constant 0 : i32
    %dma_start3A_272 = tpu.memref_slice %arg4[%add3A_260, %dma_start3A_270, %dma_start3A_271] : memref<4096x50x128xf32, #tpu.memory_space<hbm>> -> memref<1x50x128xf32, #tpu.memory_space<hbm>>
    %dma_start3A_273 = tpu.memref_squeeze %dma_start3A_272 : memref<1x50x128xf32, #tpu.memory_space<hbm>> -> memref<50x128xf32, #tpu.memory_space<hbm>>
    %dma_start3A_274 = arith.constant 0 : i32
    %dma_start3A_275 = arith.constant 0 : i32
    %dma_start3A_276 = tpu.memref_slice %arg6[%dma_start3A_261, %dma_start3A_274, %dma_start3A_275] : memref<10x50x128xf32, #tpu.memory_space<vmem>> -> memref<1x50x128xf32, #tpu.memory_space<vmem>>
    %dma_start3A_277 = tpu.memref_squeeze %dma_start3A_276 : memref<1x50x128xf32, #tpu.memory_space<vmem>> -> memref<50x128xf32, #tpu.memory_space<vmem>>
    tpu.enqueue_dma source(%dma_start3A_277 : memref<50x128xf32, #tpu.memory_space<vmem>>) target(%dma_start3A_273 : memref<50x128xf32, #tpu.memory_space<hbm>>) target_semaphore(%arg20 : memref<!tpu.dma_semaphore, #tpu.memory_space<semaphore_mem>>)
    %dma_wait3A_278 = arith.constant 1 : i32
    %dma_wait3A_279 = arith.constant 0 : i32
    %dma_wait3A_280 = arith.constant 0 : i32
    %dma_wait3A_281 = tpu.memref_slice %arg6[%dma_wait3A_278, %dma_wait3A_279, %dma_wait3A_280] : memref<10x50x128xf32, #tpu.memory_space<vmem>> -> memref<1x50x128xf32, #tpu.memory_space<vmem>>
    %dma_wait3A_282 = tpu.memref_squeeze %dma_wait3A_281 : memref<1x50x128xf32, #tpu.memory_space<vmem>> -> memref<50x128xf32, #tpu.memory_space<vmem>>
    %dma_wait3A_283 = arith.constant 0 : i32
    %dma_wait3A_284 = arith.constant 0 : i32
    %dma_wait3A_285 = tpu.memref_slice %arg4[%mul3A_2, %dma_wait3A_283, %dma_wait3A_284] : memref<4096x50x128xf32, #tpu.memory_space<hbm>> -> memref<1x50x128xf32, #tpu.memory_space<hbm>>
    %dma_wait3A_286 = tpu.memref_squeeze %dma_wait3A_285 : memref<1x50x128xf32, #tpu.memory_space<hbm>> -> memref<50x128xf32, #tpu.memory_space<hbm>>
    %dma_wait3A_287 = arith.constant 0 : i32
    %dma_wait3A_288 = arith.constant 0 : i32
    %dma_wait3A_289 = tpu.memref_slice %arg4[%mul3A_2, %dma_wait3A_287, %dma_wait3A_288] : memref<4096x50x128xf32, #tpu.memory_space<hbm>> -> memref<1x50x128xf32, #tpu.memory_space<hbm>>
    %dma_wait3A_290 = tpu.memref_squeeze %dma_wait3A_289 : memref<1x50x128xf32, #tpu.memory_space<hbm>> -> memref<50x128xf32, #tpu.memory_space<hbm>>
    %dma_wait3A_291 = arith.constant 0 : i32
    %dma_wait3A_292 = arith.constant 0 : i32
    %dma_wait3A_293 = tpu.memref_slice %arg6[%dma_wait3A_278, %dma_wait3A_291, %dma_wait3A_292] : memref<10x50x128xf32, #tpu.memory_space<vmem>> -> memref<1x50x128xf32, #tpu.memory_space<vmem>>
    %dma_wait3A_294 = tpu.memref_squeeze %dma_wait3A_293 : memref<1x50x128xf32, #tpu.memory_space<vmem>> -> memref<50x128xf32, #tpu.memory_space<vmem>>
    tpu.wait_dma2 semaphore(%arg18 : memref<!tpu.dma_semaphore, #tpu.memory_space<semaphore_mem>>) src(%dma_wait3A_294 : memref<50x128xf32, #tpu.memory_space<vmem>>) dst(%dma_wait3A_290 : memref<50x128xf32, #tpu.memory_space<hbm>>)
    %dma_start3A_295 = arith.constant 121 : i32
    %dma_start3A_296 = arith.constant 1 : i32
    %dma_start3A_297 = arith.constant 0 : i32
    %dma_start3A_298 = arith.constant 0 : i32
    %dma_start3A_299 = tpu.memref_slice %arg6[%dma_start3A_296, %dma_start3A_297, %dma_start3A_298] : memref<10x50x128xf32, #tpu.memory_space<vmem>> -> memref<1x50x128xf32, #tpu.memory_space<vmem>>
    %dma_start3A_300 = tpu.memref_squeeze %dma_start3A_299 : memref<1x50x128xf32, #tpu.memory_space<vmem>> -> memref<50x128xf32, #tpu.memory_space<vmem>>
    %dma_start3A_301 = arith.constant 0 : i32
    %dma_start3A_302 = tpu.memref_slice %arg5[%dma_start3A_295, %dma_start3A_301] : memref<128x50xi32, #tpu.memory_space<vmem>> -> memref<1x50xi32, #tpu.memory_space<vmem>>
    %dma_start3A_303 = tpu.memref_squeeze %dma_start3A_302 : memref<1x50xi32, #tpu.memory_space<vmem>> -> memref<50xi32, #tpu.memory_space<vmem>>
    %dma_start3A_304 = arith.constant 0 : i32
    %dma_start3A_305 = arith.constant 0 : i32
    %dma_start3A_306 = tpu.memref_slice %arg2[%dma_start3A_304, %dma_start3A_305] : memref<100000x128xf32, #tpu.memory_space<hbm>> -> memref<100000x128xf32, #tpu.memory_space<hbm>>
    tpu.enqueue_indirect_dma source(%dma_start3A_306 : memref<100000x128xf32, #tpu.memory_space<hbm>>) target(%dma_start3A_300 : memref<50x128xf32, #tpu.memory_space<vmem>>) offsets(%dma_start3A_303 : memref<50xi32, #tpu.memory_space<vmem>>) semaphore(%arg8 : memref<!tpu.dma_semaphore, #tpu.memory_space<semaphore_mem>>)
    %dma_wait3A_307 = arith.constant 0 : i32
    %dma_wait3A_308 = arith.constant 4 : i32
    %dma_wait3A_309 = arith.constant 0 : i32
    %dma_wait3A_310 = arith.constant 0 : i32
    %dma_wait3A_311 = tpu.memref_slice %arg6[%dma_wait3A_308, %dma_wait3A_309, %dma_wait3A_310] : memref<10x50x128xf32, #tpu.memory_space<vmem>> -> memref<1x50x128xf32, #tpu.memory_space<vmem>>
    %dma_wait3A_312 = tpu.memref_squeeze %dma_wait3A_311 : memref<1x50x128xf32, #tpu.memory_space<vmem>> -> memref<50x128xf32, #tpu.memory_space<vmem>>
    %dma_wait3A_313 = arith.constant 0 : i32
    %dma_wait3A_314 = tpu.memref_slice %arg5[%dma_wait3A_307, %dma_wait3A_313] : memref<128x50xi32, #tpu.memory_space<vmem>> -> memref<1x50xi32, #tpu.memory_space<vmem>>
    %dma_wait3A_315 = tpu.memref_squeeze %dma_wait3A_314 : memref<1x50xi32, #tpu.memory_space<vmem>> -> memref<50xi32, #tpu.memory_space<vmem>>
    %dma_wait3A_316 = arith.constant 0 : i32
    %dma_wait3A_317 = arith.constant 0 : i32
    %dma_wait3A_318 = tpu.memref_slice %arg2[%dma_wait3A_316, %dma_wait3A_317] : memref<100000x128xf32, #tpu.memory_space<hbm>> -> memref<100000x128xf32, #tpu.memory_space<hbm>>
    tpu.wait_indirect_dma semaphore(%arg11 : memref<!tpu.dma_semaphore, #tpu.memory_space<semaphore_mem>>) src(%dma_wait3A_318 : memref<100000x128xf32, #tpu.memory_space<hbm>>) dst(%dma_wait3A_312 : memref<50x128xf32, #tpu.memory_space<vmem>>)
    %add3A_319 = arith.constant 114 : i32
    %add3A_320 = arith.addi %mul3A_2, %add3A_319 : i32
    %dma_start3A_321 = arith.constant 4 : i32
    %dma_start3A_322 = arith.constant 0 : i32
    %dma_start3A_323 = arith.constant 0 : i32
    %dma_start3A_324 = tpu.memref_slice %arg6[%dma_start3A_321, %dma_start3A_322, %dma_start3A_323] : memref<10x50x128xf32, #tpu.memory_space<vmem>> -> memref<1x50x128xf32, #tpu.memory_space<vmem>>
    %dma_start3A_325 = tpu.memref_squeeze %dma_start3A_324 : memref<1x50x128xf32, #tpu.memory_space<vmem>> -> memref<50x128xf32, #tpu.memory_space<vmem>>
    %dma_start3A_326 = arith.constant 0 : i32
    %dma_start3A_327 = arith.constant 0 : i32
    %dma_start3A_328 = tpu.memref_slice %arg4[%add3A_320, %dma_start3A_326, %dma_start3A_327] : memref<4096x50x128xf32, #tpu.memory_space<hbm>> -> memref<1x50x128xf32, #tpu.memory_space<hbm>>
    %dma_start3A_329 = tpu.memref_squeeze %dma_start3A_328 : memref<1x50x128xf32, #tpu.memory_space<hbm>> -> memref<50x128xf32, #tpu.memory_space<hbm>>
    %dma_start3A_330 = arith.constant 0 : i32
    %dma_start3A_331 = arith.constant 0 : i32
    %dma_start3A_332 = tpu.memref_slice %arg4[%add3A_320, %dma_start3A_330, %dma_start3A_331] : memref<4096x50x128xf32, #tpu.memory_space<hbm>> -> memref<1x50x128xf32, #tpu.memory_space<hbm>>
    %dma_start3A_333 = tpu.memref_squeeze %dma_start3A_332 : memref<1x50x128xf32, #tpu.memory_space<hbm>> -> memref<50x128xf32, #tpu.memory_space<hbm>>
    %dma_start3A_334 = arith.constant 0 : i32
    %dma_start3A_335 = arith.constant 0 : i32
    %dma_start3A_336 = tpu.memref_slice %arg6[%dma_start3A_321, %dma_start3A_334, %dma_start3A_335] : memref<10x50x128xf32, #tpu.memory_space<vmem>> -> memref<1x50x128xf32, #tpu.memory_space<vmem>>
    %dma_start3A_337 = tpu.memref_squeeze %dma_start3A_336 : memref<1x50x128xf32, #tpu.memory_space<vmem>> -> memref<50x128xf32, #tpu.memory_space<vmem>>
    tpu.enqueue_dma source(%dma_start3A_337 : memref<50x128xf32, #tpu.memory_space<vmem>>) target(%dma_start3A_333 : memref<50x128xf32, #tpu.memory_space<hbm>>) target_semaphore(%arg21 : memref<!tpu.dma_semaphore, #tpu.memory_space<semaphore_mem>>)
    %dma_wait3A_338 = arith.constant 2 : i32
    %dma_wait3A_339 = arith.constant 0 : i32
    %dma_wait3A_340 = arith.constant 0 : i32
    %dma_wait3A_341 = tpu.memref_slice %arg6[%dma_wait3A_338, %dma_wait3A_339, %dma_wait3A_340] : memref<10x50x128xf32, #tpu.memory_space<vmem>> -> memref<1x50x128xf32, #tpu.memory_space<vmem>>
    %dma_wait3A_342 = tpu.memref_squeeze %dma_wait3A_341 : memref<1x50x128xf32, #tpu.memory_space<vmem>> -> memref<50x128xf32, #tpu.memory_space<vmem>>
    %dma_wait3A_343 = arith.constant 0 : i32
    %dma_wait3A_344 = arith.constant 0 : i32
    %dma_wait3A_345 = tpu.memref_slice %arg4[%mul3A_2, %dma_wait3A_343, %dma_wait3A_344] : memref<4096x50x128xf32, #tpu.memory_space<hbm>> -> memref<1x50x128xf32, #tpu.memory_space<hbm>>
    %dma_wait3A_346 = tpu.memref_squeeze %dma_wait3A_345 : memref<1x50x128xf32, #tpu.memory_space<hbm>> -> memref<50x128xf32, #tpu.memory_space<hbm>>
    %dma_wait3A_347 = arith.constant 0 : i32
    %dma_wait3A_348 = arith.constant 0 : i32
    %dma_wait3A_349 = tpu.memref_slice %arg4[%mul3A_2, %dma_wait3A_347, %dma_wait3A_348] : memref<4096x50x128xf32, #tpu.memory_space<hbm>> -> memref<1x50x128xf32, #tpu.memory_space<hbm>>
    %dma_wait3A_350 = tpu.memref_squeeze %dma_wait3A_349 : memref<1x50x128xf32, #tpu.memory_space<hbm>> -> memref<50x128xf32, #tpu.memory_space<hbm>>
    %dma_wait3A_351 = arith.constant 0 : i32
    %dma_wait3A_352 = arith.constant 0 : i32
    %dma_wait3A_353 = tpu.memref_slice %arg6[%dma_wait3A_338, %dma_wait3A_351, %dma_wait3A_352] : memref<10x50x128xf32, #tpu.memory_space<vmem>> -> memref<1x50x128xf32, #tpu.memory_space<vmem>>
    %dma_wait3A_354 = tpu.memref_squeeze %dma_wait3A_353 : memref<1x50x128xf32, #tpu.memory_space<vmem>> -> memref<50x128xf32, #tpu.memory_space<vmem>>
    tpu.wait_dma2 semaphore(%arg19 : memref<!tpu.dma_semaphore, #tpu.memory_space<semaphore_mem>>) src(%dma_wait3A_354 : memref<50x128xf32, #tpu.memory_space<vmem>>) dst(%dma_wait3A_350 : memref<50x128xf32, #tpu.memory_space<hbm>>)
    %dma_start3A_355 = arith.constant 122 : i32
    %dma_start3A_356 = arith.constant 2 : i32
    %dma_start3A_357 = arith.constant 0 : i32
    %dma_start3A_358 = arith.constant 0 : i32
    %dma_start3A_359 = tpu.memref_slice %arg6[%dma_start3A_356, %dma_start3A_357, %dma_start3A_358] : memref<10x50x128xf32, #tpu.memory_space<vmem>> -> memref<1x50x128xf32, #tpu.memory_space<vmem>>
    %dma_start3A_360 = tpu.memref_squeeze %dma_start3A_359 : memref<1x50x128xf32, #tpu.memory_space<vmem>> -> memref<50x128xf32, #tpu.memory_space<vmem>>
    %dma_start3A_361 = arith.constant 0 : i32
    %dma_start3A_362 = tpu.memref_slice %arg5[%dma_start3A_355, %dma_start3A_361] : memref<128x50xi32, #tpu.memory_space<vmem>> -> memref<1x50xi32, #tpu.memory_space<vmem>>
    %dma_start3A_363 = tpu.memref_squeeze %dma_start3A_362 : memref<1x50xi32, #tpu.memory_space<vmem>> -> memref<50xi32, #tpu.memory_space<vmem>>
    %dma_start3A_364 = arith.constant 0 : i32
    %dma_start3A_365 = arith.constant 0 : i32
    %dma_start3A_366 = tpu.memref_slice %arg2[%dma_start3A_364, %dma_start3A_365] : memref<100000x128xf32, #tpu.memory_space<hbm>> -> memref<100000x128xf32, #tpu.memory_space<hbm>>
    tpu.enqueue_indirect_dma source(%dma_start3A_366 : memref<100000x128xf32, #tpu.memory_space<hbm>>) target(%dma_start3A_360 : memref<50x128xf32, #tpu.memory_space<vmem>>) offsets(%dma_start3A_363 : memref<50xi32, #tpu.memory_space<vmem>>) semaphore(%arg9 : memref<!tpu.dma_semaphore, #tpu.memory_space<semaphore_mem>>)
    %dma_wait3A_367 = arith.constant 0 : i32
    %dma_wait3A_368 = arith.constant 5 : i32
    %dma_wait3A_369 = arith.constant 0 : i32
    %dma_wait3A_370 = arith.constant 0 : i32
    %dma_wait3A_371 = tpu.memref_slice %arg6[%dma_wait3A_368, %dma_wait3A_369, %dma_wait3A_370] : memref<10x50x128xf32, #tpu.memory_space<vmem>> -> memref<1x50x128xf32, #tpu.memory_space<vmem>>
    %dma_wait3A_372 = tpu.memref_squeeze %dma_wait3A_371 : memref<1x50x128xf32, #tpu.memory_space<vmem>> -> memref<50x128xf32, #tpu.memory_space<vmem>>
    %dma_wait3A_373 = arith.constant 0 : i32
    %dma_wait3A_374 = tpu.memref_slice %arg5[%dma_wait3A_367, %dma_wait3A_373] : memref<128x50xi32, #tpu.memory_space<vmem>> -> memref<1x50xi32, #tpu.memory_space<vmem>>
    %dma_wait3A_375 = tpu.memref_squeeze %dma_wait3A_374 : memref<1x50xi32, #tpu.memory_space<vmem>> -> memref<50xi32, #tpu.memory_space<vmem>>
    %dma_wait3A_376 = arith.constant 0 : i32
    %dma_wait3A_377 = arith.constant 0 : i32
    %dma_wait3A_378 = tpu.memref_slice %arg2[%dma_wait3A_376, %dma_wait3A_377] : memref<100000x128xf32, #tpu.memory_space<hbm>> -> memref<100000x128xf32, #tpu.memory_space<hbm>>
    tpu.wait_indirect_dma semaphore(%arg12 : memref<!tpu.dma_semaphore, #tpu.memory_space<semaphore_mem>>) src(%dma_wait3A_378 : memref<100000x128xf32, #tpu.memory_space<hbm>>) dst(%dma_wait3A_372 : memref<50x128xf32, #tpu.memory_space<vmem>>)
    %add3A_379 = arith.constant 115 : i32
    %add3A_380 = arith.addi %mul3A_2, %add3A_379 : i32
    %dma_start3A_381 = arith.constant 5 : i32
    %dma_start3A_382 = arith.constant 0 : i32
    %dma_start3A_383 = arith.constant 0 : i32
    %dma_start3A_384 = tpu.memref_slice %arg6[%dma_start3A_381, %dma_start3A_382, %dma_start3A_383] : memref<10x50x128xf32, #tpu.memory_space<vmem>> -> memref<1x50x128xf32, #tpu.memory_space<vmem>>
    %dma_start3A_385 = tpu.memref_squeeze %dma_start3A_384 : memref<1x50x128xf32, #tpu.memory_space<vmem>> -> memref<50x128xf32, #tpu.memory_space<vmem>>
    %dma_start3A_386 = arith.constant 0 : i32
    %dma_start3A_387 = arith.constant 0 : i32
    %dma_start3A_388 = tpu.memref_slice %arg4[%add3A_380, %dma_start3A_386, %dma_start3A_387] : memref<4096x50x128xf32, #tpu.memory_space<hbm>> -> memref<1x50x128xf32, #tpu.memory_space<hbm>>
    %dma_start3A_389 = tpu.memref_squeeze %dma_start3A_388 : memref<1x50x128xf32, #tpu.memory_space<hbm>> -> memref<50x128xf32, #tpu.memory_space<hbm>>
    %dma_start3A_390 = arith.constant 0 : i32
    %dma_start3A_391 = arith.constant 0 : i32
    %dma_start3A_392 = tpu.memref_slice %arg4[%add3A_380, %dma_start3A_390, %dma_start3A_391] : memref<4096x50x128xf32, #tpu.memory_space<hbm>> -> memref<1x50x128xf32, #tpu.memory_space<hbm>>
    %dma_start3A_393 = tpu.memref_squeeze %dma_start3A_392 : memref<1x50x128xf32, #tpu.memory_space<hbm>> -> memref<50x128xf32, #tpu.memory_space<hbm>>
    %dma_start3A_394 = arith.constant 0 : i32
    %dma_start3A_395 = arith.constant 0 : i32
    %dma_start3A_396 = tpu.memref_slice %arg6[%dma_start3A_381, %dma_start3A_394, %dma_start3A_395] : memref<10x50x128xf32, #tpu.memory_space<vmem>> -> memref<1x50x128xf32, #tpu.memory_space<vmem>>
    %dma_start3A_397 = tpu.memref_squeeze %dma_start3A_396 : memref<1x50x128xf32, #tpu.memory_space<vmem>> -> memref<50x128xf32, #tpu.memory_space<vmem>>
    tpu.enqueue_dma source(%dma_start3A_397 : memref<50x128xf32, #tpu.memory_space<vmem>>) target(%dma_start3A_393 : memref<50x128xf32, #tpu.memory_space<hbm>>) target_semaphore(%arg22 : memref<!tpu.dma_semaphore, #tpu.memory_space<semaphore_mem>>)
    %dma_wait3A_398 = arith.constant 3 : i32
    %dma_wait3A_399 = arith.constant 0 : i32
    %dma_wait3A_400 = arith.constant 0 : i32
    %dma_wait3A_401 = tpu.memref_slice %arg6[%dma_wait3A_398, %dma_wait3A_399, %dma_wait3A_400] : memref<10x50x128xf32, #tpu.memory_space<vmem>> -> memref<1x50x128xf32, #tpu.memory_space<vmem>>
    %dma_wait3A_402 = tpu.memref_squeeze %dma_wait3A_401 : memref<1x50x128xf32, #tpu.memory_space<vmem>> -> memref<50x128xf32, #tpu.memory_space<vmem>>
    %dma_wait3A_403 = arith.constant 0 : i32
    %dma_wait3A_404 = arith.constant 0 : i32
    %dma_wait3A_405 = tpu.memref_slice %arg4[%mul3A_2, %dma_wait3A_403, %dma_wait3A_404] : memref<4096x50x128xf32, #tpu.memory_space<hbm>> -> memref<1x50x128xf32, #tpu.memory_space<hbm>>
    %dma_wait3A_406 = tpu.memref_squeeze %dma_wait3A_405 : memref<1x50x128xf32, #tpu.memory_space<hbm>> -> memref<50x128xf32, #tpu.memory_space<hbm>>
    %dma_wait3A_407 = arith.constant 0 : i32
    %dma_wait3A_408 = arith.constant 0 : i32
    %dma_wait3A_409 = tpu.memref_slice %arg4[%mul3A_2, %dma_wait3A_407, %dma_wait3A_408] : memref<4096x50x128xf32, #tpu.memory_space<hbm>> -> memref<1x50x128xf32, #tpu.memory_space<hbm>>
    %dma_wait3A_410 = tpu.memref_squeeze %dma_wait3A_409 : memref<1x50x128xf32, #tpu.memory_space<hbm>> -> memref<50x128xf32, #tpu.memory_space<hbm>>
    %dma_wait3A_411 = arith.constant 0 : i32
    %dma_wait3A_412 = arith.constant 0 : i32
    %dma_wait3A_413 = tpu.memref_slice %arg6[%dma_wait3A_398, %dma_wait3A_411, %dma_wait3A_412] : memref<10x50x128xf32, #tpu.memory_space<vmem>> -> memref<1x50x128xf32, #tpu.memory_space<vmem>>
    %dma_wait3A_414 = tpu.memref_squeeze %dma_wait3A_413 : memref<1x50x128xf32, #tpu.memory_space<vmem>> -> memref<50x128xf32, #tpu.memory_space<vmem>>
    tpu.wait_dma2 semaphore(%arg20 : memref<!tpu.dma_semaphore, #tpu.memory_space<semaphore_mem>>) src(%dma_wait3A_414 : memref<50x128xf32, #tpu.memory_space<vmem>>) dst(%dma_wait3A_410 : memref<50x128xf32, #tpu.memory_space<hbm>>)
    %dma_start3A_415 = arith.constant 123 : i32
    %dma_start3A_416 = arith.constant 3 : i32
    %dma_start3A_417 = arith.constant 0 : i32
    %dma_start3A_418 = arith.constant 0 : i32
    %dma_start3A_419 = tpu.memref_slice %arg6[%dma_start3A_416, %dma_start3A_417, %dma_start3A_418] : memref<10x50x128xf32, #tpu.memory_space<vmem>> -> memref<1x50x128xf32, #tpu.memory_space<vmem>>
    %dma_start3A_420 = tpu.memref_squeeze %dma_start3A_419 : memref<1x50x128xf32, #tpu.memory_space<vmem>> -> memref<50x128xf32, #tpu.memory_space<vmem>>
    %dma_start3A_421 = arith.constant 0 : i32
    %dma_start3A_422 = tpu.memref_slice %arg5[%dma_start3A_415, %dma_start3A_421] : memref<128x50xi32, #tpu.memory_space<vmem>> -> memref<1x50xi32, #tpu.memory_space<vmem>>
    %dma_start3A_423 = tpu.memref_squeeze %dma_start3A_422 : memref<1x50xi32, #tpu.memory_space<vmem>> -> memref<50xi32, #tpu.memory_space<vmem>>
    %dma_start3A_424 = arith.constant 0 : i32
    %dma_start3A_425 = arith.constant 0 : i32
    %dma_start3A_426 = tpu.memref_slice %arg2[%dma_start3A_424, %dma_start3A_425] : memref<100000x128xf32, #tpu.memory_space<hbm>> -> memref<100000x128xf32, #tpu.memory_space<hbm>>
    tpu.enqueue_indirect_dma source(%dma_start3A_426 : memref<100000x128xf32, #tpu.memory_space<hbm>>) target(%dma_start3A_420 : memref<50x128xf32, #tpu.memory_space<vmem>>) offsets(%dma_start3A_423 : memref<50xi32, #tpu.memory_space<vmem>>) semaphore(%arg10 : memref<!tpu.dma_semaphore, #tpu.memory_space<semaphore_mem>>)
    %dma_wait3A_427 = arith.constant 0 : i32
    %dma_wait3A_428 = arith.constant 6 : i32
    %dma_wait3A_429 = arith.constant 0 : i32
    %dma_wait3A_430 = arith.constant 0 : i32
    %dma_wait3A_431 = tpu.memref_slice %arg6[%dma_wait3A_428, %dma_wait3A_429, %dma_wait3A_430] : memref<10x50x128xf32, #tpu.memory_space<vmem>> -> memref<1x50x128xf32, #tpu.memory_space<vmem>>
    %dma_wait3A_432 = tpu.memref_squeeze %dma_wait3A_431 : memref<1x50x128xf32, #tpu.memory_space<vmem>> -> memref<50x128xf32, #tpu.memory_space<vmem>>
    %dma_wait3A_433 = arith.constant 0 : i32
    %dma_wait3A_434 = tpu.memref_slice %arg5[%dma_wait3A_427, %dma_wait3A_433] : memref<128x50xi32, #tpu.memory_space<vmem>> -> memref<1x50xi32, #tpu.memory_space<vmem>>
    %dma_wait3A_435 = tpu.memref_squeeze %dma_wait3A_434 : memref<1x50xi32, #tpu.memory_space<vmem>> -> memref<50xi32, #tpu.memory_space<vmem>>
    %dma_wait3A_436 = arith.constant 0 : i32
    %dma_wait3A_437 = arith.constant 0 : i32
    %dma_wait3A_438 = tpu.memref_slice %arg2[%dma_wait3A_436, %dma_wait3A_437] : memref<100000x128xf32, #tpu.memory_space<hbm>> -> memref<100000x128xf32, #tpu.memory_space<hbm>>
    tpu.wait_indirect_dma semaphore(%arg13 : memref<!tpu.dma_semaphore, #tpu.memory_space<semaphore_mem>>) src(%dma_wait3A_438 : memref<100000x128xf32, #tpu.memory_space<hbm>>) dst(%dma_wait3A_432 : memref<50x128xf32, #tpu.memory_space<vmem>>)
    %add3A_439 = arith.constant 116 : i32
    %add3A_440 = arith.addi %mul3A_2, %add3A_439 : i32
    %dma_start3A_441 = arith.constant 6 : i32
    %dma_start3A_442 = arith.constant 0 : i32
    %dma_start3A_443 = arith.constant 0 : i32
    %dma_start3A_444 = tpu.memref_slice %arg6[%dma_start3A_441, %dma_start3A_442, %dma_start3A_443] : memref<10x50x128xf32, #tpu.memory_space<vmem>> -> memref<1x50x128xf32, #tpu.memory_space<vmem>>
    %dma_start3A_445 = tpu.memref_squeeze %dma_start3A_444 : memref<1x50x128xf32, #tpu.memory_space<vmem>> -> memref<50x128xf32, #tpu.memory_space<vmem>>
    %dma_start3A_446 = arith.constant 0 : i32
    %dma_start3A_447 = arith.constant 0 : i32
    %dma_start3A_448 = tpu.memref_slice %arg4[%add3A_440, %dma_start3A_446, %dma_start3A_447] : memref<4096x50x128xf32, #tpu.memory_space<hbm>> -> memref<1x50x128xf32, #tpu.memory_space<hbm>>
    %dma_start3A_449 = tpu.memref_squeeze %dma_start3A_448 : memref<1x50x128xf32, #tpu.memory_space<hbm>> -> memref<50x128xf32, #tpu.memory_space<hbm>>
    %dma_start3A_450 = arith.constant 0 : i32
    %dma_start3A_451 = arith.constant 0 : i32
    %dma_start3A_452 = tpu.memref_slice %arg4[%add3A_440, %dma_start3A_450, %dma_start3A_451] : memref<4096x50x128xf32, #tpu.memory_space<hbm>> -> memref<1x50x128xf32, #tpu.memory_space<hbm>>
    %dma_start3A_453 = tpu.memref_squeeze %dma_start3A_452 : memref<1x50x128xf32, #tpu.memory_space<hbm>> -> memref<50x128xf32, #tpu.memory_space<hbm>>
    %dma_start3A_454 = arith.constant 0 : i32
    %dma_start3A_455 = arith.constant 0 : i32
    %dma_start3A_456 = tpu.memref_slice %arg6[%dma_start3A_441, %dma_start3A_454, %dma_start3A_455] : memref<10x50x128xf32, #tpu.memory_space<vmem>> -> memref<1x50x128xf32, #tpu.memory_space<vmem>>
    %dma_start3A_457 = tpu.memref_squeeze %dma_start3A_456 : memref<1x50x128xf32, #tpu.memory_space<vmem>> -> memref<50x128xf32, #tpu.memory_space<vmem>>
    tpu.enqueue_dma source(%dma_start3A_457 : memref<50x128xf32, #tpu.memory_space<vmem>>) target(%dma_start3A_453 : memref<50x128xf32, #tpu.memory_space<hbm>>) target_semaphore(%arg23 : memref<!tpu.dma_semaphore, #tpu.memory_space<semaphore_mem>>)
    %dma_wait3A_458 = arith.constant 4 : i32
    %dma_wait3A_459 = arith.constant 0 : i32
    %dma_wait3A_460 = arith.constant 0 : i32
    %dma_wait3A_461 = tpu.memref_slice %arg6[%dma_wait3A_458, %dma_wait3A_459, %dma_wait3A_460] : memref<10x50x128xf32, #tpu.memory_space<vmem>> -> memref<1x50x128xf32, #tpu.memory_space<vmem>>
    %dma_wait3A_462 = tpu.memref_squeeze %dma_wait3A_461 : memref<1x50x128xf32, #tpu.memory_space<vmem>> -> memref<50x128xf32, #tpu.memory_space<vmem>>
    %dma_wait3A_463 = arith.constant 0 : i32
    %dma_wait3A_464 = arith.constant 0 : i32
    %dma_wait3A_465 = tpu.memref_slice %arg4[%mul3A_2, %dma_wait3A_463, %dma_wait3A_464] : memref<4096x50x128xf32, #tpu.memory_space<hbm>> -> memref<1x50x128xf32, #tpu.memory_space<hbm>>
    %dma_wait3A_466 = tpu.memref_squeeze %dma_wait3A_465 : memref<1x50x128xf32, #tpu.memory_space<hbm>> -> memref<50x128xf32, #tpu.memory_space<hbm>>
    %dma_wait3A_467 = arith.constant 0 : i32
    %dma_wait3A_468 = arith.constant 0 : i32
    %dma_wait3A_469 = tpu.memref_slice %arg4[%mul3A_2, %dma_wait3A_467, %dma_wait3A_468] : memref<4096x50x128xf32, #tpu.memory_space<hbm>> -> memref<1x50x128xf32, #tpu.memory_space<hbm>>
    %dma_wait3A_470 = tpu.memref_squeeze %dma_wait3A_469 : memref<1x50x128xf32, #tpu.memory_space<hbm>> -> memref<50x128xf32, #tpu.memory_space<hbm>>
    %dma_wait3A_471 = arith.constant 0 : i32
    %dma_wait3A_472 = arith.constant 0 : i32
    %dma_wait3A_473 = tpu.memref_slice %arg6[%dma_wait3A_458, %dma_wait3A_471, %dma_wait3A_472] : memref<10x50x128xf32, #tpu.memory_space<vmem>> -> memref<1x50x128xf32, #tpu.memory_space<vmem>>
    %dma_wait3A_474 = tpu.memref_squeeze %dma_wait3A_473 : memref<1x50x128xf32, #tpu.memory_space<vmem>> -> memref<50x128xf32, #tpu.memory_space<vmem>>
    tpu.wait_dma2 semaphore(%arg21 : memref<!tpu.dma_semaphore, #tpu.memory_space<semaphore_mem>>) src(%dma_wait3A_474 : memref<50x128xf32, #tpu.memory_space<vmem>>) dst(%dma_wait3A_470 : memref<50x128xf32, #tpu.memory_space<hbm>>)
    %dma_start3A_475 = arith.constant 124 : i32
    %dma_start3A_476 = arith.constant 4 : i32
    %dma_start3A_477 = arith.constant 0 : i32
    %dma_start3A_478 = arith.constant 0 : i32
    %dma_start3A_479 = tpu.memref_slice %arg6[%dma_start3A_476, %dma_start3A_477, %dma_start3A_478] : memref<10x50x128xf32, #tpu.memory_space<vmem>> -> memref<1x50x128xf32, #tpu.memory_space<vmem>>
    %dma_start3A_480 = tpu.memref_squeeze %dma_start3A_479 : memref<1x50x128xf32, #tpu.memory_space<vmem>> -> memref<50x128xf32, #tpu.memory_space<vmem>>
    %dma_start3A_481 = arith.constant 0 : i32
    %dma_start3A_482 = tpu.memref_slice %arg5[%dma_start3A_475, %dma_start3A_481] : memref<128x50xi32, #tpu.memory_space<vmem>> -> memref<1x50xi32, #tpu.memory_space<vmem>>
    %dma_start3A_483 = tpu.memref_squeeze %dma_start3A_482 : memref<1x50xi32, #tpu.memory_space<vmem>> -> memref<50xi32, #tpu.memory_space<vmem>>
    %dma_start3A_484 = arith.constant 0 : i32
    %dma_start3A_485 = arith.constant 0 : i32
    %dma_start3A_486 = tpu.memref_slice %arg2[%dma_start3A_484, %dma_start3A_485] : memref<100000x128xf32, #tpu.memory_space<hbm>> -> memref<100000x128xf32, #tpu.memory_space<hbm>>
    tpu.enqueue_indirect_dma source(%dma_start3A_486 : memref<100000x128xf32, #tpu.memory_space<hbm>>) target(%dma_start3A_480 : memref<50x128xf32, #tpu.memory_space<vmem>>) offsets(%dma_start3A_483 : memref<50xi32, #tpu.memory_space<vmem>>) semaphore(%arg11 : memref<!tpu.dma_semaphore, #tpu.memory_space<semaphore_mem>>)
    %dma_wait3A_487 = arith.constant 0 : i32
    %dma_wait3A_488 = arith.constant 7 : i32
    %dma_wait3A_489 = arith.constant 0 : i32
    %dma_wait3A_490 = arith.constant 0 : i32
    %dma_wait3A_491 = tpu.memref_slice %arg6[%dma_wait3A_488, %dma_wait3A_489, %dma_wait3A_490] : memref<10x50x128xf32, #tpu.memory_space<vmem>> -> memref<1x50x128xf32, #tpu.memory_space<vmem>>
    %dma_wait3A_492 = tpu.memref_squeeze %dma_wait3A_491 : memref<1x50x128xf32, #tpu.memory_space<vmem>> -> memref<50x128xf32, #tpu.memory_space<vmem>>
    %dma_wait3A_493 = arith.constant 0 : i32
    %dma_wait3A_494 = tpu.memref_slice %arg5[%dma_wait3A_487, %dma_wait3A_493] : memref<128x50xi32, #tpu.memory_space<vmem>> -> memref<1x50xi32, #tpu.memory_space<vmem>>
    %dma_wait3A_495 = tpu.memref_squeeze %dma_wait3A_494 : memref<1x50xi32, #tpu.memory_space<vmem>> -> memref<50xi32, #tpu.memory_space<vmem>>
    %dma_wait3A_496 = arith.constant 0 : i32
    %dma_wait3A_497 = arith.constant 0 : i32
    %dma_wait3A_498 = tpu.memref_slice %arg2[%dma_wait3A_496, %dma_wait3A_497] : memref<100000x128xf32, #tpu.memory_space<hbm>> -> memref<100000x128xf32, #tpu.memory_space<hbm>>
    tpu.wait_indirect_dma semaphore(%arg14 : memref<!tpu.dma_semaphore, #tpu.memory_space<semaphore_mem>>) src(%dma_wait3A_498 : memref<100000x128xf32, #tpu.memory_space<hbm>>) dst(%dma_wait3A_492 : memref<50x128xf32, #tpu.memory_space<vmem>>)
    %add3A_499 = arith.constant 117 : i32
    %add3A_500 = arith.addi %mul3A_2, %add3A_499 : i32
    %dma_start3A_501 = arith.constant 7 : i32
    %dma_start3A_502 = arith.constant 0 : i32
    %dma_start3A_503 = arith.constant 0 : i32
    %dma_start3A_504 = tpu.memref_slice %arg6[%dma_start3A_501, %dma_start3A_502, %dma_start3A_503] : memref<10x50x128xf32, #tpu.memory_space<vmem>> -> memref<1x50x128xf32, #tpu.memory_space<vmem>>
    %dma_start3A_505 = tpu.memref_squeeze %dma_start3A_504 : memref<1x50x128xf32, #tpu.memory_space<vmem>> -> memref<50x128xf32, #tpu.memory_space<vmem>>
    %dma_start3A_506 = arith.constant 0 : i32
    %dma_start3A_507 = arith.constant 0 : i32
    %dma_start3A_508 = tpu.memref_slice %arg4[%add3A_500, %dma_start3A_506, %dma_start3A_507] : memref<4096x50x128xf32, #tpu.memory_space<hbm>> -> memref<1x50x128xf32, #tpu.memory_space<hbm>>
    %dma_start3A_509 = tpu.memref_squeeze %dma_start3A_508 : memref<1x50x128xf32, #tpu.memory_space<hbm>> -> memref<50x128xf32, #tpu.memory_space<hbm>>
    %dma_start3A_510 = arith.constant 0 : i32
    %dma_start3A_511 = arith.constant 0 : i32
    %dma_start3A_512 = tpu.memref_slice %arg4[%add3A_500, %dma_start3A_510, %dma_start3A_511] : memref<4096x50x128xf32, #tpu.memory_space<hbm>> -> memref<1x50x128xf32, #tpu.memory_space<hbm>>
    %dma_start3A_513 = tpu.memref_squeeze %dma_start3A_512 : memref<1x50x128xf32, #tpu.memory_space<hbm>> -> memref<50x128xf32, #tpu.memory_space<hbm>>
    %dma_start3A_514 = arith.constant 0 : i32
    %dma_start3A_515 = arith.constant 0 : i32
    %dma_start3A_516 = tpu.memref_slice %arg6[%dma_start3A_501, %dma_start3A_514, %dma_start3A_515] : memref<10x50x128xf32, #tpu.memory_space<vmem>> -> memref<1x50x128xf32, #tpu.memory_space<vmem>>
    %dma_start3A_517 = tpu.memref_squeeze %dma_start3A_516 : memref<1x50x128xf32, #tpu.memory_space<vmem>> -> memref<50x128xf32, #tpu.memory_space<vmem>>
    tpu.enqueue_dma source(%dma_start3A_517 : memref<50x128xf32, #tpu.memory_space<vmem>>) target(%dma_start3A_513 : memref<50x128xf32, #tpu.memory_space<hbm>>) target_semaphore(%arg24 : memref<!tpu.dma_semaphore, #tpu.memory_space<semaphore_mem>>)
    %dma_wait3A_518 = arith.constant 5 : i32
    %dma_wait3A_519 = arith.constant 0 : i32
    %dma_wait3A_520 = arith.constant 0 : i32
    %dma_wait3A_521 = tpu.memref_slice %arg6[%dma_wait3A_518, %dma_wait3A_519, %dma_wait3A_520] : memref<10x50x128xf32, #tpu.memory_space<vmem>> -> memref<1x50x128xf32, #tpu.memory_space<vmem>>
    %dma_wait3A_522 = tpu.memref_squeeze %dma_wait3A_521 : memref<1x50x128xf32, #tpu.memory_space<vmem>> -> memref<50x128xf32, #tpu.memory_space<vmem>>
    %dma_wait3A_523 = arith.constant 0 : i32
    %dma_wait3A_524 = arith.constant 0 : i32
    %dma_wait3A_525 = tpu.memref_slice %arg4[%mul3A_2, %dma_wait3A_523, %dma_wait3A_524] : memref<4096x50x128xf32, #tpu.memory_space<hbm>> -> memref<1x50x128xf32, #tpu.memory_space<hbm>>
    %dma_wait3A_526 = tpu.memref_squeeze %dma_wait3A_525 : memref<1x50x128xf32, #tpu.memory_space<hbm>> -> memref<50x128xf32, #tpu.memory_space<hbm>>
    %dma_wait3A_527 = arith.constant 0 : i32
    %dma_wait3A_528 = arith.constant 0 : i32
    %dma_wait3A_529 = tpu.memref_slice %arg4[%mul3A_2, %dma_wait3A_527, %dma_wait3A_528] : memref<4096x50x128xf32, #tpu.memory_space<hbm>> -> memref<1x50x128xf32, #tpu.memory_space<hbm>>
    %dma_wait3A_530 = tpu.memref_squeeze %dma_wait3A_529 : memref<1x50x128xf32, #tpu.memory_space<hbm>> -> memref<50x128xf32, #tpu.memory_space<hbm>>
    %dma_wait3A_531 = arith.constant 0 : i32
    %dma_wait3A_532 = arith.constant 0 : i32
    %dma_wait3A_533 = tpu.memref_slice %arg6[%dma_wait3A_518, %dma_wait3A_531, %dma_wait3A_532] : memref<10x50x128xf32, #tpu.memory_space<vmem>> -> memref<1x50x128xf32, #tpu.memory_space<vmem>>
    %dma_wait3A_534 = tpu.memref_squeeze %dma_wait3A_533 : memref<1x50x128xf32, #tpu.memory_space<vmem>> -> memref<50x128xf32, #tpu.memory_space<vmem>>
    tpu.wait_dma2 semaphore(%arg22 : memref<!tpu.dma_semaphore, #tpu.memory_space<semaphore_mem>>) src(%dma_wait3A_534 : memref<50x128xf32, #tpu.memory_space<vmem>>) dst(%dma_wait3A_530 : memref<50x128xf32, #tpu.memory_space<hbm>>)
    %dma_start3A_535 = arith.constant 125 : i32
    %dma_start3A_536 = arith.constant 5 : i32
    %dma_start3A_537 = arith.constant 0 : i32
    %dma_start3A_538 = arith.constant 0 : i32
    %dma_start3A_539 = tpu.memref_slice %arg6[%dma_start3A_536, %dma_start3A_537, %dma_start3A_538] : memref<10x50x128xf32, #tpu.memory_space<vmem>> -> memref<1x50x128xf32, #tpu.memory_space<vmem>>
    %dma_start3A_540 = tpu.memref_squeeze %dma_start3A_539 : memref<1x50x128xf32, #tpu.memory_space<vmem>> -> memref<50x128xf32, #tpu.memory_space<vmem>>
    %dma_start3A_541 = arith.constant 0 : i32
    %dma_start3A_542 = tpu.memref_slice %arg5[%dma_start3A_535, %dma_start3A_541] : memref<128x50xi32, #tpu.memory_space<vmem>> -> memref<1x50xi32, #tpu.memory_space<vmem>>
    %dma_start3A_543 = tpu.memref_squeeze %dma_start3A_542 : memref<1x50xi32, #tpu.memory_space<vmem>> -> memref<50xi32, #tpu.memory_space<vmem>>
    %dma_start3A_544 = arith.constant 0 : i32
    %dma_start3A_545 = arith.constant 0 : i32
    %dma_start3A_546 = tpu.memref_slice %arg2[%dma_start3A_544, %dma_start3A_545] : memref<100000x128xf32, #tpu.memory_space<hbm>> -> memref<100000x128xf32, #tpu.memory_space<hbm>>
    tpu.enqueue_indirect_dma source(%dma_start3A_546 : memref<100000x128xf32, #tpu.memory_space<hbm>>) target(%dma_start3A_540 : memref<50x128xf32, #tpu.memory_space<vmem>>) offsets(%dma_start3A_543 : memref<50xi32, #tpu.memory_space<vmem>>) semaphore(%arg12 : memref<!tpu.dma_semaphore, #tpu.memory_space<semaphore_mem>>)
    %dma_wait3A_547 = arith.constant 0 : i32
    %dma_wait3A_548 = arith.constant 8 : i32
    %dma_wait3A_549 = arith.constant 0 : i32
    %dma_wait3A_550 = arith.constant 0 : i32
    %dma_wait3A_551 = tpu.memref_slice %arg6[%dma_wait3A_548, %dma_wait3A_549, %dma_wait3A_550] : memref<10x50x128xf32, #tpu.memory_space<vmem>> -> memref<1x50x128xf32, #tpu.memory_space<vmem>>
    %dma_wait3A_552 = tpu.memref_squeeze %dma_wait3A_551 : memref<1x50x128xf32, #tpu.memory_space<vmem>> -> memref<50x128xf32, #tpu.memory_space<vmem>>
    %dma_wait3A_553 = arith.constant 0 : i32
    %dma_wait3A_554 = tpu.memref_slice %arg5[%dma_wait3A_547, %dma_wait3A_553] : memref<128x50xi32, #tpu.memory_space<vmem>> -> memref<1x50xi32, #tpu.memory_space<vmem>>
    %dma_wait3A_555 = tpu.memref_squeeze %dma_wait3A_554 : memref<1x50xi32, #tpu.memory_space<vmem>> -> memref<50xi32, #tpu.memory_space<vmem>>
    %dma_wait3A_556 = arith.constant 0 : i32
    %dma_wait3A_557 = arith.constant 0 : i32
    %dma_wait3A_558 = tpu.memref_slice %arg2[%dma_wait3A_556, %dma_wait3A_557] : memref<100000x128xf32, #tpu.memory_space<hbm>> -> memref<100000x128xf32, #tpu.memory_space<hbm>>
    tpu.wait_indirect_dma semaphore(%arg15 : memref<!tpu.dma_semaphore, #tpu.memory_space<semaphore_mem>>) src(%dma_wait3A_558 : memref<100000x128xf32, #tpu.memory_space<hbm>>) dst(%dma_wait3A_552 : memref<50x128xf32, #tpu.memory_space<vmem>>)
    %add3A_559 = arith.constant 118 : i32
    %add3A_560 = arith.addi %mul3A_2, %add3A_559 : i32
    %dma_start3A_561 = arith.constant 8 : i32
    %dma_start3A_562 = arith.constant 0 : i32
    %dma_start3A_563 = arith.constant 0 : i32
    %dma_start3A_564 = tpu.memref_slice %arg6[%dma_start3A_561, %dma_start3A_562, %dma_start3A_563] : memref<10x50x128xf32, #tpu.memory_space<vmem>> -> memref<1x50x128xf32, #tpu.memory_space<vmem>>
    %dma_start3A_565 = tpu.memref_squeeze %dma_start3A_564 : memref<1x50x128xf32, #tpu.memory_space<vmem>> -> memref<50x128xf32, #tpu.memory_space<vmem>>
    %dma_start3A_566 = arith.constant 0 : i32
    %dma_start3A_567 = arith.constant 0 : i32
    %dma_start3A_568 = tpu.memref_slice %arg4[%add3A_560, %dma_start3A_566, %dma_start3A_567] : memref<4096x50x128xf32, #tpu.memory_space<hbm>> -> memref<1x50x128xf32, #tpu.memory_space<hbm>>
    %dma_start3A_569 = tpu.memref_squeeze %dma_start3A_568 : memref<1x50x128xf32, #tpu.memory_space<hbm>> -> memref<50x128xf32, #tpu.memory_space<hbm>>
    %dma_start3A_570 = arith.constant 0 : i32
    %dma_start3A_571 = arith.constant 0 : i32
    %dma_start3A_572 = tpu.memref_slice %arg4[%add3A_560, %dma_start3A_570, %dma_start3A_571] : memref<4096x50x128xf32, #tpu.memory_space<hbm>> -> memref<1x50x128xf32, #tpu.memory_space<hbm>>
    %dma_start3A_573 = tpu.memref_squeeze %dma_start3A_572 : memref<1x50x128xf32, #tpu.memory_space<hbm>> -> memref<50x128xf32, #tpu.memory_space<hbm>>
    %dma_start3A_574 = arith.constant 0 : i32
    %dma_start3A_575 = arith.constant 0 : i32
    %dma_start3A_576 = tpu.memref_slice %arg6[%dma_start3A_561, %dma_start3A_574, %dma_start3A_575] : memref<10x50x128xf32, #tpu.memory_space<vmem>> -> memref<1x50x128xf32, #tpu.memory_space<vmem>>
    %dma_start3A_577 = tpu.memref_squeeze %dma_start3A_576 : memref<1x50x128xf32, #tpu.memory_space<vmem>> -> memref<50x128xf32, #tpu.memory_space<vmem>>
    tpu.enqueue_dma source(%dma_start3A_577 : memref<50x128xf32, #tpu.memory_space<vmem>>) target(%dma_start3A_573 : memref<50x128xf32, #tpu.memory_space<hbm>>) target_semaphore(%arg25 : memref<!tpu.dma_semaphore, #tpu.memory_space<semaphore_mem>>)
    %dma_wait3A_578 = arith.constant 6 : i32
    %dma_wait3A_579 = arith.constant 0 : i32
    %dma_wait3A_580 = arith.constant 0 : i32
    %dma_wait3A_581 = tpu.memref_slice %arg6[%dma_wait3A_578, %dma_wait3A_579, %dma_wait3A_580] : memref<10x50x128xf32, #tpu.memory_space<vmem>> -> memref<1x50x128xf32, #tpu.memory_space<vmem>>
    %dma_wait3A_582 = tpu.memref_squeeze %dma_wait3A_581 : memref<1x50x128xf32, #tpu.memory_space<vmem>> -> memref<50x128xf32, #tpu.memory_space<vmem>>
    %dma_wait3A_583 = arith.constant 0 : i32
    %dma_wait3A_584 = arith.constant 0 : i32
    %dma_wait3A_585 = tpu.memref_slice %arg4[%mul3A_2, %dma_wait3A_583, %dma_wait3A_584] : memref<4096x50x128xf32, #tpu.memory_space<hbm>> -> memref<1x50x128xf32, #tpu.memory_space<hbm>>
    %dma_wait3A_586 = tpu.memref_squeeze %dma_wait3A_585 : memref<1x50x128xf32, #tpu.memory_space<hbm>> -> memref<50x128xf32, #tpu.memory_space<hbm>>
    %dma_wait3A_587 = arith.constant 0 : i32
    %dma_wait3A_588 = arith.constant 0 : i32
    %dma_wait3A_589 = tpu.memref_slice %arg4[%mul3A_2, %dma_wait3A_587, %dma_wait3A_588] : memref<4096x50x128xf32, #tpu.memory_space<hbm>> -> memref<1x50x128xf32, #tpu.memory_space<hbm>>
    %dma_wait3A_590 = tpu.memref_squeeze %dma_wait3A_589 : memref<1x50x128xf32, #tpu.memory_space<hbm>> -> memref<50x128xf32, #tpu.memory_space<hbm>>
    %dma_wait3A_591 = arith.constant 0 : i32
    %dma_wait3A_592 = arith.constant 0 : i32
    %dma_wait3A_593 = tpu.memref_slice %arg6[%dma_wait3A_578, %dma_wait3A_591, %dma_wait3A_592] : memref<10x50x128xf32, #tpu.memory_space<vmem>> -> memref<1x50x128xf32, #tpu.memory_space<vmem>>
    %dma_wait3A_594 = tpu.memref_squeeze %dma_wait3A_593 : memref<1x50x128xf32, #tpu.memory_space<vmem>> -> memref<50x128xf32, #tpu.memory_space<vmem>>
    tpu.wait_dma2 semaphore(%arg23 : memref<!tpu.dma_semaphore, #tpu.memory_space<semaphore_mem>>) src(%dma_wait3A_594 : memref<50x128xf32, #tpu.memory_space<vmem>>) dst(%dma_wait3A_590 : memref<50x128xf32, #tpu.memory_space<hbm>>)
    %dma_start3A_595 = arith.constant 126 : i32
    %dma_start3A_596 = arith.constant 6 : i32
    %dma_start3A_597 = arith.constant 0 : i32
    %dma_start3A_598 = arith.constant 0 : i32
    %dma_start3A_599 = tpu.memref_slice %arg6[%dma_start3A_596, %dma_start3A_597, %dma_start3A_598] : memref<10x50x128xf32, #tpu.memory_space<vmem>> -> memref<1x50x128xf32, #tpu.memory_space<vmem>>
    %dma_start3A_600 = tpu.memref_squeeze %dma_start3A_599 : memref<1x50x128xf32, #tpu.memory_space<vmem>> -> memref<50x128xf32, #tpu.memory_space<vmem>>
    %dma_start3A_601 = arith.constant 0 : i32
    %dma_start3A_602 = tpu.memref_slice %arg5[%dma_start3A_595, %dma_start3A_601] : memref<128x50xi32, #tpu.memory_space<vmem>> -> memref<1x50xi32, #tpu.memory_space<vmem>>
    %dma_start3A_603 = tpu.memref_squeeze %dma_start3A_602 : memref<1x50xi32, #tpu.memory_space<vmem>> -> memref<50xi32, #tpu.memory_space<vmem>>
    %dma_start3A_604 = arith.constant 0 : i32
    %dma_start3A_605 = arith.constant 0 : i32
    %dma_start3A_606 = tpu.memref_slice %arg2[%dma_start3A_604, %dma_start3A_605] : memref<100000x128xf32, #tpu.memory_space<hbm>> -> memref<100000x128xf32, #tpu.memory_space<hbm>>
    tpu.enqueue_indirect_dma source(%dma_start3A_606 : memref<100000x128xf32, #tpu.memory_space<hbm>>) target(%dma_start3A_600 : memref<50x128xf32, #tpu.memory_space<vmem>>) offsets(%dma_start3A_603 : memref<50xi32, #tpu.memory_space<vmem>>) semaphore(%arg13 : memref<!tpu.dma_semaphore, #tpu.memory_space<semaphore_mem>>)
    %dma_wait3A_607 = arith.constant 0 : i32
    %dma_wait3A_608 = arith.constant 9 : i32
    %dma_wait3A_609 = arith.constant 0 : i32
    %dma_wait3A_610 = arith.constant 0 : i32
    %dma_wait3A_611 = tpu.memref_slice %arg6[%dma_wait3A_608, %dma_wait3A_609, %dma_wait3A_610] : memref<10x50x128xf32, #tpu.memory_space<vmem>> -> memref<1x50x128xf32, #tpu.memory_space<vmem>>
    %dma_wait3A_612 = tpu.memref_squeeze %dma_wait3A_611 : memref<1x50x128xf32, #tpu.memory_space<vmem>> -> memref<50x128xf32, #tpu.memory_space<vmem>>
    %dma_wait3A_613 = arith.constant 0 : i32
    %dma_wait3A_614 = tpu.memref_slice %arg5[%dma_wait3A_607, %dma_wait3A_613] : memref<128x50xi32, #tpu.memory_space<vmem>> -> memref<1x50xi32, #tpu.memory_space<vmem>>
    %dma_wait3A_615 = tpu.memref_squeeze %dma_wait3A_614 : memref<1x50xi32, #tpu.memory_space<vmem>> -> memref<50xi32, #tpu.memory_space<vmem>>
    %dma_wait3A_616 = arith.constant 0 : i32
    %dma_wait3A_617 = arith.constant 0 : i32
    %dma_wait3A_618 = tpu.memref_slice %arg2[%dma_wait3A_616, %dma_wait3A_617] : memref<100000x128xf32, #tpu.memory_space<hbm>> -> memref<100000x128xf32, #tpu.memory_space<hbm>>
    tpu.wait_indirect_dma semaphore(%arg16 : memref<!tpu.dma_semaphore, #tpu.memory_space<semaphore_mem>>) src(%dma_wait3A_618 : memref<100000x128xf32, #tpu.memory_space<hbm>>) dst(%dma_wait3A_612 : memref<50x128xf32, #tpu.memory_space<vmem>>)
    %add3A_619 = arith.constant 119 : i32
    %add3A_620 = arith.addi %mul3A_2, %add3A_619 : i32
    %dma_start3A_621 = arith.constant 9 : i32
    %dma_start3A_622 = arith.constant 0 : i32
    %dma_start3A_623 = arith.constant 0 : i32
    %dma_start3A_624 = tpu.memref_slice %arg6[%dma_start3A_621, %dma_start3A_622, %dma_start3A_623] : memref<10x50x128xf32, #tpu.memory_space<vmem>> -> memref<1x50x128xf32, #tpu.memory_space<vmem>>
    %dma_start3A_625 = tpu.memref_squeeze %dma_start3A_624 : memref<1x50x128xf32, #tpu.memory_space<vmem>> -> memref<50x128xf32, #tpu.memory_space<vmem>>
    %dma_start3A_626 = arith.constant 0 : i32
    %dma_start3A_627 = arith.constant 0 : i32
    %dma_start3A_628 = tpu.memref_slice %arg4[%add3A_620, %dma_start3A_626, %dma_start3A_627] : memref<4096x50x128xf32, #tpu.memory_space<hbm>> -> memref<1x50x128xf32, #tpu.memory_space<hbm>>
    %dma_start3A_629 = tpu.memref_squeeze %dma_start3A_628 : memref<1x50x128xf32, #tpu.memory_space<hbm>> -> memref<50x128xf32, #tpu.memory_space<hbm>>
    %dma_start3A_630 = arith.constant 0 : i32
    %dma_start3A_631 = arith.constant 0 : i32
    %dma_start3A_632 = tpu.memref_slice %arg4[%add3A_620, %dma_start3A_630, %dma_start3A_631] : memref<4096x50x128xf32, #tpu.memory_space<hbm>> -> memref<1x50x128xf32, #tpu.memory_space<hbm>>
    %dma_start3A_633 = tpu.memref_squeeze %dma_start3A_632 : memref<1x50x128xf32, #tpu.memory_space<hbm>> -> memref<50x128xf32, #tpu.memory_space<hbm>>
    %dma_start3A_634 = arith.constant 0 : i32
    %dma_start3A_635 = arith.constant 0 : i32
    %dma_start3A_636 = tpu.memref_slice %arg6[%dma_start3A_621, %dma_start3A_634, %dma_start3A_635] : memref<10x50x128xf32, #tpu.memory_space<vmem>> -> memref<1x50x128xf32, #tpu.memory_space<vmem>>
    %dma_start3A_637 = tpu.memref_squeeze %dma_start3A_636 : memref<1x50x128xf32, #tpu.memory_space<vmem>> -> memref<50x128xf32, #tpu.memory_space<vmem>>
    tpu.enqueue_dma source(%dma_start3A_637 : memref<50x128xf32, #tpu.memory_space<vmem>>) target(%dma_start3A_633 : memref<50x128xf32, #tpu.memory_space<hbm>>) target_semaphore(%arg26 : memref<!tpu.dma_semaphore, #tpu.memory_space<semaphore_mem>>)
    %dma_wait3A_638 = arith.constant 7 : i32
    %dma_wait3A_639 = arith.constant 0 : i32
    %dma_wait3A_640 = arith.constant 0 : i32
    %dma_wait3A_641 = tpu.memref_slice %arg6[%dma_wait3A_638, %dma_wait3A_639, %dma_wait3A_640] : memref<10x50x128xf32, #tpu.memory_space<vmem>> -> memref<1x50x128xf32, #tpu.memory_space<vmem>>
    %dma_wait3A_642 = tpu.memref_squeeze %dma_wait3A_641 : memref<1x50x128xf32, #tpu.memory_space<vmem>> -> memref<50x128xf32, #tpu.memory_space<vmem>>
    %dma_wait3A_643 = arith.constant 0 : i32
    %dma_wait3A_644 = arith.constant 0 : i32
    %dma_wait3A_645 = tpu.memref_slice %arg4[%mul3A_2, %dma_wait3A_643, %dma_wait3A_644] : memref<4096x50x128xf32, #tpu.memory_space<hbm>> -> memref<1x50x128xf32, #tpu.memory_space<hbm>>
    %dma_wait3A_646 = tpu.memref_squeeze %dma_wait3A_645 : memref<1x50x128xf32, #tpu.memory_space<hbm>> -> memref<50x128xf32, #tpu.memory_space<hbm>>
    %dma_wait3A_647 = arith.constant 0 : i32
    %dma_wait3A_648 = arith.constant 0 : i32
    %dma_wait3A_649 = tpu.memref_slice %arg4[%mul3A_2, %dma_wait3A_647, %dma_wait3A_648] : memref<4096x50x128xf32, #tpu.memory_space<hbm>> -> memref<1x50x128xf32, #tpu.memory_space<hbm>>
    %dma_wait3A_650 = tpu.memref_squeeze %dma_wait3A_649 : memref<1x50x128xf32, #tpu.memory_space<hbm>> -> memref<50x128xf32, #tpu.memory_space<hbm>>
    %dma_wait3A_651 = arith.constant 0 : i32
    %dma_wait3A_652 = arith.constant 0 : i32
    %dma_wait3A_653 = tpu.memref_slice %arg6[%dma_wait3A_638, %dma_wait3A_651, %dma_wait3A_652] : memref<10x50x128xf32, #tpu.memory_space<vmem>> -> memref<1x50x128xf32, #tpu.memory_space<vmem>>
    %dma_wait3A_654 = tpu.memref_squeeze %dma_wait3A_653 : memref<1x50x128xf32, #tpu.memory_space<vmem>> -> memref<50x128xf32, #tpu.memory_space<vmem>>
    tpu.wait_dma2 semaphore(%arg24 : memref<!tpu.dma_semaphore, #tpu.memory_space<semaphore_mem>>) src(%dma_wait3A_654 : memref<50x128xf32, #tpu.memory_space<vmem>>) dst(%dma_wait3A_650 : memref<50x128xf32, #tpu.memory_space<hbm>>)
    %dma_start3A_655 = arith.constant 127 : i32
    %dma_start3A_656 = arith.constant 7 : i32
    %dma_start3A_657 = arith.constant 0 : i32
    %dma_start3A_658 = arith.constant 0 : i32
    %dma_start3A_659 = tpu.memref_slice %arg6[%dma_start3A_656, %dma_start3A_657, %dma_start3A_658] : memref<10x50x128xf32, #tpu.memory_space<vmem>> -> memref<1x50x128xf32, #tpu.memory_space<vmem>>
    %dma_start3A_660 = tpu.memref_squeeze %dma_start3A_659 : memref<1x50x128xf32, #tpu.memory_space<vmem>> -> memref<50x128xf32, #tpu.memory_space<vmem>>
    %dma_start3A_661 = arith.constant 0 : i32
    %dma_start3A_662 = tpu.memref_slice %arg5[%dma_start3A_655, %dma_start3A_661] : memref<128x50xi32, #tpu.memory_space<vmem>> -> memref<1x50xi32, #tpu.memory_space<vmem>>
    %dma_start3A_663 = tpu.memref_squeeze %dma_start3A_662 : memref<1x50xi32, #tpu.memory_space<vmem>> -> memref<50xi32, #tpu.memory_space<vmem>>
    %dma_start3A_664 = arith.constant 0 : i32
    %dma_start3A_665 = arith.constant 0 : i32
    %dma_start3A_666 = tpu.memref_slice %arg2[%dma_start3A_664, %dma_start3A_665] : memref<100000x128xf32, #tpu.memory_space<hbm>> -> memref<100000x128xf32, #tpu.memory_space<hbm>>
    tpu.enqueue_indirect_dma source(%dma_start3A_666 : memref<100000x128xf32, #tpu.memory_space<hbm>>) target(%dma_start3A_660 : memref<50x128xf32, #tpu.memory_space<vmem>>) offsets(%dma_start3A_663 : memref<50xi32, #tpu.memory_space<vmem>>) semaphore(%arg14 : memref<!tpu.dma_semaphore, #tpu.memory_space<semaphore_mem>>)
    %dma_wait3A_667 = arith.constant 0 : i32
    %dma_wait3A_668 = arith.constant 0 : i32
    %dma_wait3A_669 = arith.constant 0 : i32
    %dma_wait3A_670 = arith.constant 0 : i32
    %dma_wait3A_671 = tpu.memref_slice %arg6[%dma_wait3A_668, %dma_wait3A_669, %dma_wait3A_670] : memref<10x50x128xf32, #tpu.memory_space<vmem>> -> memref<1x50x128xf32, #tpu.memory_space<vmem>>
    %dma_wait3A_672 = tpu.memref_squeeze %dma_wait3A_671 : memref<1x50x128xf32, #tpu.memory_space<vmem>> -> memref<50x128xf32, #tpu.memory_space<vmem>>
    %dma_wait3A_673 = arith.constant 0 : i32
    %dma_wait3A_674 = tpu.memref_slice %arg5[%dma_wait3A_667, %dma_wait3A_673] : memref<128x50xi32, #tpu.memory_space<vmem>> -> memref<1x50xi32, #tpu.memory_space<vmem>>
    %dma_wait3A_675 = tpu.memref_squeeze %dma_wait3A_674 : memref<1x50xi32, #tpu.memory_space<vmem>> -> memref<50xi32, #tpu.memory_space<vmem>>
    %dma_wait3A_676 = arith.constant 0 : i32
    %dma_wait3A_677 = arith.constant 0 : i32
    %dma_wait3A_678 = tpu.memref_slice %arg2[%dma_wait3A_676, %dma_wait3A_677] : memref<100000x128xf32, #tpu.memory_space<hbm>> -> memref<100000x128xf32, #tpu.memory_space<hbm>>
    tpu.wait_indirect_dma semaphore(%arg7 : memref<!tpu.dma_semaphore, #tpu.memory_space<semaphore_mem>>) src(%dma_wait3A_678 : memref<100000x128xf32, #tpu.memory_space<hbm>>) dst(%dma_wait3A_672 : memref<50x128xf32, #tpu.memory_space<vmem>>)
    %add3A_679 = arith.constant 120 : i32
    %add3A_680 = arith.addi %mul3A_2, %add3A_679 : i32
    %dma_start3A_681 = arith.constant 0 : i32
    %dma_start3A_682 = arith.constant 0 : i32
    %dma_start3A_683 = arith.constant 0 : i32
    %dma_start3A_684 = tpu.memref_slice %arg6[%dma_start3A_681, %dma_start3A_682, %dma_start3A_683] : memref<10x50x128xf32, #tpu.memory_space<vmem>> -> memref<1x50x128xf32, #tpu.memory_space<vmem>>
    %dma_start3A_685 = tpu.memref_squeeze %dma_start3A_684 : memref<1x50x128xf32, #tpu.memory_space<vmem>> -> memref<50x128xf32, #tpu.memory_space<vmem>>
    %dma_start3A_686 = arith.constant 0 : i32
    %dma_start3A_687 = arith.constant 0 : i32
    %dma_start3A_688 = tpu.memref_slice %arg4[%add3A_680, %dma_start3A_686, %dma_start3A_687] : memref<4096x50x128xf32, #tpu.memory_space<hbm>> -> memref<1x50x128xf32, #tpu.memory_space<hbm>>
    %dma_start3A_689 = tpu.memref_squeeze %dma_start3A_688 : memref<1x50x128xf32, #tpu.memory_space<hbm>> -> memref<50x128xf32, #tpu.memory_space<hbm>>
    %dma_start3A_690 = arith.constant 0 : i32
    %dma_start3A_691 = arith.constant 0 : i32
    %dma_start3A_692 = tpu.memref_slice %arg4[%add3A_680, %dma_start3A_690, %dma_start3A_691] : memref<4096x50x128xf32, #tpu.memory_space<hbm>> -> memref<1x50x128xf32, #tpu.memory_space<hbm>>
    %dma_start3A_693 = tpu.memref_squeeze %dma_start3A_692 : memref<1x50x128xf32, #tpu.memory_space<hbm>> -> memref<50x128xf32, #tpu.memory_space<hbm>>
    %dma_start3A_694 = arith.constant 0 : i32
    %dma_start3A_695 = arith.constant 0 : i32
    %dma_start3A_696 = tpu.memref_slice %arg6[%dma_start3A_681, %dma_start3A_694, %dma_start3A_695] : memref<10x50x128xf32, #tpu.memory_space<vmem>> -> memref<1x50x128xf32, #tpu.memory_space<vmem>>
    %dma_start3A_697 = tpu.memref_squeeze %dma_start3A_696 : memref<1x50x128xf32, #tpu.memory_space<vmem>> -> memref<50x128xf32, #tpu.memory_space<vmem>>
    tpu.enqueue_dma source(%dma_start3A_697 : memref<50x128xf32, #tpu.memory_space<vmem>>) target(%dma_start3A_693 : memref<50x128xf32, #tpu.memory_space<hbm>>) target_semaphore(%arg17 : memref<!tpu.dma_semaphore, #tpu.memory_space<semaphore_mem>>)
    %dma_wait3A_698 = arith.constant 0 : i32
    %dma_wait3A_699 = arith.constant 1 : i32
    %dma_wait3A_700 = arith.constant 0 : i32
    %dma_wait3A_701 = arith.constant 0 : i32
    %dma_wait3A_702 = tpu.memref_slice %arg6[%dma_wait3A_699, %dma_wait3A_700, %dma_wait3A_701] : memref<10x50x128xf32, #tpu.memory_space<vmem>> -> memref<1x50x128xf32, #tpu.memory_space<vmem>>
    %dma_wait3A_703 = tpu.memref_squeeze %dma_wait3A_702 : memref<1x50x128xf32, #tpu.memory_space<vmem>> -> memref<50x128xf32, #tpu.memory_space<vmem>>
    %dma_wait3A_704 = arith.constant 0 : i32
    %dma_wait3A_705 = tpu.memref_slice %arg5[%dma_wait3A_698, %dma_wait3A_704] : memref<128x50xi32, #tpu.memory_space<vmem>> -> memref<1x50xi32, #tpu.memory_space<vmem>>
    %dma_wait3A_706 = tpu.memref_squeeze %dma_wait3A_705 : memref<1x50xi32, #tpu.memory_space<vmem>> -> memref<50xi32, #tpu.memory_space<vmem>>
    %dma_wait3A_707 = arith.constant 0 : i32
    %dma_wait3A_708 = arith.constant 0 : i32
    %dma_wait3A_709 = tpu.memref_slice %arg2[%dma_wait3A_707, %dma_wait3A_708] : memref<100000x128xf32, #tpu.memory_space<hbm>> -> memref<100000x128xf32, #tpu.memory_space<hbm>>
    tpu.wait_indirect_dma semaphore(%arg8 : memref<!tpu.dma_semaphore, #tpu.memory_space<semaphore_mem>>) src(%dma_wait3A_709 : memref<100000x128xf32, #tpu.memory_space<hbm>>) dst(%dma_wait3A_703 : memref<50x128xf32, #tpu.memory_space<vmem>>)
    %add3A_710 = arith.constant 121 : i32
    %add3A_711 = arith.addi %mul3A_2, %add3A_710 : i32
    %dma_start3A_712 = arith.constant 1 : i32
    %dma_start3A_713 = arith.constant 0 : i32
    %dma_start3A_714 = arith.constant 0 : i32
    %dma_start3A_715 = tpu.memref_slice %arg6[%dma_start3A_712, %dma_start3A_713, %dma_start3A_714] : memref<10x50x128xf32, #tpu.memory_space<vmem>> -> memref<1x50x128xf32, #tpu.memory_space<vmem>>
    %dma_start3A_716 = tpu.memref_squeeze %dma_start3A_715 : memref<1x50x128xf32, #tpu.memory_space<vmem>> -> memref<50x128xf32, #tpu.memory_space<vmem>>
    %dma_start3A_717 = arith.constant 0 : i32
    %dma_start3A_718 = arith.constant 0 : i32
    %dma_start3A_719 = tpu.memref_slice %arg4[%add3A_711, %dma_start3A_717, %dma_start3A_718] : memref<4096x50x128xf32, #tpu.memory_space<hbm>> -> memref<1x50x128xf32, #tpu.memory_space<hbm>>
    %dma_start3A_720 = tpu.memref_squeeze %dma_start3A_719 : memref<1x50x128xf32, #tpu.memory_space<hbm>> -> memref<50x128xf32, #tpu.memory_space<hbm>>
    %dma_start3A_721 = arith.constant 0 : i32
    %dma_start3A_722 = arith.constant 0 : i32
    %dma_start3A_723 = tpu.memref_slice %arg4[%add3A_711, %dma_start3A_721, %dma_start3A_722] : memref<4096x50x128xf32, #tpu.memory_space<hbm>> -> memref<1x50x128xf32, #tpu.memory_space<hbm>>
    %dma_start3A_724 = tpu.memref_squeeze %dma_start3A_723 : memref<1x50x128xf32, #tpu.memory_space<hbm>> -> memref<50x128xf32, #tpu.memory_space<hbm>>
    %dma_start3A_725 = arith.constant 0 : i32
    %dma_start3A_726 = arith.constant 0 : i32
    %dma_start3A_727 = tpu.memref_slice %arg6[%dma_start3A_712, %dma_start3A_725, %dma_start3A_726] : memref<10x50x128xf32, #tpu.memory_space<vmem>> -> memref<1x50x128xf32, #tpu.memory_space<vmem>>
    %dma_start3A_728 = tpu.memref_squeeze %dma_start3A_727 : memref<1x50x128xf32, #tpu.memory_space<vmem>> -> memref<50x128xf32, #tpu.memory_space<vmem>>
    tpu.enqueue_dma source(%dma_start3A_728 : memref<50x128xf32, #tpu.memory_space<vmem>>) target(%dma_start3A_724 : memref<50x128xf32, #tpu.memory_space<hbm>>) target_semaphore(%arg18 : memref<!tpu.dma_semaphore, #tpu.memory_space<semaphore_mem>>)
    %dma_wait3A_729 = arith.constant 0 : i32
    %dma_wait3A_730 = arith.constant 2 : i32
    %dma_wait3A_731 = arith.constant 0 : i32
    %dma_wait3A_732 = arith.constant 0 : i32
    %dma_wait3A_733 = tpu.memref_slice %arg6[%dma_wait3A_730, %dma_wait3A_731, %dma_wait3A_732] : memref<10x50x128xf32, #tpu.memory_space<vmem>> -> memref<1x50x128xf32, #tpu.memory_space<vmem>>
    %dma_wait3A_734 = tpu.memref_squeeze %dma_wait3A_733 : memref<1x50x128xf32, #tpu.memory_space<vmem>> -> memref<50x128xf32, #tpu.memory_space<vmem>>
    %dma_wait3A_735 = arith.constant 0 : i32
    %dma_wait3A_736 = tpu.memref_slice %arg5[%dma_wait3A_729, %dma_wait3A_735] : memref<128x50xi32, #tpu.memory_space<vmem>> -> memref<1x50xi32, #tpu.memory_space<vmem>>
    %dma_wait3A_737 = tpu.memref_squeeze %dma_wait3A_736 : memref<1x50xi32, #tpu.memory_space<vmem>> -> memref<50xi32, #tpu.memory_space<vmem>>
    %dma_wait3A_738 = arith.constant 0 : i32
    %dma_wait3A_739 = arith.constant 0 : i32
    %dma_wait3A_740 = tpu.memref_slice %arg2[%dma_wait3A_738, %dma_wait3A_739] : memref<100000x128xf32, #tpu.memory_space<hbm>> -> memref<100000x128xf32, #tpu.memory_space<hbm>>
    tpu.wait_indirect_dma semaphore(%arg9 : memref<!tpu.dma_semaphore, #tpu.memory_space<semaphore_mem>>) src(%dma_wait3A_740 : memref<100000x128xf32, #tpu.memory_space<hbm>>) dst(%dma_wait3A_734 : memref<50x128xf32, #tpu.memory_space<vmem>>)
    %add3A_741 = arith.constant 122 : i32
    %add3A_742 = arith.addi %mul3A_2, %add3A_741 : i32
    %dma_start3A_743 = arith.constant 2 : i32
    %dma_start3A_744 = arith.constant 0 : i32
    %dma_start3A_745 = arith.constant 0 : i32
    %dma_start3A_746 = tpu.memref_slice %arg6[%dma_start3A_743, %dma_start3A_744, %dma_start3A_745] : memref<10x50x128xf32, #tpu.memory_space<vmem>> -> memref<1x50x128xf32, #tpu.memory_space<vmem>>
    %dma_start3A_747 = tpu.memref_squeeze %dma_start3A_746 : memref<1x50x128xf32, #tpu.memory_space<vmem>> -> memref<50x128xf32, #tpu.memory_space<vmem>>
    %dma_start3A_748 = arith.constant 0 : i32
    %dma_start3A_749 = arith.constant 0 : i32
    %dma_start3A_750 = tpu.memref_slice %arg4[%add3A_742, %dma_start3A_748, %dma_start3A_749] : memref<4096x50x128xf32, #tpu.memory_space<hbm>> -> memref<1x50x128xf32, #tpu.memory_space<hbm>>
    %dma_start3A_751 = tpu.memref_squeeze %dma_start3A_750 : memref<1x50x128xf32, #tpu.memory_space<hbm>> -> memref<50x128xf32, #tpu.memory_space<hbm>>
    %dma_start3A_752 = arith.constant 0 : i32
    %dma_start3A_753 = arith.constant 0 : i32
    %dma_start3A_754 = tpu.memref_slice %arg4[%add3A_742, %dma_start3A_752, %dma_start3A_753] : memref<4096x50x128xf32, #tpu.memory_space<hbm>> -> memref<1x50x128xf32, #tpu.memory_space<hbm>>
    %dma_start3A_755 = tpu.memref_squeeze %dma_start3A_754 : memref<1x50x128xf32, #tpu.memory_space<hbm>> -> memref<50x128xf32, #tpu.memory_space<hbm>>
    %dma_start3A_756 = arith.constant 0 : i32
    %dma_start3A_757 = arith.constant 0 : i32
    %dma_start3A_758 = tpu.memref_slice %arg6[%dma_start3A_743, %dma_start3A_756, %dma_start3A_757] : memref<10x50x128xf32, #tpu.memory_space<vmem>> -> memref<1x50x128xf32, #tpu.memory_space<vmem>>
    %dma_start3A_759 = tpu.memref_squeeze %dma_start3A_758 : memref<1x50x128xf32, #tpu.memory_space<vmem>> -> memref<50x128xf32, #tpu.memory_space<vmem>>
    tpu.enqueue_dma source(%dma_start3A_759 : memref<50x128xf32, #tpu.memory_space<vmem>>) target(%dma_start3A_755 : memref<50x128xf32, #tpu.memory_space<hbm>>) target_semaphore(%arg19 : memref<!tpu.dma_semaphore, #tpu.memory_space<semaphore_mem>>)
    %dma_wait3A_760 = arith.constant 0 : i32
    %dma_wait3A_761 = arith.constant 3 : i32
    %dma_wait3A_762 = arith.constant 0 : i32
    %dma_wait3A_763 = arith.constant 0 : i32
    %dma_wait3A_764 = tpu.memref_slice %arg6[%dma_wait3A_761, %dma_wait3A_762, %dma_wait3A_763] : memref<10x50x128xf32, #tpu.memory_space<vmem>> -> memref<1x50x128xf32, #tpu.memory_space<vmem>>
    %dma_wait3A_765 = tpu.memref_squeeze %dma_wait3A_764 : memref<1x50x128xf32, #tpu.memory_space<vmem>> -> memref<50x128xf32, #tpu.memory_space<vmem>>
    %dma_wait3A_766 = arith.constant 0 : i32
    %dma_wait3A_767 = tpu.memref_slice %arg5[%dma_wait3A_760, %dma_wait3A_766] : memref<128x50xi32, #tpu.memory_space<vmem>> -> memref<1x50xi32, #tpu.memory_space<vmem>>
    %dma_wait3A_768 = tpu.memref_squeeze %dma_wait3A_767 : memref<1x50xi32, #tpu.memory_space<vmem>> -> memref<50xi32, #tpu.memory_space<vmem>>
    %dma_wait3A_769 = arith.constant 0 : i32
    %dma_wait3A_770 = arith.constant 0 : i32
    %dma_wait3A_771 = tpu.memref_slice %arg2[%dma_wait3A_769, %dma_wait3A_770] : memref<100000x128xf32, #tpu.memory_space<hbm>> -> memref<100000x128xf32, #tpu.memory_space<hbm>>
    tpu.wait_indirect_dma semaphore(%arg10 : memref<!tpu.dma_semaphore, #tpu.memory_space<semaphore_mem>>) src(%dma_wait3A_771 : memref<100000x128xf32, #tpu.memory_space<hbm>>) dst(%dma_wait3A_765 : memref<50x128xf32, #tpu.memory_space<vmem>>)
    %add3A_772 = arith.constant 123 : i32
    %add3A_773 = arith.addi %mul3A_2, %add3A_772 : i32
    %dma_start3A_774 = arith.constant 3 : i32
    %dma_start3A_775 = arith.constant 0 : i32
    %dma_start3A_776 = arith.constant 0 : i32
    %dma_start3A_777 = tpu.memref_slice %arg6[%dma_start3A_774, %dma_start3A_775, %dma_start3A_776] : memref<10x50x128xf32, #tpu.memory_space<vmem>> -> memref<1x50x128xf32, #tpu.memory_space<vmem>>
    %dma_start3A_778 = tpu.memref_squeeze %dma_start3A_777 : memref<1x50x128xf32, #tpu.memory_space<vmem>> -> memref<50x128xf32, #tpu.memory_space<vmem>>
    %dma_start3A_779 = arith.constant 0 : i32
    %dma_start3A_780 = arith.constant 0 : i32
    %dma_start3A_781 = tpu.memref_slice %arg4[%add3A_773, %dma_start3A_779, %dma_start3A_780] : memref<4096x50x128xf32, #tpu.memory_space<hbm>> -> memref<1x50x128xf32, #tpu.memory_space<hbm>>
    %dma_start3A_782 = tpu.memref_squeeze %dma_start3A_781 : memref<1x50x128xf32, #tpu.memory_space<hbm>> -> memref<50x128xf32, #tpu.memory_space<hbm>>
    %dma_start3A_783 = arith.constant 0 : i32
    %dma_start3A_784 = arith.constant 0 : i32
    %dma_start3A_785 = tpu.memref_slice %arg4[%add3A_773, %dma_start3A_783, %dma_start3A_784] : memref<4096x50x128xf32, #tpu.memory_space<hbm>> -> memref<1x50x128xf32, #tpu.memory_space<hbm>>
    %dma_start3A_786 = tpu.memref_squeeze %dma_start3A_785 : memref<1x50x128xf32, #tpu.memory_space<hbm>> -> memref<50x128xf32, #tpu.memory_space<hbm>>
    %dma_start3A_787 = arith.constant 0 : i32
    %dma_start3A_788 = arith.constant 0 : i32
    %dma_start3A_789 = tpu.memref_slice %arg6[%dma_start3A_774, %dma_start3A_787, %dma_start3A_788] : memref<10x50x128xf32, #tpu.memory_space<vmem>> -> memref<1x50x128xf32, #tpu.memory_space<vmem>>
    %dma_start3A_790 = tpu.memref_squeeze %dma_start3A_789 : memref<1x50x128xf32, #tpu.memory_space<vmem>> -> memref<50x128xf32, #tpu.memory_space<vmem>>
    tpu.enqueue_dma source(%dma_start3A_790 : memref<50x128xf32, #tpu.memory_space<vmem>>) target(%dma_start3A_786 : memref<50x128xf32, #tpu.memory_space<hbm>>) target_semaphore(%arg20 : memref<!tpu.dma_semaphore, #tpu.memory_space<semaphore_mem>>)
    %dma_wait3A_791 = arith.constant 0 : i32
    %dma_wait3A_792 = arith.constant 4 : i32
    %dma_wait3A_793 = arith.constant 0 : i32
    %dma_wait3A_794 = arith.constant 0 : i32
    %dma_wait3A_795 = tpu.memref_slice %arg6[%dma_wait3A_792, %dma_wait3A_793, %dma_wait3A_794] : memref<10x50x128xf32, #tpu.memory_space<vmem>> -> memref<1x50x128xf32, #tpu.memory_space<vmem>>
    %dma_wait3A_796 = tpu.memref_squeeze %dma_wait3A_795 : memref<1x50x128xf32, #tpu.memory_space<vmem>> -> memref<50x128xf32, #tpu.memory_space<vmem>>
    %dma_wait3A_797 = arith.constant 0 : i32
    %dma_wait3A_798 = tpu.memref_slice %arg5[%dma_wait3A_791, %dma_wait3A_797] : memref<128x50xi32, #tpu.memory_space<vmem>> -> memref<1x50xi32, #tpu.memory_space<vmem>>
    %dma_wait3A_799 = tpu.memref_squeeze %dma_wait3A_798 : memref<1x50xi32, #tpu.memory_space<vmem>> -> memref<50xi32, #tpu.memory_space<vmem>>
    %dma_wait3A_800 = arith.constant 0 : i32
    %dma_wait3A_801 = arith.constant 0 : i32
    %dma_wait3A_802 = tpu.memref_slice %arg2[%dma_wait3A_800, %dma_wait3A_801] : memref<100000x128xf32, #tpu.memory_space<hbm>> -> memref<100000x128xf32, #tpu.memory_space<hbm>>
    tpu.wait_indirect_dma semaphore(%arg11 : memref<!tpu.dma_semaphore, #tpu.memory_space<semaphore_mem>>) src(%dma_wait3A_802 : memref<100000x128xf32, #tpu.memory_space<hbm>>) dst(%dma_wait3A_796 : memref<50x128xf32, #tpu.memory_space<vmem>>)
    %add3A_803 = arith.constant 124 : i32
    %add3A_804 = arith.addi %mul3A_2, %add3A_803 : i32
    %dma_start3A_805 = arith.constant 4 : i32
    %dma_start3A_806 = arith.constant 0 : i32
    %dma_start3A_807 = arith.constant 0 : i32
    %dma_start3A_808 = tpu.memref_slice %arg6[%dma_start3A_805, %dma_start3A_806, %dma_start3A_807] : memref<10x50x128xf32, #tpu.memory_space<vmem>> -> memref<1x50x128xf32, #tpu.memory_space<vmem>>
    %dma_start3A_809 = tpu.memref_squeeze %dma_start3A_808 : memref<1x50x128xf32, #tpu.memory_space<vmem>> -> memref<50x128xf32, #tpu.memory_space<vmem>>
    %dma_start3A_810 = arith.constant 0 : i32
    %dma_start3A_811 = arith.constant 0 : i32
    %dma_start3A_812 = tpu.memref_slice %arg4[%add3A_804, %dma_start3A_810, %dma_start3A_811] : memref<4096x50x128xf32, #tpu.memory_space<hbm>> -> memref<1x50x128xf32, #tpu.memory_space<hbm>>
    %dma_start3A_813 = tpu.memref_squeeze %dma_start3A_812 : memref<1x50x128xf32, #tpu.memory_space<hbm>> -> memref<50x128xf32, #tpu.memory_space<hbm>>
    %dma_start3A_814 = arith.constant 0 : i32
    %dma_start3A_815 = arith.constant 0 : i32
    %dma_start3A_816 = tpu.memref_slice %arg4[%add3A_804, %dma_start3A_814, %dma_start3A_815] : memref<4096x50x128xf32, #tpu.memory_space<hbm>> -> memref<1x50x128xf32, #tpu.memory_space<hbm>>
    %dma_start3A_817 = tpu.memref_squeeze %dma_start3A_816 : memref<1x50x128xf32, #tpu.memory_space<hbm>> -> memref<50x128xf32, #tpu.memory_space<hbm>>
    %dma_start3A_818 = arith.constant 0 : i32
    %dma_start3A_819 = arith.constant 0 : i32
    %dma_start3A_820 = tpu.memref_slice %arg6[%dma_start3A_805, %dma_start3A_818, %dma_start3A_819] : memref<10x50x128xf32, #tpu.memory_space<vmem>> -> memref<1x50x128xf32, #tpu.memory_space<vmem>>
    %dma_start3A_821 = tpu.memref_squeeze %dma_start3A_820 : memref<1x50x128xf32, #tpu.memory_space<vmem>> -> memref<50x128xf32, #tpu.memory_space<vmem>>
    tpu.enqueue_dma source(%dma_start3A_821 : memref<50x128xf32, #tpu.memory_space<vmem>>) target(%dma_start3A_817 : memref<50x128xf32, #tpu.memory_space<hbm>>) target_semaphore(%arg21 : memref<!tpu.dma_semaphore, #tpu.memory_space<semaphore_mem>>)
    %dma_wait3A_822 = arith.constant 0 : i32
    %dma_wait3A_823 = arith.constant 5 : i32
    %dma_wait3A_824 = arith.constant 0 : i32
    %dma_wait3A_825 = arith.constant 0 : i32
    %dma_wait3A_826 = tpu.memref_slice %arg6[%dma_wait3A_823, %dma_wait3A_824, %dma_wait3A_825] : memref<10x50x128xf32, #tpu.memory_space<vmem>> -> memref<1x50x128xf32, #tpu.memory_space<vmem>>
    %dma_wait3A_827 = tpu.memref_squeeze %dma_wait3A_826 : memref<1x50x128xf32, #tpu.memory_space<vmem>> -> memref<50x128xf32, #tpu.memory_space<vmem>>
    %dma_wait3A_828 = arith.constant 0 : i32
    %dma_wait3A_829 = tpu.memref_slice %arg5[%dma_wait3A_822, %dma_wait3A_828] : memref<128x50xi32, #tpu.memory_space<vmem>> -> memref<1x50xi32, #tpu.memory_space<vmem>>
    %dma_wait3A_830 = tpu.memref_squeeze %dma_wait3A_829 : memref<1x50xi32, #tpu.memory_space<vmem>> -> memref<50xi32, #tpu.memory_space<vmem>>
    %dma_wait3A_831 = arith.constant 0 : i32
    %dma_wait3A_832 = arith.constant 0 : i32
    %dma_wait3A_833 = tpu.memref_slice %arg2[%dma_wait3A_831, %dma_wait3A_832] : memref<100000x128xf32, #tpu.memory_space<hbm>> -> memref<100000x128xf32, #tpu.memory_space<hbm>>
    tpu.wait_indirect_dma semaphore(%arg12 : memref<!tpu.dma_semaphore, #tpu.memory_space<semaphore_mem>>) src(%dma_wait3A_833 : memref<100000x128xf32, #tpu.memory_space<hbm>>) dst(%dma_wait3A_827 : memref<50x128xf32, #tpu.memory_space<vmem>>)
    %add3A_834 = arith.constant 125 : i32
    %add3A_835 = arith.addi %mul3A_2, %add3A_834 : i32
    %dma_start3A_836 = arith.constant 5 : i32
    %dma_start3A_837 = arith.constant 0 : i32
    %dma_start3A_838 = arith.constant 0 : i32
    %dma_start3A_839 = tpu.memref_slice %arg6[%dma_start3A_836, %dma_start3A_837, %dma_start3A_838] : memref<10x50x128xf32, #tpu.memory_space<vmem>> -> memref<1x50x128xf32, #tpu.memory_space<vmem>>
    %dma_start3A_840 = tpu.memref_squeeze %dma_start3A_839 : memref<1x50x128xf32, #tpu.memory_space<vmem>> -> memref<50x128xf32, #tpu.memory_space<vmem>>
    %dma_start3A_841 = arith.constant 0 : i32
    %dma_start3A_842 = arith.constant 0 : i32
    %dma_start3A_843 = tpu.memref_slice %arg4[%add3A_835, %dma_start3A_841, %dma_start3A_842] : memref<4096x50x128xf32, #tpu.memory_space<hbm>> -> memref<1x50x128xf32, #tpu.memory_space<hbm>>
    %dma_start3A_844 = tpu.memref_squeeze %dma_start3A_843 : memref<1x50x128xf32, #tpu.memory_space<hbm>> -> memref<50x128xf32, #tpu.memory_space<hbm>>
    %dma_start3A_845 = arith.constant 0 : i32
    %dma_start3A_846 = arith.constant 0 : i32
    %dma_start3A_847 = tpu.memref_slice %arg4[%add3A_835, %dma_start3A_845, %dma_start3A_846] : memref<4096x50x128xf32, #tpu.memory_space<hbm>> -> memref<1x50x128xf32, #tpu.memory_space<hbm>>
    %dma_start3A_848 = tpu.memref_squeeze %dma_start3A_847 : memref<1x50x128xf32, #tpu.memory_space<hbm>> -> memref<50x128xf32, #tpu.memory_space<hbm>>
    %dma_start3A_849 = arith.constant 0 : i32
    %dma_start3A_850 = arith.constant 0 : i32
    %dma_start3A_851 = tpu.memref_slice %arg6[%dma_start3A_836, %dma_start3A_849, %dma_start3A_850] : memref<10x50x128xf32, #tpu.memory_space<vmem>> -> memref<1x50x128xf32, #tpu.memory_space<vmem>>
    %dma_start3A_852 = tpu.memref_squeeze %dma_start3A_851 : memref<1x50x128xf32, #tpu.memory_space<vmem>> -> memref<50x128xf32, #tpu.memory_space<vmem>>
    tpu.enqueue_dma source(%dma_start3A_852 : memref<50x128xf32, #tpu.memory_space<vmem>>) target(%dma_start3A_848 : memref<50x128xf32, #tpu.memory_space<hbm>>) target_semaphore(%arg22 : memref<!tpu.dma_semaphore, #tpu.memory_space<semaphore_mem>>)
    %dma_wait3A_853 = arith.constant 0 : i32
    %dma_wait3A_854 = arith.constant 6 : i32
    %dma_wait3A_855 = arith.constant 0 : i32
    %dma_wait3A_856 = arith.constant 0 : i32
    %dma_wait3A_857 = tpu.memref_slice %arg6[%dma_wait3A_854, %dma_wait3A_855, %dma_wait3A_856] : memref<10x50x128xf32, #tpu.memory_space<vmem>> -> memref<1x50x128xf32, #tpu.memory_space<vmem>>
    %dma_wait3A_858 = tpu.memref_squeeze %dma_wait3A_857 : memref<1x50x128xf32, #tpu.memory_space<vmem>> -> memref<50x128xf32, #tpu.memory_space<vmem>>
    %dma_wait3A_859 = arith.constant 0 : i32
    %dma_wait3A_860 = tpu.memref_slice %arg5[%dma_wait3A_853, %dma_wait3A_859] : memref<128x50xi32, #tpu.memory_space<vmem>> -> memref<1x50xi32, #tpu.memory_space<vmem>>
    %dma_wait3A_861 = tpu.memref_squeeze %dma_wait3A_860 : memref<1x50xi32, #tpu.memory_space<vmem>> -> memref<50xi32, #tpu.memory_space<vmem>>
    %dma_wait3A_862 = arith.constant 0 : i32
    %dma_wait3A_863 = arith.constant 0 : i32
    %dma_wait3A_864 = tpu.memref_slice %arg2[%dma_wait3A_862, %dma_wait3A_863] : memref<100000x128xf32, #tpu.memory_space<hbm>> -> memref<100000x128xf32, #tpu.memory_space<hbm>>
    tpu.wait_indirect_dma semaphore(%arg13 : memref<!tpu.dma_semaphore, #tpu.memory_space<semaphore_mem>>) src(%dma_wait3A_864 : memref<100000x128xf32, #tpu.memory_space<hbm>>) dst(%dma_wait3A_858 : memref<50x128xf32, #tpu.memory_space<vmem>>)
    %add3A_865 = arith.constant 126 : i32
    %add3A_866 = arith.addi %mul3A_2, %add3A_865 : i32
    %dma_start3A_867 = arith.constant 6 : i32
    %dma_start3A_868 = arith.constant 0 : i32
    %dma_start3A_869 = arith.constant 0 : i32
    %dma_start3A_870 = tpu.memref_slice %arg6[%dma_start3A_867, %dma_start3A_868, %dma_start3A_869] : memref<10x50x128xf32, #tpu.memory_space<vmem>> -> memref<1x50x128xf32, #tpu.memory_space<vmem>>
    %dma_start3A_871 = tpu.memref_squeeze %dma_start3A_870 : memref<1x50x128xf32, #tpu.memory_space<vmem>> -> memref<50x128xf32, #tpu.memory_space<vmem>>
    %dma_start3A_872 = arith.constant 0 : i32
    %dma_start3A_873 = arith.constant 0 : i32
    %dma_start3A_874 = tpu.memref_slice %arg4[%add3A_866, %dma_start3A_872, %dma_start3A_873] : memref<4096x50x128xf32, #tpu.memory_space<hbm>> -> memref<1x50x128xf32, #tpu.memory_space<hbm>>
    %dma_start3A_875 = tpu.memref_squeeze %dma_start3A_874 : memref<1x50x128xf32, #tpu.memory_space<hbm>> -> memref<50x128xf32, #tpu.memory_space<hbm>>
    %dma_start3A_876 = arith.constant 0 : i32
    %dma_start3A_877 = arith.constant 0 : i32
    %dma_start3A_878 = tpu.memref_slice %arg4[%add3A_866, %dma_start3A_876, %dma_start3A_877] : memref<4096x50x128xf32, #tpu.memory_space<hbm>> -> memref<1x50x128xf32, #tpu.memory_space<hbm>>
    %dma_start3A_879 = tpu.memref_squeeze %dma_start3A_878 : memref<1x50x128xf32, #tpu.memory_space<hbm>> -> memref<50x128xf32, #tpu.memory_space<hbm>>
    %dma_start3A_880 = arith.constant 0 : i32
    %dma_start3A_881 = arith.constant 0 : i32
    %dma_start3A_882 = tpu.memref_slice %arg6[%dma_start3A_867, %dma_start3A_880, %dma_start3A_881] : memref<10x50x128xf32, #tpu.memory_space<vmem>> -> memref<1x50x128xf32, #tpu.memory_space<vmem>>
    %dma_start3A_883 = tpu.memref_squeeze %dma_start3A_882 : memref<1x50x128xf32, #tpu.memory_space<vmem>> -> memref<50x128xf32, #tpu.memory_space<vmem>>
    tpu.enqueue_dma source(%dma_start3A_883 : memref<50x128xf32, #tpu.memory_space<vmem>>) target(%dma_start3A_879 : memref<50x128xf32, #tpu.memory_space<hbm>>) target_semaphore(%arg23 : memref<!tpu.dma_semaphore, #tpu.memory_space<semaphore_mem>>)
    %dma_wait3A_884 = arith.constant 0 : i32
    %dma_wait3A_885 = arith.constant 7 : i32
    %dma_wait3A_886 = arith.constant 0 : i32
    %dma_wait3A_887 = arith.constant 0 : i32
    %dma_wait3A_888 = tpu.memref_slice %arg6[%dma_wait3A_885, %dma_wait3A_886, %dma_wait3A_887] : memref<10x50x128xf32, #tpu.memory_space<vmem>> -> memref<1x50x128xf32, #tpu.memory_space<vmem>>
    %dma_wait3A_889 = tpu.memref_squeeze %dma_wait3A_888 : memref<1x50x128xf32, #tpu.memory_space<vmem>> -> memref<50x128xf32, #tpu.memory_space<vmem>>
    %dma_wait3A_890 = arith.constant 0 : i32
    %dma_wait3A_891 = tpu.memref_slice %arg5[%dma_wait3A_884, %dma_wait3A_890] : memref<128x50xi32, #tpu.memory_space<vmem>> -> memref<1x50xi32, #tpu.memory_space<vmem>>
    %dma_wait3A_892 = tpu.memref_squeeze %dma_wait3A_891 : memref<1x50xi32, #tpu.memory_space<vmem>> -> memref<50xi32, #tpu.memory_space<vmem>>
    %dma_wait3A_893 = arith.constant 0 : i32
    %dma_wait3A_894 = arith.constant 0 : i32
    %dma_wait3A_895 = tpu.memref_slice %arg2[%dma_wait3A_893, %dma_wait3A_894] : memref<100000x128xf32, #tpu.memory_space<hbm>> -> memref<100000x128xf32, #tpu.memory_space<hbm>>
    tpu.wait_indirect_dma semaphore(%arg14 : memref<!tpu.dma_semaphore, #tpu.memory_space<semaphore_mem>>) src(%dma_wait3A_895 : memref<100000x128xf32, #tpu.memory_space<hbm>>) dst(%dma_wait3A_889 : memref<50x128xf32, #tpu.memory_space<vmem>>)
    %add3A_896 = arith.constant 127 : i32
    %add3A_897 = arith.addi %mul3A_2, %add3A_896 : i32
    %dma_start3A_898 = arith.constant 7 : i32
    %dma_start3A_899 = arith.constant 0 : i32
    %dma_start3A_900 = arith.constant 0 : i32
    %dma_start3A_901 = tpu.memref_slice %arg6[%dma_start3A_898, %dma_start3A_899, %dma_start3A_900] : memref<10x50x128xf32, #tpu.memory_space<vmem>> -> memref<1x50x128xf32, #tpu.memory_space<vmem>>
    %dma_start3A_902 = tpu.memref_squeeze %dma_start3A_901 : memref<1x50x128xf32, #tpu.memory_space<vmem>> -> memref<50x128xf32, #tpu.memory_space<vmem>>
    %dma_start3A_903 = arith.constant 0 : i32
    %dma_start3A_904 = arith.constant 0 : i32
    %dma_start3A_905 = tpu.memref_slice %arg4[%add3A_897, %dma_start3A_903, %dma_start3A_904] : memref<4096x50x128xf32, #tpu.memory_space<hbm>> -> memref<1x50x128xf32, #tpu.memory_space<hbm>>
    %dma_start3A_906 = tpu.memref_squeeze %dma_start3A_905 : memref<1x50x128xf32, #tpu.memory_space<hbm>> -> memref<50x128xf32, #tpu.memory_space<hbm>>
    %dma_start3A_907 = arith.constant 0 : i32
    %dma_start3A_908 = arith.constant 0 : i32
    %dma_start3A_909 = tpu.memref_slice %arg4[%add3A_897, %dma_start3A_907, %dma_start3A_908] : memref<4096x50x128xf32, #tpu.memory_space<hbm>> -> memref<1x50x128xf32, #tpu.memory_space<hbm>>
    %dma_start3A_910 = tpu.memref_squeeze %dma_start3A_909 : memref<1x50x128xf32, #tpu.memory_space<hbm>> -> memref<50x128xf32, #tpu.memory_space<hbm>>
    %dma_start3A_911 = arith.constant 0 : i32
    %dma_start3A_912 = arith.constant 0 : i32
    %dma_start3A_913 = tpu.memref_slice %arg6[%dma_start3A_898, %dma_start3A_911, %dma_start3A_912] : memref<10x50x128xf32, #tpu.memory_space<vmem>> -> memref<1x50x128xf32, #tpu.memory_space<vmem>>
    %dma_start3A_914 = tpu.memref_squeeze %dma_start3A_913 : memref<1x50x128xf32, #tpu.memory_space<vmem>> -> memref<50x128xf32, #tpu.memory_space<vmem>>
    tpu.enqueue_dma source(%dma_start3A_914 : memref<50x128xf32, #tpu.memory_space<vmem>>) target(%dma_start3A_910 : memref<50x128xf32, #tpu.memory_space<hbm>>) target_semaphore(%arg24 : memref<!tpu.dma_semaphore, #tpu.memory_space<semaphore_mem>>)
    %dma_wait3A_915 = arith.constant 0 : i32
    %dma_wait3A_916 = arith.constant 0 : i32
    %dma_wait3A_917 = arith.constant 0 : i32
    %dma_wait3A_918 = tpu.memref_slice %arg6[%dma_wait3A_915, %dma_wait3A_916, %dma_wait3A_917] : memref<10x50x128xf32, #tpu.memory_space<vmem>> -> memref<1x50x128xf32, #tpu.memory_space<vmem>>
    %dma_wait3A_919 = tpu.memref_squeeze %dma_wait3A_918 : memref<1x50x128xf32, #tpu.memory_space<vmem>> -> memref<50x128xf32, #tpu.memory_space<vmem>>
    %dma_wait3A_920 = arith.constant 0 : i32
    %dma_wait3A_921 = arith.constant 0 : i32
    %dma_wait3A_922 = tpu.memref_slice %arg4[%mul3A_2, %dma_wait3A_920, %dma_wait3A_921] : memref<4096x50x128xf32, #tpu.memory_space<hbm>> -> memref<1x50x128xf32, #tpu.memory_space<hbm>>
    %dma_wait3A_923 = tpu.memref_squeeze %dma_wait3A_922 : memref<1x50x128xf32, #tpu.memory_space<hbm>> -> memref<50x128xf32, #tpu.memory_space<hbm>>
    %dma_wait3A_924 = arith.constant 0 : i32
    %dma_wait3A_925 = arith.constant 0 : i32
    %dma_wait3A_926 = tpu.memref_slice %arg4[%mul3A_2, %dma_wait3A_924, %dma_wait3A_925] : memref<4096x50x128xf32, #tpu.memory_space<hbm>> -> memref<1x50x128xf32, #tpu.memory_space<hbm>>
    %dma_wait3A_927 = tpu.memref_squeeze %dma_wait3A_926 : memref<1x50x128xf32, #tpu.memory_space<hbm>> -> memref<50x128xf32, #tpu.memory_space<hbm>>
    %dma_wait3A_928 = arith.constant 0 : i32
    %dma_wait3A_929 = arith.constant 0 : i32
    %dma_wait3A_930 = tpu.memref_slice %arg6[%dma_wait3A_915, %dma_wait3A_928, %dma_wait3A_929] : memref<10x50x128xf32, #tpu.memory_space<vmem>> -> memref<1x50x128xf32, #tpu.memory_space<vmem>>
    %dma_wait3A_931 = tpu.memref_squeeze %dma_wait3A_930 : memref<1x50x128xf32, #tpu.memory_space<vmem>> -> memref<50x128xf32, #tpu.memory_space<vmem>>
    tpu.wait_dma2 semaphore(%arg17 : memref<!tpu.dma_semaphore, #tpu.memory_space<semaphore_mem>>) src(%dma_wait3A_931 : memref<50x128xf32, #tpu.memory_space<vmem>>) dst(%dma_wait3A_927 : memref<50x128xf32, #tpu.memory_space<hbm>>)
    %dma_wait3A_932 = arith.constant 1 : i32
    %dma_wait3A_933 = arith.constant 0 : i32
    %dma_wait3A_934 = arith.constant 0 : i32
    %dma_wait3A_935 = tpu.memref_slice %arg6[%dma_wait3A_932, %dma_wait3A_933, %dma_wait3A_934] : memref<10x50x128xf32, #tpu.memory_space<vmem>> -> memref<1x50x128xf32, #tpu.memory_space<vmem>>
    %dma_wait3A_936 = tpu.memref_squeeze %dma_wait3A_935 : memref<1x50x128xf32, #tpu.memory_space<vmem>> -> memref<50x128xf32, #tpu.memory_space<vmem>>
    %dma_wait3A_937 = arith.constant 0 : i32
    %dma_wait3A_938 = arith.constant 0 : i32
    %dma_wait3A_939 = tpu.memref_slice %arg4[%mul3A_2, %dma_wait3A_937, %dma_wait3A_938] : memref<4096x50x128xf32, #tpu.memory_space<hbm>> -> memref<1x50x128xf32, #tpu.memory_space<hbm>>
    %dma_wait3A_940 = tpu.memref_squeeze %dma_wait3A_939 : memref<1x50x128xf32, #tpu.memory_space<hbm>> -> memref<50x128xf32, #tpu.memory_space<hbm>>
    %dma_wait3A_941 = arith.constant 0 : i32
    %dma_wait3A_942 = arith.constant 0 : i32
    %dma_wait3A_943 = tpu.memref_slice %arg4[%mul3A_2, %dma_wait3A_941, %dma_wait3A_942] : memref<4096x50x128xf32, #tpu.memory_space<hbm>> -> memref<1x50x128xf32, #tpu.memory_space<hbm>>
    %dma_wait3A_944 = tpu.memref_squeeze %dma_wait3A_943 : memref<1x50x128xf32, #tpu.memory_space<hbm>> -> memref<50x128xf32, #tpu.memory_space<hbm>>
    %dma_wait3A_945 = arith.constant 0 : i32
    %dma_wait3A_946 = arith.constant 0 : i32
    %dma_wait3A_947 = tpu.memref_slice %arg6[%dma_wait3A_932, %dma_wait3A_945, %dma_wait3A_946] : memref<10x50x128xf32, #tpu.memory_space<vmem>> -> memref<1x50x128xf32, #tpu.memory_space<vmem>>
    %dma_wait3A_948 = tpu.memref_squeeze %dma_wait3A_947 : memref<1x50x128xf32, #tpu.memory_space<vmem>> -> memref<50x128xf32, #tpu.memory_space<vmem>>
    tpu.wait_dma2 semaphore(%arg18 : memref<!tpu.dma_semaphore, #tpu.memory_space<semaphore_mem>>) src(%dma_wait3A_948 : memref<50x128xf32, #tpu.memory_space<vmem>>) dst(%dma_wait3A_944 : memref<50x128xf32, #tpu.memory_space<hbm>>)
    %dma_wait3A_949 = arith.constant 2 : i32
    %dma_wait3A_950 = arith.constant 0 : i32
    %dma_wait3A_951 = arith.constant 0 : i32
    %dma_wait3A_952 = tpu.memref_slice %arg6[%dma_wait3A_949, %dma_wait3A_950, %dma_wait3A_951] : memref<10x50x128xf32, #tpu.memory_space<vmem>> -> memref<1x50x128xf32, #tpu.memory_space<vmem>>
    %dma_wait3A_953 = tpu.memref_squeeze %dma_wait3A_952 : memref<1x50x128xf32, #tpu.memory_space<vmem>> -> memref<50x128xf32, #tpu.memory_space<vmem>>
    %dma_wait3A_954 = arith.constant 0 : i32
    %dma_wait3A_955 = arith.constant 0 : i32
    %dma_wait3A_956 = tpu.memref_slice %arg4[%mul3A_2, %dma_wait3A_954, %dma_wait3A_955] : memref<4096x50x128xf32, #tpu.memory_space<hbm>> -> memref<1x50x128xf32, #tpu.memory_space<hbm>>
    %dma_wait3A_957 = tpu.memref_squeeze %dma_wait3A_956 : memref<1x50x128xf32, #tpu.memory_space<hbm>> -> memref<50x128xf32, #tpu.memory_space<hbm>>
    %dma_wait3A_958 = arith.constant 0 : i32
    %dma_wait3A_959 = arith.constant 0 : i32
    %dma_wait3A_960 = tpu.memref_slice %arg4[%mul3A_2, %dma_wait3A_958, %dma_wait3A_959] : memref<4096x50x128xf32, #tpu.memory_space<hbm>> -> memref<1x50x128xf32, #tpu.memory_space<hbm>>
    %dma_wait3A_961 = tpu.memref_squeeze %dma_wait3A_960 : memref<1x50x128xf32, #tpu.memory_space<hbm>> -> memref<50x128xf32, #tpu.memory_space<hbm>>
    %dma_wait3A_962 = arith.constant 0 : i32
    %dma_wait3A_963 = arith.constant 0 : i32
    %dma_wait3A_964 = tpu.memref_slice %arg6[%dma_wait3A_949, %dma_wait3A_962, %dma_wait3A_963] : memref<10x50x128xf32, #tpu.memory_space<vmem>> -> memref<1x50x128xf32, #tpu.memory_space<vmem>>
    %dma_wait3A_965 = tpu.memref_squeeze %dma_wait3A_964 : memref<1x50x128xf32, #tpu.memory_space<vmem>> -> memref<50x128xf32, #tpu.memory_space<vmem>>
    tpu.wait_dma2 semaphore(%arg19 : memref<!tpu.dma_semaphore, #tpu.memory_space<semaphore_mem>>) src(%dma_wait3A_965 : memref<50x128xf32, #tpu.memory_space<vmem>>) dst(%dma_wait3A_961 : memref<50x128xf32, #tpu.memory_space<hbm>>)
    %dma_wait3A_966 = arith.constant 3 : i32
    %dma_wait3A_967 = arith.constant 0 : i32
    %dma_wait3A_968 = arith.constant 0 : i32
    %dma_wait3A_969 = tpu.memref_slice %arg6[%dma_wait3A_966, %dma_wait3A_967, %dma_wait3A_968] : memref<10x50x128xf32, #tpu.memory_space<vmem>> -> memref<1x50x128xf32, #tpu.memory_space<vmem>>
    %dma_wait3A_970 = tpu.memref_squeeze %dma_wait3A_969 : memref<1x50x128xf32, #tpu.memory_space<vmem>> -> memref<50x128xf32, #tpu.memory_space<vmem>>
    %dma_wait3A_971 = arith.constant 0 : i32
    %dma_wait3A_972 = arith.constant 0 : i32
    %dma_wait3A_973 = tpu.memref_slice %arg4[%mul3A_2, %dma_wait3A_971, %dma_wait3A_972] : memref<4096x50x128xf32, #tpu.memory_space<hbm>> -> memref<1x50x128xf32, #tpu.memory_space<hbm>>
    %dma_wait3A_974 = tpu.memref_squeeze %dma_wait3A_973 : memref<1x50x128xf32, #tpu.memory_space<hbm>> -> memref<50x128xf32, #tpu.memory_space<hbm>>
    %dma_wait3A_975 = arith.constant 0 : i32
    %dma_wait3A_976 = arith.constant 0 : i32
    %dma_wait3A_977 = tpu.memref_slice %arg4[%mul3A_2, %dma_wait3A_975, %dma_wait3A_976] : memref<4096x50x128xf32, #tpu.memory_space<hbm>> -> memref<1x50x128xf32, #tpu.memory_space<hbm>>
    %dma_wait3A_978 = tpu.memref_squeeze %dma_wait3A_977 : memref<1x50x128xf32, #tpu.memory_space<hbm>> -> memref<50x128xf32, #tpu.memory_space<hbm>>
    %dma_wait3A_979 = arith.constant 0 : i32
    %dma_wait3A_980 = arith.constant 0 : i32
    %dma_wait3A_981 = tpu.memref_slice %arg6[%dma_wait3A_966, %dma_wait3A_979, %dma_wait3A_980] : memref<10x50x128xf32, #tpu.memory_space<vmem>> -> memref<1x50x128xf32, #tpu.memory_space<vmem>>
    %dma_wait3A_982 = tpu.memref_squeeze %dma_wait3A_981 : memref<1x50x128xf32, #tpu.memory_space<vmem>> -> memref<50x128xf32, #tpu.memory_space<vmem>>
    tpu.wait_dma2 semaphore(%arg20 : memref<!tpu.dma_semaphore, #tpu.memory_space<semaphore_mem>>) src(%dma_wait3A_982 : memref<50x128xf32, #tpu.memory_space<vmem>>) dst(%dma_wait3A_978 : memref<50x128xf32, #tpu.memory_space<hbm>>)
    %dma_wait3A_983 = arith.constant 4 : i32
    %dma_wait3A_984 = arith.constant 0 : i32
    %dma_wait3A_985 = arith.constant 0 : i32
    %dma_wait3A_986 = tpu.memref_slice %arg6[%dma_wait3A_983, %dma_wait3A_984, %dma_wait3A_985] : memref<10x50x128xf32, #tpu.memory_space<vmem>> -> memref<1x50x128xf32, #tpu.memory_space<vmem>>
    %dma_wait3A_987 = tpu.memref_squeeze %dma_wait3A_986 : memref<1x50x128xf32, #tpu.memory_space<vmem>> -> memref<50x128xf32, #tpu.memory_space<vmem>>
    %dma_wait3A_988 = arith.constant 0 : i32
    %dma_wait3A_989 = arith.constant 0 : i32
    %dma_wait3A_990 = tpu.memref_slice %arg4[%mul3A_2, %dma_wait3A_988, %dma_wait3A_989] : memref<4096x50x128xf32, #tpu.memory_space<hbm>> -> memref<1x50x128xf32, #tpu.memory_space<hbm>>
    %dma_wait3A_991 = tpu.memref_squeeze %dma_wait3A_990 : memref<1x50x128xf32, #tpu.memory_space<hbm>> -> memref<50x128xf32, #tpu.memory_space<hbm>>
    %dma_wait3A_992 = arith.constant 0 : i32
    %dma_wait3A_993 = arith.constant 0 : i32
    %dma_wait3A_994 = tpu.memref_slice %arg4[%mul3A_2, %dma_wait3A_992, %dma_wait3A_993] : memref<4096x50x128xf32, #tpu.memory_space<hbm>> -> memref<1x50x128xf32, #tpu.memory_space<hbm>>
    %dma_wait3A_995 = tpu.memref_squeeze %dma_wait3A_994 : memref<1x50x128xf32, #tpu.memory_space<hbm>> -> memref<50x128xf32, #tpu.memory_space<hbm>>
    %dma_wait3A_996 = arith.constant 0 : i32
    %dma_wait3A_997 = arith.constant 0 : i32
    %dma_wait3A_998 = tpu.memref_slice %arg6[%dma_wait3A_983, %dma_wait3A_996, %dma_wait3A_997] : memref<10x50x128xf32, #tpu.memory_space<vmem>> -> memref<1x50x128xf32, #tpu.memory_space<vmem>>
    %dma_wait3A_999 = tpu.memref_squeeze %dma_wait3A_998 : memref<1x50x128xf32, #tpu.memory_space<vmem>> -> memref<50x128xf32, #tpu.memory_space<vmem>>
    tpu.wait_dma2 semaphore(%arg21 : memref<!tpu.dma_semaphore, #tpu.memory_space<semaphore_mem>>) src(%dma_wait3A_999 : memref<50x128xf32, #tpu.memory_space<vmem>>) dst(%dma_wait3A_995 : memref<50x128xf32, #tpu.memory_space<hbm>>)
    %dma_wait3A_1000 = arith.constant 5 : i32
    %dma_wait3A_1001 = arith.constant 0 : i32
    %dma_wait3A_1002 = arith.constant 0 : i32
    %dma_wait3A_1003 = tpu.memref_slice %arg6[%dma_wait3A_1000, %dma_wait3A_1001, %dma_wait3A_1002] : memref<10x50x128xf32, #tpu.memory_space<vmem>> -> memref<1x50x128xf32, #tpu.memory_space<vmem>>
    %dma_wait3A_1004 = tpu.memref_squeeze %dma_wait3A_1003 : memref<1x50x128xf32, #tpu.memory_space<vmem>> -> memref<50x128xf32, #tpu.memory_space<vmem>>
    %dma_wait3A_1005 = arith.constant 0 : i32
    %dma_wait3A_1006 = arith.constant 0 : i32
    %dma_wait3A_1007 = tpu.memref_slice %arg4[%mul3A_2, %dma_wait3A_1005, %dma_wait3A_1006] : memref<4096x50x128xf32, #tpu.memory_space<hbm>> -> memref<1x50x128xf32, #tpu.memory_space<hbm>>
    %dma_wait3A_1008 = tpu.memref_squeeze %dma_wait3A_1007 : memref<1x50x128xf32, #tpu.memory_space<hbm>> -> memref<50x128xf32, #tpu.memory_space<hbm>>
    %dma_wait3A_1009 = arith.constant 0 : i32
    %dma_wait3A_1010 = arith.constant 0 : i32
    %dma_wait3A_1011 = tpu.memref_slice %arg4[%mul3A_2, %dma_wait3A_1009, %dma_wait3A_1010] : memref<4096x50x128xf32, #tpu.memory_space<hbm>> -> memref<1x50x128xf32, #tpu.memory_space<hbm>>
    %dma_wait3A_1012 = tpu.memref_squeeze %dma_wait3A_1011 : memref<1x50x128xf32, #tpu.memory_space<hbm>> -> memref<50x128xf32, #tpu.memory_space<hbm>>
    %dma_wait3A_1013 = arith.constant 0 : i32
    %dma_wait3A_1014 = arith.constant 0 : i32
    %dma_wait3A_1015 = tpu.memref_slice %arg6[%dma_wait3A_1000, %dma_wait3A_1013, %dma_wait3A_1014] : memref<10x50x128xf32, #tpu.memory_space<vmem>> -> memref<1x50x128xf32, #tpu.memory_space<vmem>>
    %dma_wait3A_1016 = tpu.memref_squeeze %dma_wait3A_1015 : memref<1x50x128xf32, #tpu.memory_space<vmem>> -> memref<50x128xf32, #tpu.memory_space<vmem>>
    tpu.wait_dma2 semaphore(%arg22 : memref<!tpu.dma_semaphore, #tpu.memory_space<semaphore_mem>>) src(%dma_wait3A_1016 : memref<50x128xf32, #tpu.memory_space<vmem>>) dst(%dma_wait3A_1012 : memref<50x128xf32, #tpu.memory_space<hbm>>)
    %dma_wait3A_1017 = arith.constant 6 : i32
    %dma_wait3A_1018 = arith.constant 0 : i32
    %dma_wait3A_1019 = arith.constant 0 : i32
    %dma_wait3A_1020 = tpu.memref_slice %arg6[%dma_wait3A_1017, %dma_wait3A_1018, %dma_wait3A_1019] : memref<10x50x128xf32, #tpu.memory_space<vmem>> -> memref<1x50x128xf32, #tpu.memory_space<vmem>>
    %dma_wait3A_1021 = tpu.memref_squeeze %dma_wait3A_1020 : memref<1x50x128xf32, #tpu.memory_space<vmem>> -> memref<50x128xf32, #tpu.memory_space<vmem>>
    %dma_wait3A_1022 = arith.constant 0 : i32
    %dma_wait3A_1023 = arith.constant 0 : i32
    %dma_wait3A_1024 = tpu.memref_slice %arg4[%mul3A_2, %dma_wait3A_1022, %dma_wait3A_1023] : memref<4096x50x128xf32, #tpu.memory_space<hbm>> -> memref<1x50x128xf32, #tpu.memory_space<hbm>>
    %dma_wait3A_1025 = tpu.memref_squeeze %dma_wait3A_1024 : memref<1x50x128xf32, #tpu.memory_space<hbm>> -> memref<50x128xf32, #tpu.memory_space<hbm>>
    %dma_wait3A_1026 = arith.constant 0 : i32
    %dma_wait3A_1027 = arith.constant 0 : i32
    %dma_wait3A_1028 = tpu.memref_slice %arg4[%mul3A_2, %dma_wait3A_1026, %dma_wait3A_1027] : memref<4096x50x128xf32, #tpu.memory_space<hbm>> -> memref<1x50x128xf32, #tpu.memory_space<hbm>>
    %dma_wait3A_1029 = tpu.memref_squeeze %dma_wait3A_1028 : memref<1x50x128xf32, #tpu.memory_space<hbm>> -> memref<50x128xf32, #tpu.memory_space<hbm>>
    %dma_wait3A_1030 = arith.constant 0 : i32
    %dma_wait3A_1031 = arith.constant 0 : i32
    %dma_wait3A_1032 = tpu.memref_slice %arg6[%dma_wait3A_1017, %dma_wait3A_1030, %dma_wait3A_1031] : memref<10x50x128xf32, #tpu.memory_space<vmem>> -> memref<1x50x128xf32, #tpu.memory_space<vmem>>
    %dma_wait3A_1033 = tpu.memref_squeeze %dma_wait3A_1032 : memref<1x50x128xf32, #tpu.memory_space<vmem>> -> memref<50x128xf32, #tpu.memory_space<vmem>>
    tpu.wait_dma2 semaphore(%arg23 : memref<!tpu.dma_semaphore, #tpu.memory_space<semaphore_mem>>) src(%dma_wait3A_1033 : memref<50x128xf32, #tpu.memory_space<vmem>>) dst(%dma_wait3A_1029 : memref<50x128xf32, #tpu.memory_space<hbm>>)
    %dma_wait3A_1034 = arith.constant 7 : i32
    %dma_wait3A_1035 = arith.constant 0 : i32
    %dma_wait3A_1036 = arith.constant 0 : i32
    %dma_wait3A_1037 = tpu.memref_slice %arg6[%dma_wait3A_1034, %dma_wait3A_1035, %dma_wait3A_1036] : memref<10x50x128xf32, #tpu.memory_space<vmem>> -> memref<1x50x128xf32, #tpu.memory_space<vmem>>
    %dma_wait3A_1038 = tpu.memref_squeeze %dma_wait3A_1037 : memref<1x50x128xf32, #tpu.memory_space<vmem>> -> memref<50x128xf32, #tpu.memory_space<vmem>>
    %dma_wait3A_1039 = arith.constant 0 : i32
    %dma_wait3A_1040 = arith.constant 0 : i32
    %dma_wait3A_1041 = tpu.memref_slice %arg4[%mul3A_2, %dma_wait3A_1039, %dma_wait3A_1040] : memref<4096x50x128xf32, #tpu.memory_space<hbm>> -> memref<1x50x128xf32, #tpu.memory_space<hbm>>
    %dma_wait3A_1042 = tpu.memref_squeeze %dma_wait3A_1041 : memref<1x50x128xf32, #tpu.memory_space<hbm>> -> memref<50x128xf32, #tpu.memory_space<hbm>>
    %dma_wait3A_1043 = arith.constant 0 : i32
    %dma_wait3A_1044 = arith.constant 0 : i32
    %dma_wait3A_1045 = tpu.memref_slice %arg4[%mul3A_2, %dma_wait3A_1043, %dma_wait3A_1044] : memref<4096x50x128xf32, #tpu.memory_space<hbm>> -> memref<1x50x128xf32, #tpu.memory_space<hbm>>
    %dma_wait3A_1046 = tpu.memref_squeeze %dma_wait3A_1045 : memref<1x50x128xf32, #tpu.memory_space<hbm>> -> memref<50x128xf32, #tpu.memory_space<hbm>>
    %dma_wait3A_1047 = arith.constant 0 : i32
    %dma_wait3A_1048 = arith.constant 0 : i32
    %dma_wait3A_1049 = tpu.memref_slice %arg6[%dma_wait3A_1034, %dma_wait3A_1047, %dma_wait3A_1048] : memref<10x50x128xf32, #tpu.memory_space<vmem>> -> memref<1x50x128xf32, #tpu.memory_space<vmem>>
    %dma_wait3A_1050 = tpu.memref_squeeze %dma_wait3A_1049 : memref<1x50x128xf32, #tpu.memory_space<vmem>> -> memref<50x128xf32, #tpu.memory_space<vmem>>
    tpu.wait_dma2 semaphore(%arg24 : memref<!tpu.dma_semaphore, #tpu.memory_space<semaphore_mem>>) src(%dma_wait3A_1050 : memref<50x128xf32, #tpu.memory_space<vmem>>) dst(%dma_wait3A_1046 : memref<50x128xf32, #tpu.memory_space<hbm>>)
    %dma_wait3A_1051 = arith.constant 8 : i32
    %dma_wait3A_1052 = arith.constant 0 : i32
    %dma_wait3A_1053 = arith.constant 0 : i32
    %dma_wait3A_1054 = tpu.memref_slice %arg6[%dma_wait3A_1051, %dma_wait3A_1052, %dma_wait3A_1053] : memref<10x50x128xf32, #tpu.memory_space<vmem>> -> memref<1x50x128xf32, #tpu.memory_space<vmem>>
    %dma_wait3A_1055 = tpu.memref_squeeze %dma_wait3A_1054 : memref<1x50x128xf32, #tpu.memory_space<vmem>> -> memref<50x128xf32, #tpu.memory_space<vmem>>
    %dma_wait3A_1056 = arith.constant 0 : i32
    %dma_wait3A_1057 = arith.constant 0 : i32
    %dma_wait3A_1058 = tpu.memref_slice %arg4[%mul3A_2, %dma_wait3A_1056, %dma_wait3A_1057] : memref<4096x50x128xf32, #tpu.memory_space<hbm>> -> memref<1x50x128xf32, #tpu.memory_space<hbm>>
    %dma_wait3A_1059 = tpu.memref_squeeze %dma_wait3A_1058 : memref<1x50x128xf32, #tpu.memory_space<hbm>> -> memref<50x128xf32, #tpu.memory_space<hbm>>
    %dma_wait3A_1060 = arith.constant 0 : i32
    %dma_wait3A_1061 = arith.constant 0 : i32
    %dma_wait3A_1062 = tpu.memref_slice %arg4[%mul3A_2, %dma_wait3A_1060, %dma_wait3A_1061] : memref<4096x50x128xf32, #tpu.memory_space<hbm>> -> memref<1x50x128xf32, #tpu.memory_space<hbm>>
    %dma_wait3A_1063 = tpu.memref_squeeze %dma_wait3A_1062 : memref<1x50x128xf32, #tpu.memory_space<hbm>> -> memref<50x128xf32, #tpu.memory_space<hbm>>
    %dma_wait3A_1064 = arith.constant 0 : i32
    %dma_wait3A_1065 = arith.constant 0 : i32
    %dma_wait3A_1066 = tpu.memref_slice %arg6[%dma_wait3A_1051, %dma_wait3A_1064, %dma_wait3A_1065] : memref<10x50x128xf32, #tpu.memory_space<vmem>> -> memref<1x50x128xf32, #tpu.memory_space<vmem>>
    %dma_wait3A_1067 = tpu.memref_squeeze %dma_wait3A_1066 : memref<1x50x128xf32, #tpu.memory_space<vmem>> -> memref<50x128xf32, #tpu.memory_space<vmem>>
    tpu.wait_dma2 semaphore(%arg25 : memref<!tpu.dma_semaphore, #tpu.memory_space<semaphore_mem>>) src(%dma_wait3A_1067 : memref<50x128xf32, #tpu.memory_space<vmem>>) dst(%dma_wait3A_1063 : memref<50x128xf32, #tpu.memory_space<hbm>>)
    %dma_wait3A_1068 = arith.constant 9 : i32
    %dma_wait3A_1069 = arith.constant 0 : i32
    %dma_wait3A_1070 = arith.constant 0 : i32
    %dma_wait3A_1071 = tpu.memref_slice %arg6[%dma_wait3A_1068, %dma_wait3A_1069, %dma_wait3A_1070] : memref<10x50x128xf32, #tpu.memory_space<vmem>> -> memref<1x50x128xf32, #tpu.memory_space<vmem>>
    %dma_wait3A_1072 = tpu.memref_squeeze %dma_wait3A_1071 : memref<1x50x128xf32, #tpu.memory_space<vmem>> -> memref<50x128xf32, #tpu.memory_space<vmem>>
    %dma_wait3A_1073 = arith.constant 0 : i32
    %dma_wait3A_1074 = arith.constant 0 : i32
    %dma_wait3A_1075 = tpu.memref_slice %arg4[%mul3A_2, %dma_wait3A_1073, %dma_wait3A_1074] : memref<4096x50x128xf32, #tpu.memory_space<hbm>> -> memref<1x50x128xf32, #tpu.memory_space<hbm>>
    %dma_wait3A_1076 = tpu.memref_squeeze %dma_wait3A_1075 : memref<1x50x128xf32, #tpu.memory_space<hbm>> -> memref<50x128xf32, #tpu.memory_space<hbm>>
    %dma_wait3A_1077 = arith.constant 0 : i32
    %dma_wait3A_1078 = arith.constant 0 : i32
    %dma_wait3A_1079 = tpu.memref_slice %arg4[%mul3A_2, %dma_wait3A_1077, %dma_wait3A_1078] : memref<4096x50x128xf32, #tpu.memory_space<hbm>> -> memref<1x50x128xf32, #tpu.memory_space<hbm>>
    %dma_wait3A_1080 = tpu.memref_squeeze %dma_wait3A_1079 : memref<1x50x128xf32, #tpu.memory_space<hbm>> -> memref<50x128xf32, #tpu.memory_space<hbm>>
    %dma_wait3A_1081 = arith.constant 0 : i32
    %dma_wait3A_1082 = arith.constant 0 : i32
    %dma_wait3A_1083 = tpu.memref_slice %arg6[%dma_wait3A_1068, %dma_wait3A_1081, %dma_wait3A_1082] : memref<10x50x128xf32, #tpu.memory_space<vmem>> -> memref<1x50x128xf32, #tpu.memory_space<vmem>>
    %dma_wait3A_1084 = tpu.memref_squeeze %dma_wait3A_1083 : memref<1x50x128xf32, #tpu.memory_space<vmem>> -> memref<50x128xf32, #tpu.memory_space<vmem>>
    tpu.wait_dma2 semaphore(%arg26 : memref<!tpu.dma_semaphore, #tpu.memory_space<semaphore_mem>>) src(%dma_wait3A_1084 : memref<50x128xf32, #tpu.memory_space<vmem>>) dst(%dma_wait3A_1080 : memref<50x128xf32, #tpu.memory_space<hbm>>)
    return
  }
}

</mosaic_0001>

<sc_bundles>
// kernel: kernel.3.cloned.1.call-start
scs
__scs_entry_jumppad:
0x0: {  	(pc) =	sbr.rel $0x88, $3  }
0x1: {  	(tag) =	ssettag $0x0;
	lr =	simm.s32 $0x1  }
0x2: {  	[smem:$0x3F9F] =	sst lr;
	_ =	strace $0xD0000000  }
0x3: {  	_ = 	snop  }
0x4: {  	_ = 	snop  }
0x5: {  	_ = 	snop  }
0x6: {  	_ = 	snop  }
0x7: {  	_ = 	snop  }
__scs_overlays_trampoline_lowered:
0x8: {  	[smem:$0x3FAE] =	sst s0  }
0x9: {  	[smem:$0x3FAF] =	sst s1  }
0xa: {  	[smem:$0x3FB0] =	sst s2  }
0xb: {  	[smem:$0x3FB1] =	sst s3  }
0xc: {  	[smem:$0x3FB2] =	sst s4  }
0xd: {  	[smem:$0x3FB3] =	sst s5  }
0xe: {  	[smem:$0x3FB4] =	sst s6  }
0xf: {  	[smem:$0x3FB5] =	sst s7  }
0x10: {  	[smem:$0x3FB6] =	sst s8  }
0x11: {  	[smem:$0x3FB7] =	sst s9;
	s0 =	simm.s32 @!p0 $0x0  }
0x12: {  	s1 =	sld [smem:$0x3F9D];
	s0 =	simm.s32 @p0 $0x1  }
0x13: {  	[smem:$0x3FB8] =	sst s0;
	s0 =	simm.s32 @!p1 $0x0  }
0x14: {  	s2 =	sld [smem:$0x3F9C];
	s0 =	simm.s32 @p1 $0x1  }
0x15: {  	[smem:$0x3FB9] =	sst s0;
	s0 =	simm.s32 @!p2 $0x0  }
0x16: {  	s3 =	sld [smem:$0x3FDB];
	s0 =	simm.s32 @p2 $0x1  }
0x17: {  	s4 =	simm.s32 $0x1BF5;
	[smem:$0x3FBB] =	sst s0  }
0x18: {  	s0 =	sld [smem:$0x3F9E];
	_ =	swait.ge [sflag:s4], $0x0  }
0x19: {  	s7 =	sld [smem:$0x3F9F]  }
0x1a: {  	s8 =	sadd.s32 $0xFFFFE003, lr  }
0x1b: {  	s9 =	sadd.s32 $0xFFFFFEF7, lr;
	s5 =	simm.s32 $0xFFFFFFFF;
	p2 =	slt.u32 s8, $0xFFFFF086  }
0x1c: {  	p1 =	slt.u32 s9, $0xF7A;
	s5 =	simm.s32 @!p2 $0x0  }
0x1d: {  	s5 =	simm.s32 @p1 $0x1;
	p0 =	seq.s32 s7, s2  }
0x1e: {  	s7 =	smul.u32 @!p0 $0xF7A, s2;
	p2 =	seq.s32 @!p0 s5, $0x0  }
0x1f: {  	s9 =	smul.u32 $0xF7A, s1;
	s8 =	simm.s32 @!p0 $0x1BF5;
	p2 =	por !p2, p0  }
0x20: {  	[sflag:s8] =	ssyncset.s32 @!p0 $0xFFFFF086;
	s6 =	sadd.s32 @!p0 s3, s7;
	s7 =	simm.s32 @!p0 $0x108  }
0x21: {  	s3 =	sadd.s32 s3, s9;
	s6 =	sadd.s32 @!p0 $0x88, s6;
	s7 =	simm.s32 @p2 $0x1082  }
0x22: {  	[simem:s7], [sflag:s8] =	dma.local @!p0 [hbm:s6], $0xF7A  }
0x23: {  	s9 =	sor.u32 $0xD0000000, s2;
	s6 =	simm.s32 $0x108;
	_ =	swait.ge @!p0 [sflag:s8], $0x0  }
0x24: {  	s3 =	sadd.s32 $0x88, s3;
	s6 =	simm.s32 @!p1 $0x1082;
	[sflag:s4] =	ssyncset.s32 $0xFFFFF086  }
0x25: {  	[simem:s6], [sflag:s4] =	dma.local [hbm:s3], $0xF7A  }
0x26: {  	[smem:$0x3F9F] =	sst s1;
	(tag) =	ssettag s2;
	_ =	strace s9  }
0x27: {  	s1 =	sld [smem:$0x3FAF]  }
0x28: {  	s2 =	sld [smem:$0x3FB0]  }
0x29: {  	s4 =	sld [smem:$0x3FB2]  }
0x2a: {  	p0 =	seq.s32 s5, $0x0;
	s5 =	sld [smem:$0x3FB3]  }
0x2b: {  	s6 =	sld [smem:$0x3FB4]  }
0x2c: {  	s7 =	sld [smem:$0x3FB5]  }
0x2d: {  	s3 =	simm.s32 $0x108;
	s8 =	sld [smem:$0x3FB6]  }
0x2e: {  	s3 =	simm.s32 @!p0 $0x1082;
	s9 =	sld [smem:$0x3FB7]  }
0x2f: {  	lr =	sadd.s32 s0, s3;
	s0 =	sld [smem:$0x3FAE]  }
0x30: {  	s3 =	sld [smem:$0x3FB1]  }
0x31: {  	[smem:$0x3FBA] =	sst s10  }
0x32: {  	s10 =	sld [smem:$0x3FB8];
	_ =	sdelay $0x3  }
0x33: {  	p0 =	seq.s32 s10, $0x1;
	s10 =	sld [smem:$0x3FBA];
	_ =	sdelay $0x3  }
0x34: {  	[smem:$0x3FBA] =	sst s10  }
0x35: {  	s10 =	sld [smem:$0x3FB9];
	_ =	sdelay $0x3  }
0x36: {  	p1 =	seq.s32 s10, $0x1;
	s10 =	sld [smem:$0x3FBA];
	_ =	sdelay $0x3  }
0x37: {  	[smem:$0x3FBA] =	sst s10  }
0x38: {  	s10 =	sld [smem:$0x3FBB]  }
0x39: {  	_ = 	snop;
	(pc) =	sbr.ind lr, $3  }
0x3a: {  	_ = 	snop  }
0x3b: {  	_ = 	snop  }
0x3c: {  	p2 =	seq.s32 s10, $0x1;
	s10 =	sld [smem:$0x3FBA]  }
0x3d: {  	_ =	shalt  }
0x3e: {  	_ =	shalt  }
0x3f: {  	_ =	shalt  }
0x40: {  	_ =	shalt  }
0x41: {  	_ =	shalt  }
0x42: {  	_ =	shalt  }
0x43: {  	_ =	shalt  }
0x44: {  	_ =	shalt  }
0x45: {  	_ =	shalt  }
0x46: {  	_ =	shalt  }
0x47: {  	_ =	shalt  }
0x48: {  	_ =	shalt  }
0x49: {  	_ =	shalt  }
0x4a: {  	_ =	shalt  }
0x4b: {  	_ =	shalt  }
0x4c: {  	_ =	shalt  }
0x4d: {  	_ =	shalt  }
0x4e: {  	_ =	shalt  }
0x4f: {  	_ =	shalt  }
0x50: {  	_ =	shalt  }
0x51: {  	_ =	shalt  }
0x52: {  	_ =	shalt  }
0x53: {  	_ =	shalt  }
0x54: {  	_ =	shalt  }
0x55: {  	_ =	shalt  }
0x56: {  	_ =	shalt  }
0x57: {  	_ =	shalt  }
0x58: {  	_ =	shalt  }
0x59: {  	_ =	shalt  }
0x5a: {  	_ =	shalt  }
0x5b: {  	_ =	shalt  }
0x5c: {  	_ =	shalt  }
0x5d: {  	_ =	shalt  }
0x5e: {  	_ =	shalt  }
0x5f: {  	_ =	shalt  }
0x60: {  	_ =	shalt  }
0x61: {  	_ =	shalt  }
0x62: {  	_ =	shalt  }
0x63: {  	_ =	shalt  }
0x64: {  	_ =	shalt  }
0x65: {  	_ =	shalt  }
0x66: {  	_ =	shalt  }
0x67: {  	_ =	shalt  }
0x68: {  	_ =	shalt  }
0x69: {  	_ =	shalt  }
0x6a: {  	_ =	shalt  }
0x6b: {  	_ =	shalt  }
0x6c: {  	_ =	shalt  }
0x6d: {  	_ =	shalt  }
0x6e: {  	_ =	shalt  }
0x6f: {  	_ =	shalt  }
0x70: {  	_ =	shalt  }
0x71: {  	_ =	shalt  }
0x72: {  	_ =	shalt  }
0x73: {  	_ =	shalt  }
0x74: {  	_ =	shalt  }
0x75: {  	_ =	shalt  }
0x76: {  	_ =	shalt  }
0x77: {  	_ =	shalt  }
0x78: {  	_ =	shalt  }
0x79: {  	_ =	shalt  }
0x7a: {  	_ =	shalt  }
0x7b: {  	_ =	shalt  }
0x7c: {  	_ =	shalt  }
0x7d: {  	_ =	shalt  }
0x7e: {  	_ =	shalt  }
0x7f: {  	_ =	shalt  }
0x80: {  	_ =	shalt  }
0x81: {  	_ =	shalt  }
0x82: {  	_ =	shalt  }
0x83: {  	_ =	shalt  }
0x84: {  	_ =	shalt  }
0x85: {  	_ =	shalt  }
0x86: {  	_ =	shalt  }
0x87: {  	_ =	shalt  }
.Lfunc_end0:
.L_simem_size_0:
called_computation_lowered:
.L_overlay_start_0:
0x88: {  	s2 =	sld [smem:$0x3FD9]  }
0x89: {  	s3 =	sld [smem:$0x3FFE];
	_ =	sdelay $0x1  }
0x8a: {  	s1 =	srdreg.scid  }
0x8b: {  	s0 =	sand.u32 $0x1, s1  }
0x8c: {  	s17 =	sshll.u32 s0, $0xA;
	s2 =	sadd.s32 s3, s2  }
0x8d: {  	s2 =	sadd.s32 s2, s17  }
0x8e: {  	[smem:$0x3FC6] =	sst s2  }
0x8f: {  	_ = 	snop  }
0x90: {  	s2 =	sld [smem:$0x3FC8]  }
0x91: {  	s18 =	sld [smem:$0x3FD0];
	(tm) =	ssettm $0x1  }
0x92: {  	s4 =	sld [smem:$0x3FFB];
	_ =	sdelay $0x3  }
0x93: {  	_ =	strace s4  }
0x94: {  	s4 =	sld [smem:$0x3FFC];
	_ =	sdelay $0x3  }
0x95: {  	_ =	strace s4  }
0x96: {  	s4 =	sld [smem:$0x3FFD];
	_ =	sdelay $0x3  }
0x97: {  	_ =	strace s4  }
0x98: {  	_ =	strace $0x8FFFFFFF  }
0x99: {  	s19 =	sld [smem:$0x3FDB];
	_ =	sdelay $0x1  }
0x9a: {  	s5 =	simm.s32 $_scs_section_size  }
0x9b: {  	s6 =	simm.s32 $_size__tile_overlayer_lowered;
	s7 =	simm.s32 $_tile_overlayer_lowered  }
0x9c: {  	s22 =	simm.s32 $0x1BFF;
	s21 =	sshll.u32 s7, $0x1;
	s4 =	sadd.s32 s5, s19  }
0x9d: {  	s8 =	simm.s32 $0x0;
	s20 =	sshll.u32 s6, $0x1;
	s6 =	sadd.s32 s21, s4  }
0x9e: {  	[timem:s8], [sflag:s22] =	dma.local [hbm:s6], s20  }
0x9f: {  	_ =	swait.ge [sflag:s22], s20  }
0xa0: {  	s5 =	ssub.s32 $0x0, s20;
	[sflag:s22] =	ssyncset.done $0x0  }
0xa1: {  	[sflag:s22] =	ssyncadd.s32 s5;
	_ =	sdelay $0x1  }
0xa2: {  	s23 =	simm.s32 $0x1B8B  }
0xa3: {  	_ =	swait.ge [sflag:s23], $0x1  }
0xa4: {  	[sflag:s23] =	ssyncset.done $0x0  }
0xa5: {  	s25 =	simm.s32 $0x1B8E;
	s24 =	sld [smem:$0x3FFE];
	[sflag:s23] =	ssyncadd.s32 $0xFFFFFFFF  }
0xa6: {  	s26 =	simm.s32 $execute0_lowered;
	[smem:$0x3FD2] =	sst s25  }
0xa7: {  	s6 =	sshll.u32 s26, $0x1;
	_ =	strace $0x80000046;
	[dreg:$0x1] =	wrdreg $0xFFFFFFFF  }
0xa8: {  	s28 =	simm.s32 $_size_execute0_lowered;
	s4 =	sadd.s32 s4, s6;
	[dreg:$0x0] =	wrdreg $0x0  }
0xa9: {  	s6 =	sshll.u32 s28, $0x1;
	[dreg:$0x2] =	wrdreg s4  }
0xaa: {  	[dreg:$0x3] =	wrdreg s6  }
0xab: {  	[dreg:$0x4] =	wrdreg $0xC0  }
0xac: {  	_ =	task [dreg:s8], $0x5FFFF  }
0xad: {  	[dreg:$0x1] =	wrdreg $0xFFFFFFFF  }
0xae: {  	[dreg:$0x0] =	wrdreg $0x60  }
0xaf: {  	[dreg:$0x2] =	wrdreg s2  }
0xb0: {  	[dreg:$0x3] =	wrdreg s18  }
0xb1: {  	[dreg:$0x4] =	wrdreg s24  }
0xb2: {  	[dreg:$0x5] =	wrdreg $0x9  }
0xb3: {  	_ =	task.clear_ibuf [dreg:s8], $0x6FFFF;
	_ =	strace $0x90000046  }
0xb4: {  	s29 =	simm.s32 $0x9;
	_ =	strace $0x80000048  }
0xb5: {  	_ =	swait.ge [sflag:s29], $0x1  }
0xb6: {  	[sflag:s29] =	ssyncadd.s32 $0xFFFFFFFF  }
0xb7: {  	_ =	strace $0x90000048  }
0xb8: {  	_ =	sfence  }
0xb9: {  	s30 =	sld [smem:$0x0];
	_ =	sdelay $0x2  }
0xba: {  	s31 =	sshll.u32 s1, $0xD;
	s1 =	sshrl.u32 s1, $0x2  }
0xbb: {  	s3 =	sand.u32 $0x4000, s31;
	s1 =	sadd.s32 s1, s30  }
0xbc: {  	s0 =	sor.u32 s3, s0;
	s1 =	sshll.u32 s1, $0x11  }
0xbd: {  	s0 =	sor.u32 s1, s0  }
0xbe: {  	s0 =	sadd.s32 $0x8F2B, s0  }
0xbf: {  	[sflag:s0] =	ssyncadd.remote.s32 $0x1  }
0xc0: {  	_ =	sfence.sel $0xFFFF  }
0xc1: {  	[dreg:$0x0] =	wrdreg $0xFFFFFFFF;
	(pc) =	sbr.abs _section_cstart, $3  }
0xc2: {  	[dreg:$0x1] =	wrdreg $0xFFFFFFFF  }
0xc3: {  	_ =	task.clear_ibuf [dreg:s8], $0x2FFFF;
	_ =	strace $0x9FFFFFFF  }
0xc4: {  	(tm) =	ssettm $0x7FFFFFFF  }
0xc5: {  	_ =	shalt  }
tec
execute0_lowered:
.L_overlay_start_1:
0x0: {  	(tag) =	ssettag $0x1  }
0x1: {  	s0 =	srdreg.scid  }
0x2: {  	s1 =	rddreg [dreg:$0x0];
	s10 =	stileid.u32;
	s0 =	sand.u32 $0x1, s0  }
0x3: {  	s4 =	rddreg [dreg:$0x2];
	s3 =	sshll.u32 s10, $0x8;
	s5 =	sshll.u32 s0, $0x7  }
0x4: {  	s2 =	rddreg [dreg:$0x1];
	s4 =	sadd.s32 $0x400, s4;
	s5 =	sor.u32 s5, s3  }
0x5: {  	s6 =	ssub.s32 $0x2, s0;
	s3 =	simm.s32 $0x0;
	s7 =	smul.u32 $0x380, s5  }
0x6: {  	s8 =	sshrl.u32 s6, $0x1;
	s9 =	smul.u32 $0x1C00, s5;
	s5 =	sshll.u32 s5, $0x4  }
0x7: {  	[smem:$0x7FF] =	sst s3;
	s6 =	ssub.s32 s6, s8;
	s2 =	sadd.s32 s2, s5  }
0x8: {  	_ =	strace $0x80000047;
	s31 =	smax.u32 s6, $0x1;
	[dreg:$0x5] =	wrdreg s2  }
0x9: {  	s7 =	sadd.s32 s4, s7;
	s9 =	sshrl.u32 s9, $0x3;
	[dreg:$0x17] =	wrdreg s31  }
0xa: {  	[dreg:$0x4] =	wrdreg s7;
	s11 =	sadd.s32 $0x380, s7;
	s12 =	sadd.s32 s4, s9  }
0xb: {  	[dreg:$0x6] =	wrdreg s11;
	s13 =	sadd.s32 $0x18800, s12  }
0xc: {  	s14 =	sadd.s32 $0x18B80, s12;
	[dreg:$0x7] =	wrdreg s13  }
0xd: {  	s15 =	sadd.s32 $0x18F00, s12;
	[dreg:$0x8] =	wrdreg s14  }
0xe: {  	s16 =	sadd.s32 $0x19280, s12;
	[dreg:$0x9] =	wrdreg s15  }
0xf: {  	s17 =	sadd.s32 $0x19600, s12;
	[dreg:$0xa] =	wrdreg s16  }
0x10: {  	s18 =	sadd.s32 $0x19980, s12;
	[dreg:$0xb] =	wrdreg s17  }
0x11: {  	s19 =	sadd.s32 $0x19D00, s12;
	[dreg:$0xc] =	wrdreg s18  }
0x12: {  	s28 =	simm.s32 $0x13;
	s20 =	sadd.s32 $0x1A080, s12;
	[dreg:$0xd] =	wrdreg s19  }
0x13: {  	s30 =	simm.s32 $0x14;
	s21 =	sadd.s32 $0x1A400, s12;
	[dreg:$0xe] =	wrdreg s20  }
0x14: {  	s24 =	smul.u32 $0x38000, s10;
	s22 =	sadd.s32 $0x1A780, s12;
	[dreg:$0xf] =	wrdreg s21  }
0x15: {  	s0 =	smul.u32 $0x1C000, s0;
	s23 =	sadd.s32 $0x1AB00, s12;
	[dreg:$0x10] =	wrdreg s22  }
0x16: {  	s4 =	sadd.s32 s24, s4;
	s7 =	sadd.s32 $0x1AE80, s12;
	[dreg:$0x11] =	wrdreg s23  }
0x17: {  	s24 =	simm.s32 $0x12;
	s25 =	sadd.s32 $0x1B200, s12;
	[dreg:$0x12] =	wrdreg s7  }
0x18: {  	s26 =	sadd.s32 $0x1B580, s12;
	s29 =	sadd.s32 $0x1B900, s12;
	[dreg:$0x13] =	wrdreg s25  }
0x19: {  	s2 =	sadd.s32 $0x1BC80, s12;
	s0 =	sadd.s32 s0, s4;
	[dreg:$0x14] =	wrdreg s26  }
0x1a: {  	s11 =	simm.s32 $0x3;
	s12 =	simm.s32 $0xB;
	[dreg:$0x15] =	wrdreg s29  }
0x1b: {  	s4 =	simm.s32 $0xE;
	[dreg:$0x16] =	wrdreg s2;
	s0 =	sadd.s32 $0x1500, s0  }
0x1c: {  	s26 =	simm.s32 $0x32;
	s13 =	simm.s32 $0x4;
	s14 =	simm.s32 $0xC  }
0x1d: {  	s15 =	simm.s32 $0x5;
	s16 =	simm.s32 $0xD;
	s17 =	simm.s32 $0x6  }
0x1e: {  	s18 =	simm.s32 $0x7;
	s19 =	simm.s32 $0xF;
	s20 =	simm.s32 $0x8  }
0x1f: {  	s21 =	simm.s32 $0x10;
	s22 =	simm.s32 $0x9;
	s23 =	simm.s32 $0x11  }
0x20: {  	s25 =	simm.s32 $0xA;
	s2 =	simm.s32 $0x0;
	[dreg:$0x18] =	wrdreg s0  }
.LBB2_1:
0x21: {  	[dreg:$0x19] =	wrdreg s2  }
0x22: {  	s0 =	rddreg [dreg:$0x5];
	s8 =	simm.s32 $0x15  }
0x23: {  	[tilespmem:s3], [sflag:$0x15] =	stream.linear.gather [hbm4b:s0+s3], $0x4000, $0x38;
	[tilespmem:$0x15800] =	vst v63  }
0x24: {  	_ =	swait.ge [sflag:s8], $0x4000  }
0x25: {  	[sflag:s8] =	ssyncset.done $0x0  }
0x26: {  	s31 =	simm.s32 $0x4000;
	[sflag:s8] =	ssyncadd.s32 $0xFFFFC000  }
0x27: {  	[tilespmem:s31], [sflag:$0x1] =	stream.indirect.gather [hbm4b:s1+s26], $0x80, s3, s26, $0xb8;
	[tilespmem:$0x15800] =	vst v63  }
0x28: {  	s9 =	simm.s32 $0x80;
	s10 =	simm.s32 $0x5C00  }
0x29: {  	[tilespmem:s10], [sflag:$0x2] =	stream.indirect.gather [hbm4b:s1+s26], $0x80, s9, s26, $0xb8;
	[tilespmem:$0x15800] =	vst v63  }
0x2a: {  	s5 =	simm.s32 $0x100;
	s6 =	simm.s32 $0x7800  }
0x2b: {  	[tilespmem:s6], [sflag:$0x3] =	stream.indirect.gather [hbm4b:s1+s26], $0x80, s5, s26, $0xb8;
	[tilespmem:$0x15800] =	vst v63  }
0x2c: {  	s7 =	simm.s32 $0x180;
	s8 =	simm.s32 $0x9400  }
0x2d: {  	[tilespmem:s8], [sflag:$0x4] =	stream.indirect.gather [hbm4b:s1+s26], $0x80, s7, s26, $0xb8;
	[tilespmem:$0x15800] =	vst v63  }
0x2e: {  	s9 =	simm.s32 $0x200;
	s10 =	simm.s32 $0xB000  }
0x2f: {  	[tilespmem:s10], [sflag:$0x5] =	stream.indirect.gather [hbm4b:s1+s26], $0x80, s9, s26, $0xb8;
	[tilespmem:$0x15800] =	vst v63  }
0x30: {  	s2 =	simm.s32 $0x280;
	s9 =	simm.s32 $0xCC00  }
0x31: {  	[tilespmem:s9], [sflag:$0x6] =	stream.indirect.gather [hbm4b:s1+s26], $0x80, s2, s26, $0xb8;
	[tilespmem:$0x15800] =	vst v63  }
0x32: {  	s5 =	simm.s32 $0x300;
	s7 =	simm.s32 $0xE800  }
0x33: {  	[tilespmem:s7], [sflag:$0x7] =	stream.indirect.gather [hbm4b:s1+s26], $0x80, s5, s26, $0xb8;
	[tilespmem:$0x15800] =	vst v63  }
0x34: {  	s2 =	simm.s32 $0x1;
	s5 =	simm.s32 $0x380;
	s7 =	simm.s32 $0x10400  }
0x35: {  	[tilespmem:s7], [sflag:$0x8] =	stream.indirect.gather [hbm4b:s1+s26], $0x80, s5, s26, $0xb8;
	[tilespmem:$0x15800] =	vst v63  }
0x36: {  	_ =	swait.ge [sflag:s2], $0x1900  }
0x37: {  	[sflag:s2] =	ssyncset.done $0x0  }
0x38: {  	s5 =	rddreg [dreg:$0x4];
	[sflag:s2] =	ssyncadd.s32 $0xFFFFE700  }
0x39: {  	[hbm4b:s5+s3] =	stream.linear.scatter [tilespmem:s31], [sflag:$0xB], $0x1900, $0x38;
	[tilespmem:$0x15800] =	vst v63  }
0x3a: {  	s7 =	simm.s32 $0x400;
	s5 =	simm.s32 $0x12000  }
0x3b: {  	[tilespmem:s5], [sflag:$0x9] =	stream.indirect.gather [hbm4b:s1+s26], $0x80, s7, s26, $0xb8;
	[tilespmem:$0x15800] =	vst v63  }
0x3c: {  	s5 =	simm.s32 $0x2  }
0x3d: {  	_ =	swait.ge [sflag:s5], $0x1900  }
0x3e: {  	[sflag:s5] =	ssyncset.done $0x0  }
0x3f: {  	s29 =	simm.s32 $0x5C00;
	s7 =	rddreg [dreg:$0x6];
	[sflag:s5] =	ssyncadd.s32 $0xFFFFE700  }
0x40: {  	[hbm4b:s7+s3] =	stream.linear.scatter [tilespmem:s29], [sflag:$0xC], $0x1900, $0x38;
	[tilespmem:$0x15800] =	vst v63  }
0x41: {  	s0 =	simm.s32 $0x480;
	s29 =	simm.s32 $0x13C00  }
0x42: {  	[tilespmem:s29], [sflag:$0xA] =	stream.indirect.gather [hbm4b:s1+s26], $0x80, s0, s26, $0xb8;
	[tilespmem:$0x15800] =	vst v63  }
0x43: {  	_ =	swait.ge [sflag:s11], $0x1900  }
0x44: {  	[sflag:s11] =	ssyncset.done $0x0;
	s29 =	rddreg [dreg:$0x18]  }
0x45: {  	[sflag:s11] =	ssyncadd.s32 $0xFFFFE700;
	s0 =	sadd.s32 $0xFFFFF200, s29  }
0x46: {  	[hbm4b:s0+s3] =	stream.linear.scatter [tilespmem:s6], [sflag:$0xD], $0x1900, $0x38;
	[tilespmem:$0x15800] =	vst v63  }
0x47: {  	_ =	swait.ge [sflag:s12], $0x1900  }
0x48: {  	[sflag:s12] =	ssyncset.done $0x0  }
0x49: {  	s0 =	simm.s32 $0x500;
	[sflag:s12] =	ssyncadd.s32 $0xFFFFE700  }
0x4a: {  	[tilespmem:s31], [sflag:$0x1] =	stream.indirect.gather [hbm4b:s1+s26], $0x80, s0, s26, $0xb8;
	[tilespmem:$0x15800] =	vst v63  }
0x4b: {  	_ =	swait.ge [sflag:s13], $0x1900  }
0x4c: {  	[sflag:s13] =	ssyncset.done $0x0  }
0x4d: {  	s0 =	sadd.s32 $0xFFFFF580, s29;
	[sflag:s13] =	ssyncadd.s32 $0xFFFFE700  }
0x4e: {  	[hbm4b:s0+s3] =	stream.linear.scatter [tilespmem:s8], [sflag:$0xE], $0x1900, $0x38;
	[tilespmem:$0x15800] =	vst v63  }
0x4f: {  	_ =	swait.ge [sflag:s14], $0x1900  }
0x50: {  	[sflag:s14] =	ssyncset.done $0x0  }
0x51: {  	s7 =	simm.s32 $0x5C00;
	s0 =	simm.s32 $0x580;
	[sflag:s14] =	ssyncadd.s32 $0xFFFFE700  }
0x52: {  	[tilespmem:s7], [sflag:$0x2] =	stream.indirect.gather [hbm4b:s1+s26], $0x80, s0, s26, $0xb8;
	[tilespmem:$0x15800] =	vst v63  }
0x53: {  	_ =	swait.ge [sflag:s15], $0x1900  }
0x54: {  	[sflag:s15] =	ssyncset.done $0x0  }
0x55: {  	s7 =	sadd.s32 $0xFFFFF900, s29;
	[sflag:s15] =	ssyncadd.s32 $0xFFFFE700  }
0x56: {  	[hbm4b:s7+s3] =	stream.linear.scatter [tilespmem:s10], [sflag:$0xF], $0x1900, $0x38;
	[tilespmem:$0x15800] =	vst v63  }
0x57: {  	_ =	swait.ge [sflag:s16], $0x1900  }
0x58: {  	[sflag:s16] =	ssyncset.done $0x0  }
0x59: {  	s7 =	simm.s32 $0x600;
	[sflag:s16] =	ssyncadd.s32 $0xFFFFE700  }
0x5a: {  	[tilespmem:s6], [sflag:$0x3] =	stream.indirect.gather [hbm4b:s1+s26], $0x80, s7, s26, $0xb8;
	[tilespmem:$0x15800] =	vst v63  }
0x5b: {  	_ =	swait.ge [sflag:s17], $0x1900  }
0x5c: {  	[sflag:s17] =	ssyncset.done $0x0  }
0x5d: {  	s7 =	sadd.s32 $0xFFFFFC80, s29;
	[sflag:s17] =	ssyncadd.s32 $0xFFFFE700  }
0x5e: {  	[hbm4b:s7+s3] =	stream.linear.scatter [tilespmem:s9], [sflag:$0x10], $0x1900, $0x38;
	[tilespmem:$0x15800] =	vst v63  }
0x5f: {  	_ =	swait.ge [sflag:s4], $0x1900  }
0x60: {  	[sflag:s4] =	ssyncset.done $0x0  }
0x61: {  	s6 =	simm.s32 $0x680;
	[sflag:s4] =	ssyncadd.s32 $0xFFFFE700  }
0x62: {  	[tilespmem:s8], [sflag:$0x4] =	stream.indirect.gather [hbm4b:s1+s26], $0x80, s6, s26, $0xb8;
	[tilespmem:$0x15800] =	vst v63  }
0x63: {  	_ =	swait.ge [sflag:s18], $0x1900  }
0x64: {  	[sflag:s18] =	ssyncset.done $0x0  }
0x65: {  	s8 =	simm.s32 $0xE800;
	[sflag:s18] =	ssyncadd.s32 $0xFFFFE700  }
0x66: {  	[hbm4b:s29+s3] =	stream.linear.scatter [tilespmem:s8], [sflag:$0x11], $0x1900, $0x38;
	[tilespmem:$0x15800] =	vst v63  }
0x67: {  	_ =	swait.ge [sflag:s19], $0x1900  }
0x68: {  	[sflag:s19] =	ssyncset.done $0x0  }
0x69: {  	s7 =	simm.s32 $0x700;
	[sflag:s19] =	ssyncadd.s32 $0xFFFFE700  }
0x6a: {  	[tilespmem:s10], [sflag:$0x5] =	stream.indirect.gather [hbm4b:s1+s26], $0x80, s7, s26, $0xb8;
	[tilespmem:$0x15800] =	vst v63  }
0x6b: {  	_ =	swait.ge [sflag:s20], $0x1900  }
0x6c: {  	[sflag:s20] =	ssyncset.done $0x0  }
0x6d: {  	s6 =	sadd.s32 $0x380, s29;
	s7 =	simm.s32 $0x10400;
	[sflag:s20] =	ssyncadd.s32 $0xFFFFE700  }
0x6e: {  	[hbm4b:s6+s3] =	stream.linear.scatter [tilespmem:s7], [sflag:$0x12], $0x1900, $0x38;
	[tilespmem:$0x15800] =	vst v63  }
0x6f: {  	_ =	swait.ge [sflag:s21], $0x1900  }
0x70: {  	[sflag:s21] =	ssyncset.done $0x0  }
0x71: {  	s10 =	simm.s32 $0x780;
	[sflag:s21] =	ssyncadd.s32 $0xFFFFE700  }
0x72: {  	[tilespmem:s9], [sflag:$0x6] =	stream.indirect.gather [hbm4b:s1+s26], $0x80, s10, s26, $0xb8;
	[tilespmem:$0x15800] =	vst v63  }
0x73: {  	_ =	swait.ge [sflag:s22], $0x1900  }
0x74: {  	[sflag:s22] =	ssyncset.done $0x0  }
0x75: {  	s6 =	sadd.s32 $0x700, s29;
	s9 =	simm.s32 $0x12000;
	[sflag:s22] =	ssyncadd.s32 $0xFFFFE700  }
0x76: {  	[hbm4b:s6+s3] =	stream.linear.scatter [tilespmem:s9], [sflag:$0x13], $0x1900, $0x38;
	[tilespmem:$0x15800] =	vst v63  }
0x77: {  	_ =	swait.ge [sflag:s23], $0x1900  }
0x78: {  	[sflag:s23] =	ssyncset.done $0x0  }
0x79: {  	s10 =	simm.s32 $0x800;
	[sflag:s23] =	ssyncadd.s32 $0xFFFFE700  }
0x7a: {  	[tilespmem:s8], [sflag:$0x7] =	stream.indirect.gather [hbm4b:s1+s26], $0x80, s10, s26, $0xb8;
	[tilespmem:$0x15800] =	vst v63  }
0x7b: {  	_ =	swait.ge [sflag:s25], $0x1900  }
0x7c: {  	[sflag:s25] =	ssyncset.done $0x0  }
0x7d: {  	s9 =	simm.s32 $0x13C00;
	s8 =	sadd.s32 $0xA80, s29;
	[sflag:s25] =	ssyncadd.s32 $0xFFFFE700  }
0x7e: {  	[hbm4b:s8+s3] =	stream.linear.scatter [tilespmem:s9], [sflag:$0x14], $0x1900, $0x38;
	[tilespmem:$0x15800] =	vst v63  }
0x7f: {  	_ =	swait.ge [sflag:s24], $0x1900  }
0x80: {  	[sflag:s24] =	ssyncset.done $0x0  }
0x81: {  	s10 =	simm.s32 $0x880;
	[sflag:s24] =	ssyncadd.s32 $0xFFFFE700  }
0x82: {  	[tilespmem:s7], [sflag:$0x8] =	stream.indirect.gather [hbm4b:s1+s26], $0x80, s10, s26, $0xb8;
	[tilespmem:$0x15800] =	vst v63  }
0x83: {  	_ =	swait.ge [sflag:s2], $0x1900  }
0x84: {  	[sflag:s2] =	ssyncset.done $0x0  }
0x85: {  	s8 =	sadd.s32 $0xE00, s29;
	[sflag:s2] =	ssyncadd.s32 $0xFFFFE700  }
0x86: {  	[hbm4b:s8+s3] =	stream.linear.scatter [tilespmem:s31], [sflag:$0xB], $0x1900, $0x38;
	[tilespmem:$0x15800] =	vst v63  }
0x87: {  	_ =	swait.ge [sflag:s28], $0x1900  }
0x88: {  	[sflag:s28] =	ssyncset.done $0x0  }
0x89: {  	s6 =	simm.s32 $0x12000;
	s9 =	simm.s32 $0x900;
	[sflag:s28] =	ssyncadd.s32 $0xFFFFE700  }
0x8a: {  	[tilespmem:s6], [sflag:$0x9] =	stream.indirect.gather [hbm4b:s1+s26], $0x80, s9, s26, $0xb8;
	[tilespmem:$0x15800] =	vst v63  }
0x8b: {  	_ =	swait.ge [sflag:s5], $0x1900  }
0x8c: {  	[sflag:s5] =	ssyncset.done $0x0  }
0x8d: {  	s10 =	sadd.s32 $0x1180, s29;
	s31 =	simm.s32 $0x5C00;
	[sflag:s5] =	ssyncadd.s32 $0xFFFFE700  }
0x8e: {  	[hbm4b:s10+s3] =	stream.linear.scatter [tilespmem:s31], [sflag:$0xC], $0x1900, $0x38;
	[tilespmem:$0x15800] =	vst v63  }
0x8f: {  	_ =	swait.ge [sflag:s30], $0x1900  }
0x90: {  	s0 =	simm.s32 $0x980;
	[sflag:s30] =	ssyncset.done $0x0  }
0x91: {  	s29 =	sadd.s32 $0x2300, s29;
	s2 =	simm.s32 $0x1400;
	[sflag:s30] =	ssyncadd.s32 $0xFFFFE700  }
.LBB2_2:
0x92: {  	s9 =	simm.s32 $0x13C00  }
0x93: {  	[tilespmem:s9], [sflag:$0xA] =	stream.indirect.gather [hbm4b:s1+s26], $0x80, s0, s26, $0xb8;
	[tilespmem:$0x15800] =	vst v63  }
0x94: {  	s0 =	smov.u32 s2  }
0x95: {  	p0 =	sne.s32 s2, $0xC800;
	s2 =	sadd.s32 $0x1400, s2;
	_ =	swait.ge [sflag:s11], $0x1900  }
0x96: {  	[sflag:s11] =	ssyncset.done $0x0  }
0x97: {  	s31 =	sadd.s32 $0xFFFFF200, s29;
	s8 =	simm.s32 $0x7800;
	[sflag:s11] =	ssyncadd.s32 $0xFFFFE700  }
0x98: {  	[hbm4b:s31+s3] =	stream.linear.scatter [tilespmem:s8], [sflag:$0xD], $0x1900, $0x38;
	[tilespmem:$0x15800] =	vst v63  }
0x99: {  	_ =	swait.ge [sflag:s12], $0x1900  }
0x9a: {  	s0 =	sshra.s32 s0, $0x2;
	[sflag:s12] =	ssyncset.done $0x0  }
0x9b: {  	s5 =	simm.s32 $0x4000;
	s31 =	sadd.s32 $0x500, s0;
	[sflag:s12] =	ssyncadd.s32 $0xFFFFE700  }
0x9c: {  	[tilespmem:s5], [sflag:$0x1] =	stream.indirect.gather [hbm4b:s1+s26], $0x80, s31, s26, $0xb8;
	[tilespmem:$0x15800] =	vst v63  }
0x9d: {  	_ =	swait.ge [sflag:s13], $0x1900  }
0x9e: {  	[sflag:s13] =	ssyncset.done $0x0  }
0x9f: {  	s10 =	simm.s32 $0x9400;
	s31 =	sadd.s32 $0xFFFFF580, s29;
	[sflag:s13] =	ssyncadd.s32 $0xFFFFE700  }
0xa0: {  	[hbm4b:s31+s3] =	stream.linear.scatter [tilespmem:s10], [sflag:$0xE], $0x1900, $0x38;
	[tilespmem:$0x15800] =	vst v63  }
0xa1: {  	_ =	swait.ge [sflag:s14], $0x1900  }
0xa2: {  	[sflag:s14] =	ssyncset.done $0x0  }
0xa3: {  	s6 =	simm.s32 $0x5C00;
	s31 =	sadd.s32 $0x580, s0;
	[sflag:s14] =	ssyncadd.s32 $0xFFFFE700  }
0xa4: {  	[tilespmem:s6], [sflag:$0x2] =	stream.indirect.gather [hbm4b:s1+s26], $0x80, s31, s26, $0xb8;
	[tilespmem:$0x15800] =	vst v63  }
0xa5: {  	_ =	swait.ge [sflag:s15], $0x1900  }
0xa6: {  	[sflag:s15] =	ssyncset.done $0x0  }
0xa7: {  	s7 =	simm.s32 $0xB000;
	s31 =	sadd.s32 $0xFFFFF900, s29;
	[sflag:s15] =	ssyncadd.s32 $0xFFFFE700  }
0xa8: {  	[hbm4b:s31+s3] =	stream.linear.scatter [tilespmem:s7], [sflag:$0xF], $0x1900, $0x38;
	[tilespmem:$0x15800] =	vst v63  }
0xa9: {  	_ =	swait.ge [sflag:s16], $0x1900  }
0xaa: {  	[sflag:s16] =	ssyncset.done $0x0  }
0xab: {  	s31 =	sadd.s32 $0x600, s0;
	[sflag:s16] =	ssyncadd.s32 $0xFFFFE700  }
0xac: {  	[tilespmem:s8], [sflag:$0x3] =	stream.indirect.gather [hbm4b:s1+s26], $0x80, s31, s26, $0xb8;
	[tilespmem:$0x15800] =	vst v63  }
0xad: {  	_ =	swait.ge [sflag:s17], $0x1900  }
0xae: {  	[sflag:s17] =	ssyncset.done $0x0  }
0xaf: {  	s31 =	sadd.s32 $0xFFFFFC80, s29;
	s8 =	simm.s32 $0xCC00;
	[sflag:s17] =	ssyncadd.s32 $0xFFFFE700  }
0xb0: {  	[hbm4b:s31+s3] =	stream.linear.scatter [tilespmem:s8], [sflag:$0x10], $0x1900, $0x38;
	[tilespmem:$0x15800] =	vst v63  }
0xb1: {  	_ =	swait.ge [sflag:s4], $0x1900  }
0xb2: {  	[sflag:s4] =	ssyncset.done $0x0  }
0xb3: {  	s31 =	sadd.s32 $0x680, s0;
	[sflag:s4] =	ssyncadd.s32 $0xFFFFE700  }
0xb4: {  	[tilespmem:s10], [sflag:$0x4] =	stream.indirect.gather [hbm4b:s1+s26], $0x80, s31, s26, $0xb8;
	[tilespmem:$0x15800] =	vst v63  }
0xb5: {  	_ =	swait.ge [sflag:s18], $0x1900  }
0xb6: {  	[sflag:s18] =	ssyncset.done $0x0  }
0xb7: {  	s10 =	simm.s32 $0xE800;
	[sflag:s18] =	ssyncadd.s32 $0xFFFFE700  }
0xb8: {  	[hbm4b:s29+s3] =	stream.linear.scatter [tilespmem:s10], [sflag:$0x11], $0x1900, $0x38;
	[tilespmem:$0x15800] =	vst v63  }
0xb9: {  	_ =	swait.ge [sflag:s19], $0x1900  }
0xba: {  	[sflag:s19] =	ssyncset.done $0x0  }
0xbb: {  	s31 =	sadd.s32 $0x700, s0;
	[sflag:s19] =	ssyncadd.s32 $0xFFFFE700  }
0xbc: {  	[tilespmem:s7], [sflag:$0x5] =	stream.indirect.gather [hbm4b:s1+s26], $0x80, s31, s26, $0xb8;
	[tilespmem:$0x15800] =	vst v63  }
0xbd: {  	_ =	swait.ge [sflag:s20], $0x1900  }
0xbe: {  	[sflag:s20] =	ssyncset.done $0x0  }
0xbf: {  	s31 =	sadd.s32 $0x380, s29;
	s7 =	simm.s32 $0x10400;
	[sflag:s20] =	ssyncadd.s32 $0xFFFFE700  }
0xc0: {  	[hbm4b:s31+s3] =	stream.linear.scatter [tilespmem:s7], [sflag:$0x12], $0x1900, $0x38;
	[tilespmem:$0x15800] =	vst v63  }
0xc1: {  	_ =	swait.ge [sflag:s21], $0x1900  }
0xc2: {  	[sflag:s21] =	ssyncset.done $0x0  }
0xc3: {  	s31 =	sadd.s32 $0x780, s0;
	[sflag:s21] =	ssyncadd.s32 $0xFFFFE700  }
0xc4: {  	[tilespmem:s8], [sflag:$0x6] =	stream.indirect.gather [hbm4b:s1+s26], $0x80, s31, s26, $0xb8;
	[tilespmem:$0x15800] =	vst v63  }
0xc5: {  	_ =	swait.ge [sflag:s22], $0x1900  }
0xc6: {  	[sflag:s22] =	ssyncset.done $0x0  }
0xc7: {  	s31 =	sadd.s32 $0x700, s29;
	s8 =	simm.s32 $0x12000;
	[sflag:s22] =	ssyncadd.s32 $0xFFFFE700  }
0xc8: {  	[hbm4b:s31+s3] =	stream.linear.scatter [tilespmem:s8], [sflag:$0x13], $0x1900, $0x38;
	[tilespmem:$0x15800] =	vst v63  }
0xc9: {  	_ =	swait.ge [sflag:s23], $0x1900  }
0xca: {  	[sflag:s23] =	ssyncset.done $0x0  }
0xcb: {  	s31 =	sadd.s32 $0x800, s0;
	[sflag:s23] =	ssyncadd.s32 $0xFFFFE700  }
0xcc: {  	[tilespmem:s10], [sflag:$0x7] =	stream.indirect.gather [hbm4b:s1+s26], $0x80, s31, s26, $0xb8;
	[tilespmem:$0x15800] =	vst v63  }
0xcd: {  	_ =	swait.ge [sflag:s25], $0x1900  }
0xce: {  	[sflag:s25] =	ssyncset.done $0x0  }
0xcf: {  	s31 =	sadd.s32 $0xA80, s29;
	[sflag:s25] =	ssyncadd.s32 $0xFFFFE700  }
0xd0: {  	[hbm4b:s31+s3] =	stream.linear.scatter [tilespmem:s9], [sflag:$0x14], $0x1900, $0x38;
	[tilespmem:$0x15800] =	vst v63  }
0xd1: {  	_ =	swait.ge [sflag:s24], $0x1900  }
0xd2: {  	[sflag:s24] =	ssyncset.done $0x0  }
0xd3: {  	s31 =	sadd.s32 $0x880, s0;
	[sflag:s24] =	ssyncadd.s32 $0xFFFFE700  }
0xd4: {  	[tilespmem:s7], [sflag:$0x8] =	stream.indirect.gather [hbm4b:s1+s26], $0x80, s31, s26, $0xb8;
	[tilespmem:$0x15800] =	vst v63  }
0xd5: {  	s7 =	simm.s32 $0x1  }
0xd6: {  	_ =	swait.ge [sflag:s7], $0x1900  }
0xd7: {  	[sflag:s7] =	ssyncset.done $0x0  }
0xd8: {  	s31 =	sadd.s32 $0xE00, s29;
	[sflag:s7] =	ssyncadd.s32 $0xFFFFE700  }
0xd9: {  	[hbm4b:s31+s3] =	stream.linear.scatter [tilespmem:s5], [sflag:$0xB], $0x1900, $0x38;
	[tilespmem:$0x15800] =	vst v63  }
0xda: {  	_ =	swait.ge [sflag:s28], $0x1900  }
0xdb: {  	s7 =	simm.s32 $0x2;
	[sflag:s28] =	ssyncset.done $0x0  }
0xdc: {  	s31 =	sadd.s32 $0x900, s0;
	s5 =	simm.s32 $0x12000;
	[sflag:s28] =	ssyncadd.s32 $0xFFFFE700  }
0xdd: {  	[tilespmem:s8], [sflag:$0x9] =	stream.indirect.gather [hbm4b:s1+s26], $0x80, s31, s26, $0xb8;
	[tilespmem:$0x15800] =	vst v63  }
0xde: {  	_ =	swait.ge [sflag:s7], $0x1900  }
0xdf: {  	[sflag:s7] =	ssyncset.done $0x0  }
.Ltmp0:
0xe0: {  	s31 =	sadd.s32 $0x1180, s29;
	[sflag:s7] =	ssyncadd.s32 $0xFFFFE700;
	(pc) =	sbr.rel @p0 .LBB2_2-.Ltmp0, $4  }
0xe1: {  	[hbm4b:s31+s3] =	stream.linear.scatter [tilespmem:s6], [sflag:$0xC], $0x1900, $0x38;
	[tilespmem:$0x15800] =	vst v63  }
0xe2: {  	_ =	swait.ge [sflag:s30], $0x1900  }
0xe3: {  	[sflag:s30] =	ssyncset.done $0x0  }
0xe4: {  	s0 =	sadd.s32 $0x980, s0;
	s29 =	sadd.s32 $0x2300, s29;
	[sflag:s30] =	ssyncadd.s32 $0xFFFFE700  }
0xe5: {  	s9 =	simm.s32 $0x13C00  }
0xe6: {  	[tilespmem:s9], [sflag:$0xA] =	stream.indirect.gather [hbm4b:s1+s26], $0x80, s0, s26, $0xb8;
	[tilespmem:$0x15800] =	vst v63  }
0xe7: {  	_ =	swait.ge [sflag:s11], $0x1900  }
0xe8: {  	[sflag:s11] =	ssyncset.done $0x0  }
0xe9: {  	s6 =	simm.s32 $0x7800;
	s8 =	rddreg [dreg:$0x7];
	[sflag:s11] =	ssyncadd.s32 $0xFFFFE700  }
0xea: {  	[hbm4b:s8+s3] =	stream.linear.scatter [tilespmem:s6], [sflag:$0xD], $0x1900, $0x38;
	[tilespmem:$0x15800] =	vst v63  }
0xeb: {  	_ =	swait.ge [sflag:s12], $0x1900  }
0xec: {  	[sflag:s12] =	ssyncset.done $0x0  }
0xed: {  	s2 =	simm.s32 $0x4000;
	s10 =	simm.s32 $0x3C00;
	[sflag:s12] =	ssyncadd.s32 $0xFFFFE700  }
0xee: {  	[tilespmem:s2], [sflag:$0x1] =	stream.indirect.gather [hbm4b:s1+s26], $0x80, s10, s26, $0xb8;
	[tilespmem:$0x15800] =	vst v63  }
0xef: {  	_ =	swait.ge [sflag:s13], $0x1900  }
0xf0: {  	[sflag:s13] =	ssyncset.done $0x0  }
0xf1: {  	s8 =	simm.s32 $0x9400;
	s29 =	rddreg [dreg:$0x8];
	[sflag:s13] =	ssyncadd.s32 $0xFFFFE700  }
0xf2: {  	[hbm4b:s29+s3] =	stream.linear.scatter [tilespmem:s8], [sflag:$0xE], $0x1900, $0x38;
	[tilespmem:$0x15800] =	vst v63  }
0xf3: {  	_ =	swait.ge [sflag:s14], $0x1900  }
0xf4: {  	[sflag:s14] =	ssyncset.done $0x0  }
0xf5: {  	s31 =	simm.s32 $0x3C80;
	s2 =	simm.s32 $0x5C00;
	[sflag:s14] =	ssyncadd.s32 $0xFFFFE700  }
0xf6: {  	[tilespmem:s2], [sflag:$0x2] =	stream.indirect.gather [hbm4b:s1+s26], $0x80, s31, s26, $0xb8;
	[tilespmem:$0x15800] =	vst v63  }
0xf7: {  	_ =	swait.ge [sflag:s15], $0x1900  }
0xf8: {  	[sflag:s15] =	ssyncset.done $0x0  }
0xf9: {  	s10 =	simm.s32 $0xB000;
	s7 =	rddreg [dreg:$0x9];
	[sflag:s15] =	ssyncadd.s32 $0xFFFFE700  }
0xfa: {  	[hbm4b:s7+s3] =	stream.linear.scatter [tilespmem:s10], [sflag:$0xF], $0x1900, $0x38;
	[tilespmem:$0x15800] =	vst v63  }
0xfb: {  	_ =	swait.ge [sflag:s16], $0x1900  }
0xfc: {  	[sflag:s16] =	ssyncset.done $0x0  }
0xfd: {  	s29 =	simm.s32 $0x3D00;
	[sflag:s16] =	ssyncadd.s32 $0xFFFFE700  }
0xfe: {  	[tilespmem:s6], [sflag:$0x3] =	stream.indirect.gather [hbm4b:s1+s26], $0x80, s29, s26, $0xb8;
	[tilespmem:$0x15800] =	vst v63  }
0xff: {  	_ =	swait.ge [sflag:s17], $0x1900  }
0x100: {  	[sflag:s17] =	ssyncset.done $0x0  }
0x101: {  	s7 =	simm.s32 $0xCC00;
	s31 =	rddreg [dreg:$0xa];
	[sflag:s17] =	ssyncadd.s32 $0xFFFFE700  }
0x102: {  	[hbm4b:s31+s3] =	stream.linear.scatter [tilespmem:s7], [sflag:$0x10], $0x1900, $0x38;
	[tilespmem:$0x15800] =	vst v63  }
0x103: {  	_ =	swait.ge [sflag:s4], $0x1900  }
0x104: {  	[sflag:s4] =	ssyncset.done $0x0  }
0x105: {  	s29 =	simm.s32 $0x3D80;
	[sflag:s4] =	ssyncadd.s32 $0xFFFFE700  }
0x106: {  	[tilespmem:s8], [sflag:$0x4] =	stream.indirect.gather [hbm4b:s1+s26], $0x80, s29, s26, $0xb8;
	[tilespmem:$0x15800] =	vst v63  }
0x107: {  	_ =	swait.ge [sflag:s18], $0x1900  }
0x108: {  	[sflag:s18] =	ssyncset.done $0x0  }
0x109: {  	s29 =	simm.s32 $0xE800;
	s31 =	rddreg [dreg:$0xb];
	[sflag:s18] =	ssyncadd.s32 $0xFFFFE700  }
0x10a: {  	[hbm4b:s31+s3] =	stream.linear.scatter [tilespmem:s29], [sflag:$0x11], $0x1900, $0x38;
	[tilespmem:$0x15800] =	vst v63  }
0x10b: {  	_ =	swait.ge [sflag:s19], $0x1900  }
0x10c: {  	[sflag:s19] =	ssyncset.done $0x0  }
0x10d: {  	s31 =	simm.s32 $0x3E00;
	[sflag:s19] =	ssyncadd.s32 $0xFFFFE700  }
0x10e: {  	[tilespmem:s10], [sflag:$0x5] =	stream.indirect.gather [hbm4b:s1+s26], $0x80, s31, s26, $0xb8;
	[tilespmem:$0x15800] =	vst v63  }
0x10f: {  	_ =	swait.ge [sflag:s20], $0x1900  }
0x110: {  	[sflag:s20] =	ssyncset.done $0x0  }
0x111: {  	s31 =	simm.s32 $0x10400;
	s0 =	rddreg [dreg:$0xc];
	[sflag:s20] =	ssyncadd.s32 $0xFFFFE700  }
0x112: {  	[hbm4b:s0+s3] =	stream.linear.scatter [tilespmem:s31], [sflag:$0x12], $0x1900, $0x38;
	[tilespmem:$0x15800] =	vst v63  }
0x113: {  	_ =	swait.ge [sflag:s21], $0x1900  }
0x114: {  	[sflag:s21] =	ssyncset.done $0x0  }
0x115: {  	s0 =	simm.s32 $0x3E80;
	[sflag:s21] =	ssyncadd.s32 $0xFFFFE700  }
0x116: {  	[tilespmem:s7], [sflag:$0x6] =	stream.indirect.gather [hbm4b:s1+s26], $0x80, s0, s26, $0xb8;
	[tilespmem:$0x15800] =	vst v63  }
0x117: {  	_ =	swait.ge [sflag:s22], $0x1900  }
0x118: {  	[sflag:s22] =	ssyncset.done $0x0  }
0x119: {  	s0 =	rddreg [dreg:$0xd];
	[sflag:s22] =	ssyncadd.s32 $0xFFFFE700  }
0x11a: {  	[hbm4b:s0+s3] =	stream.linear.scatter [tilespmem:s5], [sflag:$0x13], $0x1900, $0x38;
	[tilespmem:$0x15800] =	vst v63  }
0x11b: {  	_ =	swait.ge [sflag:s23], $0x1900  }
0x11c: {  	[sflag:s23] =	ssyncset.done $0x0  }
0x11d: {  	s5 =	simm.s32 $0x3F00;
	[sflag:s23] =	ssyncadd.s32 $0xFFFFE700  }
0x11e: {  	[tilespmem:s29], [sflag:$0x7] =	stream.indirect.gather [hbm4b:s1+s26], $0x80, s5, s26, $0xb8;
	[tilespmem:$0x15800] =	vst v63  }
0x11f: {  	_ =	swait.ge [sflag:s25], $0x1900  }
0x120: {  	[sflag:s25] =	ssyncset.done $0x0  }
0x121: {  	s5 =	rddreg [dreg:$0xe];
	[sflag:s25] =	ssyncadd.s32 $0xFFFFE700  }
0x122: {  	[hbm4b:s5+s3] =	stream.linear.scatter [tilespmem:s9], [sflag:$0x14], $0x1900, $0x38;
	[tilespmem:$0x15800] =	vst v63  }
0x123: {  	_ =	swait.ge [sflag:s24], $0x1900  }
0x124: {  	[sflag:s24] =	ssyncset.done $0x0  }
0x125: {  	s5 =	simm.s32 $0x3F80;
	s9 =	simm.s32 $0x1;
	[sflag:s24] =	ssyncadd.s32 $0xFFFFE700  }
0x126: {  	[tilespmem:s31], [sflag:$0x8] =	stream.indirect.gather [hbm4b:s1+s26], $0x80, s5, s26, $0xb8;
	[tilespmem:$0x15800] =	vst v63  }
0x127: {  	_ =	swait.ge [sflag:s9], $0x1900  }
0x128: {  	[sflag:s9] =	ssyncset.done $0x0  }
0x129: {  	s5 =	rddreg [dreg:$0xf];
	[sflag:s9] =	ssyncadd.s32 $0xFFFFE700;
	s9 =	simm.s32 $0x4000  }
0x12a: {  	[hbm4b:s5+s3] =	stream.linear.scatter [tilespmem:s9], [sflag:$0xB], $0x1900, $0x38;
	[tilespmem:$0x15800] =	vst v63  }
0x12b: {  	s5 =	simm.s32 $0x2  }
0x12c: {  	_ =	swait.ge [sflag:s5], $0x1900  }
0x12d: {  	[sflag:s5] =	ssyncset.done $0x0  }
0x12e: {  	s9 =	rddreg [dreg:$0x10];
	[sflag:s5] =	ssyncadd.s32 $0xFFFFE700  }
0x12f: {  	[hbm4b:s9+s3] =	stream.linear.scatter [tilespmem:s2], [sflag:$0xC], $0x1900, $0x38;
	[tilespmem:$0x15800] =	vst v63  }
0x130: {  	_ =	swait.ge [sflag:s11], $0x1900  }
0x131: {  	[sflag:s11] =	ssyncset.done $0x0  }
0x132: {  	s2 =	rddreg [dreg:$0x11];
	[sflag:s11] =	ssyncadd.s32 $0xFFFFE700  }
0x133: {  	[hbm4b:s2+s3] =	stream.linear.scatter [tilespmem:s6], [sflag:$0xD], $0x1900, $0x38;
	[tilespmem:$0x15800] =	vst v63  }
0x134: {  	_ =	swait.ge [sflag:s13], $0x1900  }
0x135: {  	[sflag:s13] =	ssyncset.done $0x0  }
0x136: {  	s5 =	rddreg [dreg:$0x12];
	[sflag:s13] =	ssyncadd.s32 $0xFFFFE700  }
0x137: {  	[hbm4b:s5+s3] =	stream.linear.scatter [tilespmem:s8], [sflag:$0xE], $0x1900, $0x38;
	[tilespmem:$0x15800] =	vst v63  }
0x138: {  	_ =	swait.ge [sflag:s15], $0x1900  }
0x139: {  	[sflag:s15] =	ssyncset.done $0x0  }
0x13a: {  	s6 =	rddreg [dreg:$0x13];
	[sflag:s15] =	ssyncadd.s32 $0xFFFFE700  }
0x13b: {  	[hbm4b:s6+s3] =	stream.linear.scatter [tilespmem:s10], [sflag:$0xF], $0x1900, $0x38;
	[tilespmem:$0x15800] =	vst v63  }
0x13c: {  	_ =	swait.ge [sflag:s17], $0x1900  }
0x13d: {  	[sflag:s17] =	ssyncset.done $0x0  }
0x13e: {  	s8 =	rddreg [dreg:$0x14];
	[sflag:s17] =	ssyncadd.s32 $0xFFFFE700  }
0x13f: {  	[hbm4b:s8+s3] =	stream.linear.scatter [tilespmem:s7], [sflag:$0x10], $0x1900, $0x38;
	[tilespmem:$0x15800] =	vst v63  }
0x140: {  	_ =	swait.ge [sflag:s18], $0x1900  }
0x141: {  	[sflag:s18] =	ssyncset.done $0x0  }
0x142: {  	s9 =	rddreg [dreg:$0x15];
	[sflag:s18] =	ssyncadd.s32 $0xFFFFE700  }
0x143: {  	[hbm4b:s9+s3] =	stream.linear.scatter [tilespmem:s29], [sflag:$0x11], $0x1900, $0x38;
	[tilespmem:$0x15800] =	vst v63  }
0x144: {  	_ =	swait.ge [sflag:s20], $0x1900  }
0x145: {  	[sflag:s20] =	ssyncset.done $0x0  }
0x146: {  	s10 =	rddreg [dreg:$0x16];
	[sflag:s20] =	ssyncadd.s32 $0xFFFFE700  }
0x147: {  	[hbm4b:s10+s3] =	stream.linear.scatter [tilespmem:s31], [sflag:$0x12], $0x1900, $0x38;
	[tilespmem:$0x15800] =	vst v63  }
0x148: {  	_ =	swait.ge [sflag:s12], $0x1900  }
0x149: {  	[sflag:s12] =	ssyncset.done $0x0  }
0x14a: {  	[sflag:s12] =	ssyncadd.s32 $0xFFFFE700  }
0x14b: {  	_ =	swait.ge [sflag:s14], $0x1900  }
0x14c: {  	[sflag:s14] =	ssyncset.done $0x0  }
0x14d: {  	[sflag:s14] =	ssyncadd.s32 $0xFFFFE700  }
0x14e: {  	_ =	swait.ge [sflag:s16], $0x1900  }
0x14f: {  	[sflag:s16] =	ssyncset.done $0x0  }
0x150: {  	[sflag:s16] =	ssyncadd.s32 $0xFFFFE700  }
0x151: {  	_ =	swait.ge [sflag:s4], $0x1900  }
0x152: {  	[sflag:s4] =	ssyncset.done $0x0  }
0x153: {  	[sflag:s4] =	ssyncadd.s32 $0xFFFFE700  }
0x154: {  	_ =	swait.ge [sflag:s19], $0x1900  }
0x155: {  	[sflag:s19] =	ssyncset.done $0x0  }
0x156: {  	[sflag:s19] =	ssyncadd.s32 $0xFFFFE700  }
0x157: {  	_ =	swait.ge [sflag:s21], $0x1900  }
0x158: {  	[sflag:s21] =	ssyncset.done $0x0  }
0x159: {  	[sflag:s21] =	ssyncadd.s32 $0xFFFFE700  }
0x15a: {  	_ =	swait.ge [sflag:s23], $0x1900  }
0x15b: {  	[sflag:s23] =	ssyncset.done $0x0  }
0x15c: {  	[sflag:s23] =	ssyncadd.s32 $0xFFFFE700  }
0x15d: {  	_ =	swait.ge [sflag:s24], $0x1900  }
0x15e: {  	[sflag:s24] =	ssyncset.done $0x0  }
0x15f: {  	[sflag:s24] =	ssyncadd.s32 $0xFFFFE700  }
0x160: {  	_ =	swait.ge [sflag:s28], $0x1900  }
0x161: {  	[sflag:s28] =	ssyncset.done $0x0  }
0x162: {  	[sflag:s28] =	ssyncadd.s32 $0xFFFFE700  }
0x163: {  	_ =	swait.ge [sflag:s30], $0x1900  }
0x164: {  	s29 =	rddreg [dreg:$0x19]  }
0x165: {  	s31 =	rddreg [dreg:$0x17];
	s2 =	sadd.s32 $0x1, s29  }
0x166: {  	p0 =	sne.s32 s2, s31  }
.Ltmp1:
0x167: {  	_ = 	snop;
	(pc) =	sbr.rel @p0 .LBB2_1-.Ltmp1, $3  }
0x168: {  	_ =	sdelay $0x1  }
0x169: {  	[sflag:s30] =	ssyncset.done $0x0  }
0x16a: {  	[sflag:s30] =	ssyncadd.s32 $0xFFFFE700  }
0x16b: {  	_ =	sfence.sel $0x180000  }
0x16c: {  	[bflag:$0x0] =	sbarrier.arrive $0xFFFF  }
0x16d: {  	_ =	strace $0x90000047  }
0x16e: {  	s0 =	stileid.u32;
	[bflag:$0x2] =	sbarrier.arrive $0xFFFF  }
0x16f: {  	p0 =	sne.s32 s0, $0x0;
	s0 =	rddreg [dreg:$0x3]  }
0x170: {  	s0 =	sadd.s32 @!p0 $0x100000, s0  }
0x171: {  	[sflag:s0] =	ssyncadd.tile.s32 @!p0 $0x1;
	_ =	shalt  }
.Lfunc_end2:
_tile_overlayer_lowered:
.L_overlay_start_2:
0x172: {  	(tag) =	ssettag $0x2  }
0x173: {  	s0 =	rddreg [dreg:$0x0];
	s2 =	stileid.u32  }
0x174: {  	s1 =	rddreg [dreg:$0x1];
	p0 =	sne.s32 s2, $0x0  }
0x175: {  	s3 =	rddreg [dreg:$0x2];
	[bflag:$0x3] =	sbarrier.arrive $0xFFFF;
	s2 =	simm.s32 @!p0 $0x1C15  }
0x176: {  	[timem:s3], [sflag:s2] =	dma.local @!p0 [hbm:s0], s1  }
0x177: {  	s0 =	simm.s32 @!p0 $0x15  }
0x178: {  	_ =	swait.ge @!p0 [sflag:s0], s1  }
0x179: {  	s1 =	ssub.s32 @!p0 $0x0, s1;
	[sflag:s0] =	ssyncset.done @!p0 $0x0  }
0x17a: {  	[sflag:s0] =	ssyncadd.s32 @!p0 s1  }
0x17b: {  	[bflag:$0x3] =	sbarrier.arrive $0xFFFF  }
0x17c: {  	_ =	shalt  }

</sc_bundles>
